<compile_context>
chip_gen: v7x
topology: tpu7x:2x2x1
jax: 0.10.2.dev20260603
libtpu: 0.0.44.dev20260713+nightly
codegen_flags: <defaults>
</compile_context>

<pallas_src>
import functools

import jax
import jax.numpy as jnp
from jax import lax
from jax.experimental import pallas as pl
from jax.experimental.pallas import tpu as pltpu
from jax.experimental.pallas import tpu_sc as plsc

_LEAK = 0.2


def _topk_proj(xt, xT, k, Tn):
    B, N, C = xt.shape
    nT = N // Tn

    def body(xt_t_ref, xT_ref, idx_ref):
        b = pl.program_id(0)
        xt_t = xt_t_ref[0]
        xT_a = xT_ref[0]
        sq_t = jnp.sum(xt_t * xt_t, axis=1, keepdims=True)
        sq_a = jnp.sum(xT_a * xT_a, axis=0, keepdims=True)
        cross = lax.dot_general(
            xt_t.astype(jnp.bfloat16),
            xT_a.astype(jnp.bfloat16),
            (((1,), (0,)), ((), ())),
            preferred_element_type=jnp.float32)
        d = (sq_t + sq_a) - 2.0 * cross
        iota = lax.broadcasted_iota(jnp.int32, (Tn, N), 1)
        cols = []
        for _ in range(k):
            mval = jnp.min(d, axis=1, keepdims=True)
            j = jnp.min(jnp.where(d == mval, iota, N), axis=1, keepdims=True)
            cols.append(j)
            d = jnp.where(iota == j, jnp.float32(jnp.inf), d)
        idx_ref[0] = jnp.concatenate(cols, axis=1) + b * N

    return pl.pallas_call(
        body,
        grid=(B, nT),
        in_specs=[
            pl.BlockSpec((1, Tn, C), lambda b, t: (b, t, 0)),
            pl.BlockSpec((1, C, N), lambda b, t: (b, 0, 0)),
        ],
        out_specs=pl.BlockSpec((1, Tn, k), lambda b, t: (b, t, 0)),
        out_shape=jax.ShapeDtypeStruct((B, N, k), jnp.int32),
    )(xt, xT)


def _sc_gather(table, idx):
    R = idx.shape[0]
    V, O = table.shape
    info = plsc.get_sparse_core_info()
    NW = info.num_cores * info.num_subcores
    bpw = R // NW
    chunk = min(bpw, 128)
    nch = bpw // chunk
    mesh = plsc.VectorSubcoreMesh(core_axis_name="c", subcore_axis_name="s")

    @functools.partial(
        pl.kernel,
        mesh=mesh,
        compiler_params=pltpu.CompilerParams(use_tc_tiling_on_sc=False),
        out_type=jax.ShapeDtypeStruct((R, O), jnp.float32),
        scratch_types=[
            pltpu.VMEM((chunk,), jnp.int32),
            pltpu.VMEM((chunk, O), jnp.float32),
            pltpu.SemaphoreType.DMA,
        ],
    )
    def gk(table_hbm, idx_hbm, out_hbm, idx_v, rows_v, sem):
        wid = lax.axis_index("s") * info.num_cores + lax.axis_index("c")
        base = wid * bpw

        def step(c, carry):
            off = base + c * chunk
            pltpu.sync_copy(idx_hbm.at[pl.ds(off, chunk)], idx_v)
            pltpu.async_copy(table_hbm.at[idx_v], rows_v, sem).wait()
            pltpu.sync_copy(rows_v, out_hbm.at[pl.ds(off, chunk)])
            return carry

        lax.fori_loop(0, nch, step, 0)

    return gk(table, idx)


def _conv_max_stats(nbr, xt, W, k, Cpad, Tm):
    B, N, KC = nbr.shape
    C = xt.shape[2]
    O = W.shape[1]
    nT = N // Tm

    def body(g_ref, xt_ref, w_ref, maxh_ref, s_ref, q_ref):
        b = pl.program_id(0)
        t = pl.program_id(1)
        g = g_ref[0]
        x = xt_ref[0]
        wb = w_ref[...].astype(jnp.bfloat16)
        mx = None
        s = None
        sq = None
        for kk in range(k):
            nbrk = g[:, kk * Cpad:kk * Cpad + C]
            feat = jnp.concatenate([nbrk - x, x], axis=1)
            h = lax.dot_general(
                feat.astype(jnp.bfloat16), wb,
                (((1,), (0,)), ((), ())),
                preferred_element_type=jnp.float32)
            if kk == 0:
                mx = h
                s = h
                sq = h * h
            else:
                mx = jnp.maximum(mx, h)
                s = s + h
                sq = sq + h * h
        maxh_ref[0] = mx
        ps = jnp.sum(s, axis=0, keepdims=True)
        pq = jnp.sum(sq, axis=0, keepdims=True)

        @pl.when(jnp.logical_and(b == 0, t == 0))
        def _init():
            s_ref[...] = jnp.zeros(s_ref.shape, s_ref.dtype)
            q_ref[...] = jnp.zeros(q_ref.shape, q_ref.dtype)

        s_ref[...] += ps
        q_ref[...] += pq

    return pl.pallas_call(
        body,
        grid=(B, nT),
        in_specs=[
            pl.BlockSpec((1, Tm, KC), lambda b, t: (b, t, 0)),
            pl.BlockSpec((1, Tm, C), lambda b, t: (b, t, 0)),
            pl.BlockSpec((2 * C, O), lambda b, t: (0, 0)),
        ],
        out_specs=[
            pl.BlockSpec((1, Tm, O), lambda b, t: (b, t, 0)),
            pl.BlockSpec((1, O), lambda b, t: (0, 0)),
            pl.BlockSpec((1, O), lambda b, t: (0, 0)),
        ],
        out_shape=[
            jax.ShapeDtypeStruct((B, N, O), jnp.float32),
            jax.ShapeDtypeStruct((1, O), jnp.float32),
            jax.ShapeDtypeStruct((1, O), jnp.float32),
        ],
    )(nbr, xt, W)


def _norm_leaky(x, scale, shift):
    B, N, O = x.shape
    Tn = min(N, 512)
    nT = N // Tn

    def body(x_ref, sc_ref, sh_ref, o_ref):
        v = x_ref[0] * sc_ref[...] + sh_ref[...]
        o_ref[0] = jnp.where(v > 0, v, _LEAK * v)

    return pl.pallas_call(
        body,
        grid=(B, nT),
        in_specs=[
            pl.BlockSpec((1, Tn, O), lambda b, t: (b, t, 0)),
            pl.BlockSpec((1, O), lambda b, t: (0, 0)),
            pl.BlockSpec((1, O), lambda b, t: (0, 0)),
        ],
        out_specs=pl.BlockSpec((1, Tn, O), lambda b, t: (b, t, 0)),
        out_shape=jax.ShapeDtypeStruct((B, N, O), jnp.float32),
    )(x, scale, shift)


def _fps(xc, m):
    _, B, N = xc.shape

    def body(x_ref, idx_ref):
        x0 = x_ref[0]
        x1 = x_ref[1]
        x2 = x_ref[2]
        iota_n = lax.broadcasted_iota(jnp.int32, (B, N), 1)
        iota_m = lax.broadcasted_iota(jnp.int32, (B, m), 1)
        rowbase = lax.broadcasted_iota(jnp.int32, (B, 1), 0) * N
        dists0 = jnp.full((B, N), jnp.inf, jnp.float32)
        idx0 = jnp.broadcast_to(rowbase, (B, m))
        last0 = jnp.zeros((B, 1), jnp.int32)

        def step(i, st):
            dists, idxa, last = st
            sel = iota_n == last
            p0 = jnp.sum(jnp.where(sel, x0, 0.0), axis=1, keepdims=True)
            p1 = jnp.sum(jnp.where(sel, x1, 0.0), axis=1, keepdims=True)
            p2 = jnp.sum(jnp.where(sel, x2, 0.0), axis=1, keepdims=True)
            d0 = x0 - p0
            d1 = x1 - p1
            d2 = x2 - p2
            d = d0 * d0 + d1 * d1 + d2 * d2
            dists = jnp.minimum(dists, d)
            mval = jnp.max(dists, axis=1, keepdims=True)
            nxt = jnp.min(jnp.where(dists == mval, iota_n, N), axis=1,
                          keepdims=True)
            idxa = jnp.where(iota_m == i, nxt + rowbase, idxa)
            return dists, idxa, nxt

        _, idxa, _ = lax.fori_loop(1, m, step, (dists0, idx0, last0))
        idx_ref[...] = idxa

    return pl.pallas_call(
        body,
        in_specs=[pl.BlockSpec((3, B, N), lambda: (0, 0, 0))],
        out_specs=pl.BlockSpec((B, m), lambda: (0, 0)),
        out_shape=jax.ShapeDtypeStruct((B, m), jnp.int32),
    )(xc)


def _edge_conv_stage(xt, xT, W, g, bb, k, Tn):
    B, N, C = xt.shape
    O = W.shape[1]
    Cpad = max(8, C)
    idx = _topk_proj(xt, xT, k, Tn)
    if Cpad != C:
        table = jnp.pad(xt.reshape(B * N, C), ((0, 0), (0, Cpad - C)))
    else:
        table = xt.reshape(B * N, C)
    nbr = _sc_gather(table, idx.reshape(-1))
    maxh, s, q = _conv_max_stats(nbr.reshape(B, N, k * Cpad), xt, W, k,
                                 Cpad, min(N, 256))
    cnt = B * N * k
    mean = s[0] / cnt
    var = q[0] / cnt - mean * mean
    scale = g / jnp.sqrt(var + 1e-5)
    shift = bb - mean * scale
    return maxh, scale.reshape(1, O), shift.reshape(1, O)


def kernel(input, W1, g1, b1, W2, g2, b2, W3, g3, b3):
    B, _, N = input.shape
    m = 512
    xt0 = jnp.transpose(input, (0, 2, 1))

    maxh1, sc1, sh1 = _edge_conv_stage(xt0, input, W1, g1, b1, 16, 256)
    fidx = _fps(jnp.transpose(input, (1, 0, 2)), m)
    mh1g = _sc_gather(maxh1.reshape(B * N, 64), fidx.reshape(-1))
    x1t = _norm_leaky(mh1g.reshape(B, m, 64), sc1, sh1)

    x1T = jnp.transpose(x1t, (0, 2, 1))
    maxh2, sc2, sh2 = _edge_conv_stage(x1t, x1T, W2, g2, b2, 8, 512)
    x2t = _norm_leaky(maxh2, sc2, sh2)

    x2T = jnp.transpose(x2t, (0, 2, 1))
    maxh3, sc3, sh3 = _edge_conv_stage(x2t, x2T, W3, g3, b3, 4, 512)
    x3t = _norm_leaky(maxh3, sc3, sh3)

    out = jnp.concatenate([x1t, x2t, x3t], axis=2)
    return jnp.transpose(out, (0, 2, 1))

# --- scband reference (transcript-rebuilt; emitter-appended) ---
"""Pipeline reference for scband-local-encoder-24369644437630 (READ-ONLY COPY).

The authoritative reference and input builder live on the scoring server;
editing this copy changes nothing except your own understanding.
"""

import jax, jax.numpy as jnp
import numpy as np

LOCAL_POINTS = 512

def knn_idx(x, k):
    # x: [B, N, C] -> k nearest neighbor indices [B, N, k]
    sq = jnp.sum(x * x, axis=-1)
    d = sq[:, :, None] + sq[:, None, :] - 2.0 * jnp.einsum('bnc,bmc->bnm', x, x)
    _, idx = jax.lax.top_k(-d, k)
    return idx

def edge_conv(x, W, g, b, k):
    # x: [B, C, N]; DGCNN EdgeConv: knn graph, edge feats [x_j - x_i, x_i], 1x1 conv, BN, LeakyReLU(0.2), max over k
    xt = jnp.transpose(x, (0, 2, 1))  # B,N,C
    idx = knn_idx(xt, k)              # B,N,k
    nbr = jax.vmap(lambda pts, ind: pts[ind])(xt, idx)  # B,N,k,C gather
    center = jnp.broadcast_to(xt[:, :, None, :], nbr.shape)
    feat = jnp.concatenate([nbr - center, center], axis=-1)  # B,N,k,2C
    h = jnp.einsum('bnkc,co->bnko', feat, W)
    mean = jnp.mean(h, axis=(0, 1, 2))
    var = jnp.var(h, axis=(0, 1, 2))
    h = (h - mean) / jnp.sqrt(var + 1e-5) * g + b
    h = jnp.where(h > 0, h, 0.2 * h)
    out = jnp.max(h, axis=2)  # B,N,O
    return jnp.transpose(out, (0, 2, 1))

def fps(xyz, m):
    # furthest point sampling; xyz: [B, N, 3] -> idx [B, m]
    B, N, _ = xyz.shape
    idx0 = jnp.zeros((B, m), dtype=jnp.int32)
    dists0 = jnp.full((B, N), jnp.inf, dtype=jnp.float32)
    last0 = jnp.zeros((B,), dtype=jnp.int32)
    def body(i, state):
        idx, dists, last = state
        lp = jnp.take_along_axis(xyz, last[:, None, None], axis=1)  # B,1,3
        d = jnp.sum((xyz - lp) ** 2, axis=-1)  # B,N
        dists = jnp.minimum(dists, d)
        nxt = jnp.argmax(dists, axis=1).astype(jnp.int32)
        idx = idx.at[:, i].set(nxt)
        return (idx, dists, nxt)
    idx, _, _ = jax.lax.fori_loop(1, m, body, (idx0, dists0, last0))
    return idx

def setup_inputs(seed: int = 0):
    key = jax.random.key(seed)
    ks = jax.random.split(key, 4)
    inp = {}
    inp['input'] = jax.random.normal(ks[0], (8, 3, 2048), dtype=jnp.float32)
    inp['W1'] = jax.random.normal(ks[1], (6, 64), dtype=jnp.float32) * 0.1
    inp['g1'] = jnp.ones((64,), dtype=jnp.float32)
    inp['b1'] = jnp.zeros((64,), dtype=jnp.float32)
    inp['W2'] = jax.random.normal(ks[2], (128, 256), dtype=jnp.float32) * 0.05
    inp['g2'] = jnp.ones((256,), dtype=jnp.float32)
    inp['b2'] = jnp.zeros((256,), dtype=jnp.float32)
    inp['W3'] = jax.random.normal(ks[3], (512, 512), dtype=jnp.float32) * 0.03
    inp['g3'] = jnp.ones((512,), dtype=jnp.float32)
    inp['b3'] = jnp.zeros((512,), dtype=jnp.float32)
    return inp

def reference(input, W1, g1, b1, W2, g2, b2, W3, g3, b3):
    x1 = edge_conv(input, W1, g1, b1, 16)                      # B,64,N
    idx = fps(jnp.transpose(input, (0, 2, 1)), LOCAL_POINTS)   # B,m
    x1 = jax.vmap(lambda f, ind: f[:, ind])(x1, idx)           # gather_points -> B,64,m
    x2 = edge_conv(x1, W2, g2, b2, 8)                          # B,256,m
    x3 = edge_conv(x2, W3, g3, b3, 4)                          # B,512,m
    return jnp.concatenate([x1, x2, x3], axis=1)               # B,832,m

if __name__ == "__main__":
    import jax
    _d = setup_inputs()
    print(jax.jit(kernel)(*tuple(_d.values())))

</pallas_src>

<mosaic_0001>
#map = affine_map<(d0, d1) -> (0, 0)>
#map1 = affine_map<(d0, d1) -> (0)>
module attributes {stable_mosaic.version = 14 : i64} {
  func.func @gk(%arg0: i32, %arg1: i32, %arg2: memref<16384x64xf32, #tpu.memory_space<hbm>>, %arg3: memref<4096xi32, #tpu.memory_space<hbm>>, %arg4: memref<4096x64xf32, #tpu.memory_space<hbm>>, %arg5: memref<128xi32, #tpu.memory_space<vmem>>, %arg6: memref<128x64xf32, #tpu.memory_space<vmem>>, %arg7: memref<!tpu.dma_semaphore, #tpu.memory_space<semaphore_mem>>) attributes {dimension_semantics = [#tpu.dimension_semantics<core_parallel>, #tpu.dimension_semantics<subcore_parallel>], iteration_bounds = array<i64: 2, 16>, scalar_prefetch = 0 : i64, scratch_operands = 3 : i64, tpu.core_type = #tpu.core_type<sc_vector_subcore>, window_params = [{transform_indices = #map}, {transform_indices = #map1}, {transform_indices = #map}]} {
    %mul3A = arith.constant 2 : i32
    %mul3A_0 = arith.muli %arg1, %mul3A : i32
    %add3A = arith.addi %mul3A_0, %arg0 : i32
    %mul3A_1 = arith.constant 128 : i32
    %mul3A_2 = arith.muli %add3A, %mul3A_1 : i32
    %scan3A = arith.constant 0 : i32
    %scan3A_3 = arith.constant 0 : i32
    %mul3A_4 = arith.constant 128 : i32
    %mul3A_5 = arith.muli %scan3A_3, %mul3A_4 : i32
    %add3A_6 = arith.addi %mul3A_2, %mul3A_5 : i32
    "tpu.region"() ({
      %run_scoped3A = tpu.sem_alloc : memref<!tpu.dma_semaphore, #tpu.memory_space<semaphore_mem>>
      %dma_start3A_12 = tpu.memref_slice %arg3[%add3A_6] : memref<4096xi32, #tpu.memory_space<hbm>> -> memref<128xi32, #tpu.memory_space<hbm>>
      %dma_start3A_13 = tpu.memref_slice %arg3[%add3A_6] : memref<4096xi32, #tpu.memory_space<hbm>> -> memref<128xi32, #tpu.memory_space<hbm>>
      tpu.enqueue_dma source(%dma_start3A_13 : memref<128xi32, #tpu.memory_space<hbm>>) target(%arg5 : memref<128xi32, #tpu.memory_space<vmem>>) target_semaphore(%run_scoped3A : memref<!tpu.dma_semaphore, #tpu.memory_space<semaphore_mem>>)
      %dma_wait3A_14 = tpu.memref_slice %arg3[%add3A_6] : memref<4096xi32, #tpu.memory_space<hbm>> -> memref<128xi32, #tpu.memory_space<hbm>>
      %dma_wait3A_15 = tpu.memref_slice %arg3[%add3A_6] : memref<4096xi32, #tpu.memory_space<hbm>> -> memref<128xi32, #tpu.memory_space<hbm>>
      tpu.wait_dma2 semaphore(%run_scoped3A : memref<!tpu.dma_semaphore, #tpu.memory_space<semaphore_mem>>) src(%dma_wait3A_15 : memref<128xi32, #tpu.memory_space<hbm>>) dst(%arg5 : memref<128xi32, #tpu.memory_space<vmem>>)
      tpu.yield
    }) : () -> ()
    %dma_start3A = arith.constant 0 : i32
    %dma_start3A_7 = arith.constant 0 : i32
    %dma_start3A_8 = tpu.memref_slice %arg2[%dma_start3A, %dma_start3A_7] : memref<16384x64xf32, #tpu.memory_space<hbm>> -> memref<16384x64xf32, #tpu.memory_space<hbm>>
    tpu.enqueue_indirect_dma source(%dma_start3A_8 : memref<16384x64xf32, #tpu.memory_space<hbm>>) target(%arg6 : memref<128x64xf32, #tpu.memory_space<vmem>>) offsets(%arg5 : memref<128xi32, #tpu.memory_space<vmem>>) semaphore(%arg7 : memref<!tpu.dma_semaphore, #tpu.memory_space<semaphore_mem>>)
    %dma_wait3A = arith.constant 0 : i32
    %dma_wait3A_9 = arith.constant 0 : i32
    %dma_wait3A_10 = tpu.memref_slice %arg2[%dma_wait3A, %dma_wait3A_9] : memref<16384x64xf32, #tpu.memory_space<hbm>> -> memref<16384x64xf32, #tpu.memory_space<hbm>>
    tpu.wait_indirect_dma semaphore(%arg7 : memref<!tpu.dma_semaphore, #tpu.memory_space<semaphore_mem>>) src(%dma_wait3A_10 : memref<16384x64xf32, #tpu.memory_space<hbm>>) dst(%arg6 : memref<128x64xf32, #tpu.memory_space<vmem>>)
    "tpu.region"() ({
      %run_scoped3A = tpu.sem_alloc : memref<!tpu.dma_semaphore, #tpu.memory_space<semaphore_mem>>
      %dma_start3A_12 = arith.constant 0 : i32
      %dma_start3A_13 = tpu.memref_slice %arg4[%add3A_6, %dma_start3A_12] : memref<4096x64xf32, #tpu.memory_space<hbm>> -> memref<128x64xf32, #tpu.memory_space<hbm>>
      %dma_start3A_14 = arith.constant 0 : i32
      %dma_start3A_15 = tpu.memref_slice %arg4[%add3A_6, %dma_start3A_14] : memref<4096x64xf32, #tpu.memory_space<hbm>> -> memref<128x64xf32, #tpu.memory_space<hbm>>
      tpu.enqueue_dma source(%arg6 : memref<128x64xf32, #tpu.memory_space<vmem>>) target(%dma_start3A_15 : memref<128x64xf32, #tpu.memory_space<hbm>>) target_semaphore(%run_scoped3A : memref<!tpu.dma_semaphore, #tpu.memory_space<semaphore_mem>>)
      %dma_wait3A_16 = arith.constant 0 : i32
      %dma_wait3A_17 = tpu.memref_slice %arg4[%add3A_6, %dma_wait3A_16] : memref<4096x64xf32, #tpu.memory_space<hbm>> -> memref<128x64xf32, #tpu.memory_space<hbm>>
      %dma_wait3A_18 = arith.constant 0 : i32
      %dma_wait3A_19 = tpu.memref_slice %arg4[%add3A_6, %dma_wait3A_18] : memref<4096x64xf32, #tpu.memory_space<hbm>> -> memref<128x64xf32, #tpu.memory_space<hbm>>
      tpu.wait_dma2 semaphore(%run_scoped3A : memref<!tpu.dma_semaphore, #tpu.memory_space<semaphore_mem>>) src(%arg6 : memref<128x64xf32, #tpu.memory_space<vmem>>) dst(%dma_wait3A_19 : memref<128x64xf32, #tpu.memory_space<hbm>>)
      tpu.yield
    }) : () -> ()
    %scan3A_11 = arith.constant 1 : i32
    return
  }
}

#map = affine_map<(d0, d1) -> (0, 0)>
#map1 = affine_map<(d0, d1) -> (0)>
module attributes {stable_mosaic.version = 14 : i64} {
  func.func @gk(%arg0: i32, %arg1: i32, %arg2: memref<16384x8xf32, #tpu.memory_space<hbm>>, %arg3: memref<262144xi32, #tpu.memory_space<hbm>>, %arg4: memref<262144x8xf32, #tpu.memory_space<hbm>>, %arg5: memref<128xi32, #tpu.memory_space<vmem>>, %arg6: memref<128x8xf32, #tpu.memory_space<vmem>>, %arg7: memref<!tpu.dma_semaphore, #tpu.memory_space<semaphore_mem>>) attributes {dimension_semantics = [#tpu.dimension_semantics<core_parallel>, #tpu.dimension_semantics<subcore_parallel>], iteration_bounds = array<i64: 2, 16>, scalar_prefetch = 0 : i64, scratch_operands = 3 : i64, tpu.core_type = #tpu.core_type<sc_vector_subcore>, window_params = [{transform_indices = #map}, {transform_indices = #map1}, {transform_indices = #map}]} {
    %mul3A = arith.constant 2 : i32
    %mul3A_0 = arith.muli %arg1, %mul3A : i32
    %add3A = arith.addi %mul3A_0, %arg0 : i32
    %mul3A_1 = arith.constant 8192 : i32
    %mul3A_2 = arith.muli %add3A, %mul3A_1 : i32
    %scan3A = arith.constant 0 : i32
    %scan3A_3 = arith.constant 0 : i32
    %scan3A_4 = arith.constant 64 : i32
    %scan3A_5 = arith.addi %scan3A_3, %scan3A_4 : i32
    %scan3A_6 = arith.constant 1 : i32
    scf.for %scan3A_8 = %scan3A_3 to %scan3A_5 step %scan3A_6  : i32 {
      %mul3A_9 = arith.constant 128 : i32
      %mul3A_10 = arith.muli %scan3A_8, %mul3A_9 : i32
      %add3A_11 = arith.addi %mul3A_2, %mul3A_10 : i32
      "tpu.region"() ({
        %run_scoped3A = tpu.sem_alloc : memref<!tpu.dma_semaphore, #tpu.memory_space<semaphore_mem>>
        %dma_start3A_16 = tpu.memref_slice %arg3[%add3A_11] : memref<262144xi32, #tpu.memory_space<hbm>> -> memref<128xi32, #tpu.memory_space<hbm>>
        %dma_start3A_17 = tpu.memref_slice %arg3[%add3A_11] : memref<262144xi32, #tpu.memory_space<hbm>> -> memref<128xi32, #tpu.memory_space<hbm>>
        tpu.enqueue_dma source(%dma_start3A_17 : memref<128xi32, #tpu.memory_space<hbm>>) target(%arg5 : memref<128xi32, #tpu.memory_space<vmem>>) target_semaphore(%run_scoped3A : memref<!tpu.dma_semaphore, #tpu.memory_space<semaphore_mem>>)
        %dma_wait3A_18 = tpu.memref_slice %arg3[%add3A_11] : memref<262144xi32, #tpu.memory_space<hbm>> -> memref<128xi32, #tpu.memory_space<hbm>>
        %dma_wait3A_19 = tpu.memref_slice %arg3[%add3A_11] : memref<262144xi32, #tpu.memory_space<hbm>> -> memref<128xi32, #tpu.memory_space<hbm>>
        tpu.wait_dma2 semaphore(%run_scoped3A : memref<!tpu.dma_semaphore, #tpu.memory_space<semaphore_mem>>) src(%dma_wait3A_19 : memref<128xi32, #tpu.memory_space<hbm>>) dst(%arg5 : memref<128xi32, #tpu.memory_space<vmem>>)
        tpu.yield
      }) : () -> ()
      %dma_start3A = arith.constant 0 : i32
      %dma_start3A_12 = arith.constant 0 : i32
      %dma_start3A_13 = tpu.memref_slice %arg2[%dma_start3A, %dma_start3A_12] : memref<16384x8xf32, #tpu.memory_space<hbm>> -> memref<16384x8xf32, #tpu.memory_space<hbm>>
      tpu.enqueue_indirect_dma source(%dma_start3A_13 : memref<16384x8xf32, #tpu.memory_space<hbm>>) target(%arg6 : memref<128x8xf32, #tpu.memory_space<vmem>>) offsets(%arg5 : memref<128xi32, #tpu.memory_space<vmem>>) semaphore(%arg7 : memref<!tpu.dma_semaphore, #tpu.memory_space<semaphore_mem>>)
      %dma_wait3A = arith.constant 0 : i32
      %dma_wait3A_14 = arith.constant 0 : i32
      %dma_wait3A_15 = tpu.memref_slice %arg2[%dma_wait3A, %dma_wait3A_14] : memref<16384x8xf32, #tpu.memory_space<hbm>> -> memref<16384x8xf32, #tpu.memory_space<hbm>>
      tpu.wait_indirect_dma semaphore(%arg7 : memref<!tpu.dma_semaphore, #tpu.memory_space<semaphore_mem>>) src(%dma_wait3A_15 : memref<16384x8xf32, #tpu.memory_space<hbm>>) dst(%arg6 : memref<128x8xf32, #tpu.memory_space<vmem>>)
      "tpu.region"() ({
        %run_scoped3A = tpu.sem_alloc : memref<!tpu.dma_semaphore, #tpu.memory_space<semaphore_mem>>
        %dma_start3A_16 = arith.constant 0 : i32
        %dma_start3A_17 = tpu.memref_slice %arg4[%add3A_11, %dma_start3A_16] : memref<262144x8xf32, #tpu.memory_space<hbm>> -> memref<128x8xf32, #tpu.memory_space<hbm>>
        %dma_start3A_18 = arith.constant 0 : i32
        %dma_start3A_19 = tpu.memref_slice %arg4[%add3A_11, %dma_start3A_18] : memref<262144x8xf32, #tpu.memory_space<hbm>> -> memref<128x8xf32, #tpu.memory_space<hbm>>
        tpu.enqueue_dma source(%arg6 : memref<128x8xf32, #tpu.memory_space<vmem>>) target(%dma_start3A_19 : memref<128x8xf32, #tpu.memory_space<hbm>>) target_semaphore(%run_scoped3A : memref<!tpu.dma_semaphore, #tpu.memory_space<semaphore_mem>>)
        %dma_wait3A_20 = arith.constant 0 : i32
        %dma_wait3A_21 = tpu.memref_slice %arg4[%add3A_11, %dma_wait3A_20] : memref<262144x8xf32, #tpu.memory_space<hbm>> -> memref<128x8xf32, #tpu.memory_space<hbm>>
        %dma_wait3A_22 = arith.constant 0 : i32
        %dma_wait3A_23 = tpu.memref_slice %arg4[%add3A_11, %dma_wait3A_22] : memref<262144x8xf32, #tpu.memory_space<hbm>> -> memref<128x8xf32, #tpu.memory_space<hbm>>
        tpu.wait_dma2 semaphore(%run_scoped3A : memref<!tpu.dma_semaphore, #tpu.memory_space<semaphore_mem>>) src(%arg6 : memref<128x8xf32, #tpu.memory_space<vmem>>) dst(%dma_wait3A_23 : memref<128x8xf32, #tpu.memory_space<hbm>>)
        tpu.yield
      }) : () -> ()
    }
    %scan3A_7 = arith.constant 64 : i32
    return
  }
}

#map = affine_map<(d0, d1) -> (0, 0)>
#map1 = affine_map<(d0, d1) -> (0)>
module attributes {stable_mosaic.version = 14 : i64} {
  func.func @gk(%arg0: i32, %arg1: i32, %arg2: memref<4096x256xf32, #tpu.memory_space<hbm>>, %arg3: memref<16384xi32, #tpu.memory_space<hbm>>, %arg4: memref<16384x256xf32, #tpu.memory_space<hbm>>, %arg5: memref<128xi32, #tpu.memory_space<vmem>>, %arg6: memref<128x256xf32, #tpu.memory_space<vmem>>, %arg7: memref<!tpu.dma_semaphore, #tpu.memory_space<semaphore_mem>>) attributes {dimension_semantics = [#tpu.dimension_semantics<core_parallel>, #tpu.dimension_semantics<subcore_parallel>], iteration_bounds = array<i64: 2, 16>, scalar_prefetch = 0 : i64, scratch_operands = 3 : i64, tpu.core_type = #tpu.core_type<sc_vector_subcore>, window_params = [{transform_indices = #map}, {transform_indices = #map1}, {transform_indices = #map}]} {
    %mul3A = arith.constant 2 : i32
    %mul3A_0 = arith.muli %arg1, %mul3A : i32
    %add3A = arith.addi %mul3A_0, %arg0 : i32
    %mul3A_1 = arith.constant 512 : i32
    %mul3A_2 = arith.muli %add3A, %mul3A_1 : i32
    %scan3A = arith.constant 0 : i32
    %scan3A_3 = arith.constant 0 : i32
    %scan3A_4 = arith.constant 4 : i32
    %scan3A_5 = arith.addi %scan3A_3, %scan3A_4 : i32
    %scan3A_6 = arith.constant 1 : i32
    scf.for %scan3A_8 = %scan3A_3 to %scan3A_5 step %scan3A_6  : i32 {
      %mul3A_9 = arith.constant 128 : i32
      %mul3A_10 = arith.muli %scan3A_8, %mul3A_9 : i32
      %add3A_11 = arith.addi %mul3A_2, %mul3A_10 : i32
      "tpu.region"() ({
        %run_scoped3A = tpu.sem_alloc : memref<!tpu.dma_semaphore, #tpu.memory_space<semaphore_mem>>
        %dma_start3A_16 = tpu.memref_slice %arg3[%add3A_11] : memref<16384xi32, #tpu.memory_space<hbm>> -> memref<128xi32, #tpu.memory_space<hbm>>
        %dma_start3A_17 = tpu.memref_slice %arg3[%add3A_11] : memref<16384xi32, #tpu.memory_space<hbm>> -> memref<128xi32, #tpu.memory_space<hbm>>
        tpu.enqueue_dma source(%dma_start3A_17 : memref<128xi32, #tpu.memory_space<hbm>>) target(%arg5 : memref<128xi32, #tpu.memory_space<vmem>>) target_semaphore(%run_scoped3A : memref<!tpu.dma_semaphore, #tpu.memory_space<semaphore_mem>>)
        %dma_wait3A_18 = tpu.memref_slice %arg3[%add3A_11] : memref<16384xi32, #tpu.memory_space<hbm>> -> memref<128xi32, #tpu.memory_space<hbm>>
        %dma_wait3A_19 = tpu.memref_slice %arg3[%add3A_11] : memref<16384xi32, #tpu.memory_space<hbm>> -> memref<128xi32, #tpu.memory_space<hbm>>
        tpu.wait_dma2 semaphore(%run_scoped3A : memref<!tpu.dma_semaphore, #tpu.memory_space<semaphore_mem>>) src(%dma_wait3A_19 : memref<128xi32, #tpu.memory_space<hbm>>) dst(%arg5 : memref<128xi32, #tpu.memory_space<vmem>>)
        tpu.yield
      }) : () -> ()
      %dma_start3A = arith.constant 0 : i32
      %dma_start3A_12 = arith.constant 0 : i32
      %dma_start3A_13 = tpu.memref_slice %arg2[%dma_start3A, %dma_start3A_12] : memref<4096x256xf32, #tpu.memory_space<hbm>> -> memref<4096x256xf32, #tpu.memory_space<hbm>>
      tpu.enqueue_indirect_dma source(%dma_start3A_13 : memref<4096x256xf32, #tpu.memory_space<hbm>>) target(%arg6 : memref<128x256xf32, #tpu.memory_space<vmem>>) offsets(%arg5 : memref<128xi32, #tpu.memory_space<vmem>>) semaphore(%arg7 : memref<!tpu.dma_semaphore, #tpu.memory_space<semaphore_mem>>)
      %dma_wait3A = arith.constant 0 : i32
      %dma_wait3A_14 = arith.constant 0 : i32
      %dma_wait3A_15 = tpu.memref_slice %arg2[%dma_wait3A, %dma_wait3A_14] : memref<4096x256xf32, #tpu.memory_space<hbm>> -> memref<4096x256xf32, #tpu.memory_space<hbm>>
      tpu.wait_indirect_dma semaphore(%arg7 : memref<!tpu.dma_semaphore, #tpu.memory_space<semaphore_mem>>) src(%dma_wait3A_15 : memref<4096x256xf32, #tpu.memory_space<hbm>>) dst(%arg6 : memref<128x256xf32, #tpu.memory_space<vmem>>)
      "tpu.region"() ({
        %run_scoped3A = tpu.sem_alloc : memref<!tpu.dma_semaphore, #tpu.memory_space<semaphore_mem>>
        %dma_start3A_16 = arith.constant 0 : i32
        %dma_start3A_17 = tpu.memref_slice %arg4[%add3A_11, %dma_start3A_16] : memref<16384x256xf32, #tpu.memory_space<hbm>> -> memref<128x256xf32, #tpu.memory_space<hbm>>
        %dma_start3A_18 = arith.constant 0 : i32
        %dma_start3A_19 = tpu.memref_slice %arg4[%add3A_11, %dma_start3A_18] : memref<16384x256xf32, #tpu.memory_space<hbm>> -> memref<128x256xf32, #tpu.memory_space<hbm>>
        tpu.enqueue_dma source(%arg6 : memref<128x256xf32, #tpu.memory_space<vmem>>) target(%dma_start3A_19 : memref<128x256xf32, #tpu.memory_space<hbm>>) target_semaphore(%run_scoped3A : memref<!tpu.dma_semaphore, #tpu.memory_space<semaphore_mem>>)
        %dma_wait3A_20 = arith.constant 0 : i32
        %dma_wait3A_21 = tpu.memref_slice %arg4[%add3A_11, %dma_wait3A_20] : memref<16384x256xf32, #tpu.memory_space<hbm>> -> memref<128x256xf32, #tpu.memory_space<hbm>>
        %dma_wait3A_22 = arith.constant 0 : i32
        %dma_wait3A_23 = tpu.memref_slice %arg4[%add3A_11, %dma_wait3A_22] : memref<16384x256xf32, #tpu.memory_space<hbm>> -> memref<128x256xf32, #tpu.memory_space<hbm>>
        tpu.wait_dma2 semaphore(%run_scoped3A : memref<!tpu.dma_semaphore, #tpu.memory_space<semaphore_mem>>) src(%arg6 : memref<128x256xf32, #tpu.memory_space<vmem>>) dst(%dma_wait3A_23 : memref<128x256xf32, #tpu.memory_space<hbm>>)
        tpu.yield
      }) : () -> ()
    }
    %scan3A_7 = arith.constant 4 : i32
    return
  }
}

#map = affine_map<(d0, d1) -> (0, 0)>
#map1 = affine_map<(d0, d1) -> (0)>
module attributes {stable_mosaic.version = 14 : i64} {
  func.func @gk(%arg0: i32, %arg1: i32, %arg2: memref<4096x64xf32, #tpu.memory_space<hbm>>, %arg3: memref<32768xi32, #tpu.memory_space<hbm>>, %arg4: memref<32768x64xf32, #tpu.memory_space<hbm>>, %arg5: memref<128xi32, #tpu.memory_space<vmem>>, %arg6: memref<128x64xf32, #tpu.memory_space<vmem>>, %arg7: memref<!tpu.dma_semaphore, #tpu.memory_space<semaphore_mem>>) attributes {dimension_semantics = [#tpu.dimension_semantics<core_parallel>, #tpu.dimension_semantics<subcore_parallel>], iteration_bounds = array<i64: 2, 16>, scalar_prefetch = 0 : i64, scratch_operands = 3 : i64, tpu.core_type = #tpu.core_type<sc_vector_subcore>, window_params = [{transform_indices = #map}, {transform_indices = #map1}, {transform_indices = #map}]} {
    %mul3A = arith.constant 2 : i32
    %mul3A_0 = arith.muli %arg1, %mul3A : i32
    %add3A = arith.addi %mul3A_0, %arg0 : i32
    %mul3A_1 = arith.constant 1024 : i32
    %mul3A_2 = arith.muli %add3A, %mul3A_1 : i32
    %scan3A = arith.constant 0 : i32
    %scan3A_3 = arith.constant 0 : i32
    %scan3A_4 = arith.constant 8 : i32
    %scan3A_5 = arith.addi %scan3A_3, %scan3A_4 : i32
    %scan3A_6 = arith.constant 1 : i32
    scf.for %scan3A_8 = %scan3A_3 to %scan3A_5 step %scan3A_6  : i32 {
      %mul3A_9 = arith.constant 128 : i32
      %mul3A_10 = arith.muli %scan3A_8, %mul3A_9 : i32
      %add3A_11 = arith.addi %mul3A_2, %mul3A_10 : i32
      "tpu.region"() ({
        %run_scoped3A = tpu.sem_alloc : memref<!tpu.dma_semaphore, #tpu.memory_space<semaphore_mem>>
        %dma_start3A_16 = tpu.memref_slice %arg3[%add3A_11] : memref<32768xi32, #tpu.memory_space<hbm>> -> memref<128xi32, #tpu.memory_space<hbm>>
        %dma_start3A_17 = tpu.memref_slice %arg3[%add3A_11] : memref<32768xi32, #tpu.memory_space<hbm>> -> memref<128xi32, #tpu.memory_space<hbm>>
        tpu.enqueue_dma source(%dma_start3A_17 : memref<128xi32, #tpu.memory_space<hbm>>) target(%arg5 : memref<128xi32, #tpu.memory_space<vmem>>) target_semaphore(%run_scoped3A : memref<!tpu.dma_semaphore, #tpu.memory_space<semaphore_mem>>)
        %dma_wait3A_18 = tpu.memref_slice %arg3[%add3A_11] : memref<32768xi32, #tpu.memory_space<hbm>> -> memref<128xi32, #tpu.memory_space<hbm>>
        %dma_wait3A_19 = tpu.memref_slice %arg3[%add3A_11] : memref<32768xi32, #tpu.memory_space<hbm>> -> memref<128xi32, #tpu.memory_space<hbm>>
        tpu.wait_dma2 semaphore(%run_scoped3A : memref<!tpu.dma_semaphore, #tpu.memory_space<semaphore_mem>>) src(%dma_wait3A_19 : memref<128xi32, #tpu.memory_space<hbm>>) dst(%arg5 : memref<128xi32, #tpu.memory_space<vmem>>)
        tpu.yield
      }) : () -> ()
      %dma_start3A = arith.constant 0 : i32
      %dma_start3A_12 = arith.constant 0 : i32
      %dma_start3A_13 = tpu.memref_slice %arg2[%dma_start3A, %dma_start3A_12] : memref<4096x64xf32, #tpu.memory_space<hbm>> -> memref<4096x64xf32, #tpu.memory_space<hbm>>
      tpu.enqueue_indirect_dma source(%dma_start3A_13 : memref<4096x64xf32, #tpu.memory_space<hbm>>) target(%arg6 : memref<128x64xf32, #tpu.memory_space<vmem>>) offsets(%arg5 : memref<128xi32, #tpu.memory_space<vmem>>) semaphore(%arg7 : memref<!tpu.dma_semaphore, #tpu.memory_space<semaphore_mem>>)
      %dma_wait3A = arith.constant 0 : i32
      %dma_wait3A_14 = arith.constant 0 : i32
      %dma_wait3A_15 = tpu.memref_slice %arg2[%dma_wait3A, %dma_wait3A_14] : memref<4096x64xf32, #tpu.memory_space<hbm>> -> memref<4096x64xf32, #tpu.memory_space<hbm>>
      tpu.wait_indirect_dma semaphore(%arg7 : memref<!tpu.dma_semaphore, #tpu.memory_space<semaphore_mem>>) src(%dma_wait3A_15 : memref<4096x64xf32, #tpu.memory_space<hbm>>) dst(%arg6 : memref<128x64xf32, #tpu.memory_space<vmem>>)
      "tpu.region"() ({
        %run_scoped3A = tpu.sem_alloc : memref<!tpu.dma_semaphore, #tpu.memory_space<semaphore_mem>>
        %dma_start3A_16 = arith.constant 0 : i32
        %dma_start3A_17 = tpu.memref_slice %arg4[%add3A_11, %dma_start3A_16] : memref<32768x64xf32, #tpu.memory_space<hbm>> -> memref<128x64xf32, #tpu.memory_space<hbm>>
        %dma_start3A_18 = arith.constant 0 : i32
        %dma_start3A_19 = tpu.memref_slice %arg4[%add3A_11, %dma_start3A_18] : memref<32768x64xf32, #tpu.memory_space<hbm>> -> memref<128x64xf32, #tpu.memory_space<hbm>>
        tpu.enqueue_dma source(%arg6 : memref<128x64xf32, #tpu.memory_space<vmem>>) target(%dma_start3A_19 : memref<128x64xf32, #tpu.memory_space<hbm>>) target_semaphore(%run_scoped3A : memref<!tpu.dma_semaphore, #tpu.memory_space<semaphore_mem>>)
        %dma_wait3A_20 = arith.constant 0 : i32
        %dma_wait3A_21 = tpu.memref_slice %arg4[%add3A_11, %dma_wait3A_20] : memref<32768x64xf32, #tpu.memory_space<hbm>> -> memref<128x64xf32, #tpu.memory_space<hbm>>
        %dma_wait3A_22 = arith.constant 0 : i32
        %dma_wait3A_23 = tpu.memref_slice %arg4[%add3A_11, %dma_wait3A_22] : memref<32768x64xf32, #tpu.memory_space<hbm>> -> memref<128x64xf32, #tpu.memory_space<hbm>>
        tpu.wait_dma2 semaphore(%run_scoped3A : memref<!tpu.dma_semaphore, #tpu.memory_space<semaphore_mem>>) src(%arg6 : memref<128x64xf32, #tpu.memory_space<vmem>>) dst(%dma_wait3A_23 : memref<128x64xf32, #tpu.memory_space<hbm>>)
        tpu.yield
      }) : () -> ()
    }
    %scan3A_7 = arith.constant 8 : i32
    return
  }
}

module attributes {stable_mosaic.version = 14 : i64} {
  func.func @body(%arg0: i32, %arg1: i32, %arg2: memref<1x256x3xf32, #tpu.memory_space<vmem>>, %arg3: memref<1x3x2048xf32, #tpu.memory_space<vmem>>, %arg4: memref<1x256x16xi32, #tpu.memory_space<vmem>>) attributes {dimension_semantics = [#tpu.dimension_semantics<arbitrary>, #tpu.dimension_semantics<arbitrary>], iteration_bounds = array<i64: 8, 8>, scalar_prefetch = 0 : i64, scratch_operands = 0 : i64, tpu.core_type = #tpu.core_type<tc>, window_params = [{transform_indices = @transform_0, window_bounds = array<i64: 1, 256, 3>}, {transform_indices = @transform_1, window_bounds = array<i64: 1, 3, 2048>}, {transform_indices = @transform_2, window_bounds = array<i64: 1, 256, 16>}]} {
    %get3A = arith.constant 0 : index
    %get3A_0 = arith.constant 0 : index
    %get3A_1 = arith.constant 0 : index
    %get3A_2 = vector.load %arg2[%get3A, %get3A_0, %get3A_1] : memref<1x256x3xf32, #tpu.memory_space<vmem>>, vector<1x256x3xf32>
    %get3A_3 = vector.shape_cast %get3A_2 : vector<1x256x3xf32> to vector<256x3xf32>
    %get3A_4 = arith.constant 0 : index
    %get3A_5 = arith.constant 0 : index
    %get3A_6 = arith.constant 0 : index
    %get3A_7 = vector.load %arg3[%get3A_4, %get3A_5, %get3A_6] : memref<1x3x2048xf32, #tpu.memory_space<vmem>>, vector<1x3x2048xf32>
    %get3A_8 = vector.shape_cast %get3A_7 : vector<1x3x2048xf32> to vector<3x2048xf32>
    %mul3A = arith.mulf %get3A_3, %get3A_3 : vector<256x3xf32>
    %reduce_sum3A = arith.constant dense<0.000000e+00> : vector<256xf32>
    %reduce_sum3A_9 = vector.multi_reduction <add>, %mul3A, %reduce_sum3A [1] : vector<256x3xf32> to vector<256xf32>
    %broadcast_in_dim3A = vector.shape_cast %reduce_sum3A_9 : vector<256xf32> to vector<256x1xf32>
    %mul3A_10 = arith.mulf %get3A_8, %get3A_8 : vector<3x2048xf32>
    %reduce_sum3A_11 = arith.constant dense<0.000000e+00> : vector<2048xf32>
    %reduce_sum3A_12 = vector.multi_reduction <add>, %mul3A_10, %reduce_sum3A_11 [0] : vector<3x2048xf32> to vector<2048xf32>
    %broadcast_in_dim3A_13 = vector.shape_cast %reduce_sum3A_12 : vector<2048xf32> to vector<1x2048xf32>
    %convert_element_type3A = arith.truncf %get3A_3 : vector<256x3xf32> to vector<256x3xbf16>
    %convert_element_type3A_14 = arith.truncf %get3A_8 : vector<3x2048xf32> to vector<3x2048xbf16>
    %dot_general3A = arith.constant dense<0.000000e+00> : vector<256x2048xf32>
    %dot_general3A_15 = tpu.matmul %convert_element_type3A, %convert_element_type3A_14, %dot_general3A {dimension_numbers = #tpu.dot_dimension_numbers<[1], [0], [0], [1], [0, 0, 1, 1], [], []>, transpose_lhs_hint = false} : vector<256x3xbf16>, vector<3x2048xbf16>, vector<256x2048xf32> -> vector<256x2048xf32>
    %add3A = vector.broadcast %broadcast_in_dim3A : vector<256x1xf32> to vector<256x2048xf32>
    %add3A_16 = vector.broadcast %broadcast_in_dim3A_13 : vector<1x2048xf32> to vector<256x2048xf32>
    %add3A_17 = arith.addf %add3A, %add3A_16 : vector<256x2048xf32>
    %mul3A_18 = arith.constant 2.000000e+00 : f32
    %mul3A_19 = vector.broadcast %mul3A_18 : f32 to vector<256x2048xf32>
    %mul3A_20 = arith.mulf %mul3A_19, %dot_general3A_15 : vector<256x2048xf32>
    %sub3A = arith.subf %add3A_17, %mul3A_20 : vector<256x2048xf32>
    %iota3A = tpu.iota {dimensions = array<i32: 1>} : vector<256x2048xi32>
    %reduce_min3A = arith.constant dense<0x7F800000> : vector<256xf32>
    %reduce_min3A_21 = vector.multi_reduction <minimumf>, %sub3A, %reduce_min3A [1] : vector<256x2048xf32> to vector<256xf32>
    %broadcast_in_dim3A_22 = vector.shape_cast %reduce_min3A_21 : vector<256xf32> to vector<256x1xf32>
    %eq3A = vector.broadcast %broadcast_in_dim3A_22 : vector<256x1xf32> to vector<256x2048xf32>
    %eq3A_23 = arith.cmpf oeq, %sub3A, %eq3A : vector<256x2048xf32>
    %jit3A = arith.constant 2048 : i32
    %broadcast_in_dim3A_24 = vector.broadcast %jit3A : i32 to vector<256x2048xi32>
    %select_n3A = arith.select %eq3A_23, %iota3A, %broadcast_in_dim3A_24 : vector<256x2048xi1>, vector<256x2048xi32>
    %reduce_min3A_25 = arith.constant dense<2147483647> : vector<256xi32>
    %reduce_min3A_26 = vector.multi_reduction <minsi>, %select_n3A, %reduce_min3A_25 [1] : vector<256x2048xi32> to vector<256xi32>
    %broadcast_in_dim3A_27 = vector.shape_cast %reduce_min3A_26 : vector<256xi32> to vector<256x1xi32>
    %eq3A_28 = vector.broadcast %broadcast_in_dim3A_27 : vector<256x1xi32> to vector<256x2048xi32>
    %eq3A_29 = arith.cmpi eq, %iota3A, %eq3A_28 : vector<256x2048xi32>
    %jit3A_30 = arith.constant 0x7F800000 : f32
    %broadcast_in_dim3A_31 = vector.broadcast %jit3A_30 : f32 to vector<256x2048xf32>
    %select_n3A_32 = arith.select %eq3A_29, %broadcast_in_dim3A_31, %sub3A : vector<256x2048xi1>, vector<256x2048xf32>
    %reduce_min3A_33 = arith.constant dense<0x7F800000> : vector<256xf32>
    %reduce_min3A_34 = vector.multi_reduction <minimumf>, %select_n3A_32, %reduce_min3A_33 [1] : vector<256x2048xf32> to vector<256xf32>
    %broadcast_in_dim3A_35 = vector.shape_cast %reduce_min3A_34 : vector<256xf32> to vector<256x1xf32>
    %eq3A_36 = vector.broadcast %broadcast_in_dim3A_35 : vector<256x1xf32> to vector<256x2048xf32>
    %eq3A_37 = arith.cmpf oeq, %select_n3A_32, %eq3A_36 : vector<256x2048xf32>
    %jit3A_38 = arith.constant 2048 : i32
    %broadcast_in_dim3A_39 = vector.broadcast %jit3A_38 : i32 to vector<256x2048xi32>
    %select_n3A_40 = arith.select %eq3A_37, %iota3A, %broadcast_in_dim3A_39 : vector<256x2048xi1>, vector<256x2048xi32>
    %reduce_min3A_41 = arith.constant dense<2147483647> : vector<256xi32>
    %reduce_min3A_42 = vector.multi_reduction <minsi>, %select_n3A_40, %reduce_min3A_41 [1] : vector<256x2048xi32> to vector<256xi32>
    %broadcast_in_dim3A_43 = vector.shape_cast %reduce_min3A_42 : vector<256xi32> to vector<256x1xi32>
    %eq3A_44 = vector.broadcast %broadcast_in_dim3A_43 : vector<256x1xi32> to vector<256x2048xi32>
    %eq3A_45 = arith.cmpi eq, %iota3A, %eq3A_44 : vector<256x2048xi32>
    %jit3A_46 = arith.constant 0x7F800000 : f32
    %broadcast_in_dim3A_47 = vector.broadcast %jit3A_46 : f32 to vector<256x2048xf32>
    %select_n3A_48 = arith.select %eq3A_45, %broadcast_in_dim3A_47, %select_n3A_32 : vector<256x2048xi1>, vector<256x2048xf32>
    %reduce_min3A_49 = arith.constant dense<0x7F800000> : vector<256xf32>
    %reduce_min3A_50 = vector.multi_reduction <minimumf>, %select_n3A_48, %reduce_min3A_49 [1] : vector<256x2048xf32> to vector<256xf32>
    %broadcast_in_dim3A_51 = vector.shape_cast %reduce_min3A_50 : vector<256xf32> to vector<256x1xf32>
    %eq3A_52 = vector.broadcast %broadcast_in_dim3A_51 : vector<256x1xf32> to vector<256x2048xf32>
    %eq3A_53 = arith.cmpf oeq, %select_n3A_48, %eq3A_52 : vector<256x2048xf32>
    %jit3A_54 = arith.constant 2048 : i32
    %broadcast_in_dim3A_55 = vector.broadcast %jit3A_54 : i32 to vector<256x2048xi32>
    %select_n3A_56 = arith.select %eq3A_53, %iota3A, %broadcast_in_dim3A_55 : vector<256x2048xi1>, vector<256x2048xi32>
    %reduce_min3A_57 = arith.constant dense<2147483647> : vector<256xi32>
    %reduce_min3A_58 = vector.multi_reduction <minsi>, %select_n3A_56, %reduce_min3A_57 [1] : vector<256x2048xi32> to vector<256xi32>
    %broadcast_in_dim3A_59 = vector.shape_cast %reduce_min3A_58 : vector<256xi32> to vector<256x1xi32>
    %eq3A_60 = vector.broadcast %broadcast_in_dim3A_59 : vector<256x1xi32> to vector<256x2048xi32>
    %eq3A_61 = arith.cmpi eq, %iota3A, %eq3A_60 : vector<256x2048xi32>
    %jit3A_62 = arith.constant 0x7F800000 : f32
    %broadcast_in_dim3A_63 = vector.broadcast %jit3A_62 : f32 to vector<256x2048xf32>
    %select_n3A_64 = arith.select %eq3A_61, %broadcast_in_dim3A_63, %select_n3A_48 : vector<256x2048xi1>, vector<256x2048xf32>
    %reduce_min3A_65 = arith.constant dense<0x7F800000> : vector<256xf32>
    %reduce_min3A_66 = vector.multi_reduction <minimumf>, %select_n3A_64, %reduce_min3A_65 [1] : vector<256x2048xf32> to vector<256xf32>
    %broadcast_in_dim3A_67 = vector.shape_cast %reduce_min3A_66 : vector<256xf32> to vector<256x1xf32>
    %eq3A_68 = vector.broadcast %broadcast_in_dim3A_67 : vector<256x1xf32> to vector<256x2048xf32>
    %eq3A_69 = arith.cmpf oeq, %select_n3A_64, %eq3A_68 : vector<256x2048xf32>
    %jit3A_70 = arith.constant 2048 : i32
    %broadcast_in_dim3A_71 = vector.broadcast %jit3A_70 : i32 to vector<256x2048xi32>
    %select_n3A_72 = arith.select %eq3A_69, %iota3A, %broadcast_in_dim3A_71 : vector<256x2048xi1>, vector<256x2048xi32>
    %reduce_min3A_73 = arith.constant dense<2147483647> : vector<256xi32>
    %reduce_min3A_74 = vector.multi_reduction <minsi>, %select_n3A_72, %reduce_min3A_73 [1] : vector<256x2048xi32> to vector<256xi32>
    %broadcast_in_dim3A_75 = vector.shape_cast %reduce_min3A_74 : vector<256xi32> to vector<256x1xi32>
    %eq3A_76 = vector.broadcast %broadcast_in_dim3A_75 : vector<256x1xi32> to vector<256x2048xi32>
    %eq3A_77 = arith.cmpi eq, %iota3A, %eq3A_76 : vector<256x2048xi32>
    %jit3A_78 = arith.constant 0x7F800000 : f32
    %broadcast_in_dim3A_79 = vector.broadcast %jit3A_78 : f32 to vector<256x2048xf32>
    %select_n3A_80 = arith.select %eq3A_77, %broadcast_in_dim3A_79, %select_n3A_64 : vector<256x2048xi1>, vector<256x2048xf32>
    %reduce_min3A_81 = arith.constant dense<0x7F800000> : vector<256xf32>
    %reduce_min3A_82 = vector.multi_reduction <minimumf>, %select_n3A_80, %reduce_min3A_81 [1] : vector<256x2048xf32> to vector<256xf32>
    %broadcast_in_dim3A_83 = vector.shape_cast %reduce_min3A_82 : vector<256xf32> to vector<256x1xf32>
    %eq3A_84 = vector.broadcast %broadcast_in_dim3A_83 : vector<256x1xf32> to vector<256x2048xf32>
    %eq3A_85 = arith.cmpf oeq, %select_n3A_80, %eq3A_84 : vector<256x2048xf32>
    %jit3A_86 = arith.constant 2048 : i32
    %broadcast_in_dim3A_87 = vector.broadcast %jit3A_86 : i32 to vector<256x2048xi32>
    %select_n3A_88 = arith.select %eq3A_85, %iota3A, %broadcast_in_dim3A_87 : vector<256x2048xi1>, vector<256x2048xi32>
    %reduce_min3A_89 = arith.constant dense<2147483647> : vector<256xi32>
    %reduce_min3A_90 = vector.multi_reduction <minsi>, %select_n3A_88, %reduce_min3A_89 [1] : vector<256x2048xi32> to vector<256xi32>
    %broadcast_in_dim3A_91 = vector.shape_cast %reduce_min3A_90 : vector<256xi32> to vector<256x1xi32>
    %eq3A_92 = vector.broadcast %broadcast_in_dim3A_91 : vector<256x1xi32> to vector<256x2048xi32>
    %eq3A_93 = arith.cmpi eq, %iota3A, %eq3A_92 : vector<256x2048xi32>
    %jit3A_94 = arith.constant 0x7F800000 : f32
    %broadcast_in_dim3A_95 = vector.broadcast %jit3A_94 : f32 to vector<256x2048xf32>
    %select_n3A_96 = arith.select %eq3A_93, %broadcast_in_dim3A_95, %select_n3A_80 : vector<256x2048xi1>, vector<256x2048xf32>
    %reduce_min3A_97 = arith.constant dense<0x7F800000> : vector<256xf32>
    %reduce_min3A_98 = vector.multi_reduction <minimumf>, %select_n3A_96, %reduce_min3A_97 [1] : vector<256x2048xf32> to vector<256xf32>
    %broadcast_in_dim3A_99 = vector.shape_cast %reduce_min3A_98 : vector<256xf32> to vector<256x1xf32>
    %eq3A_100 = vector.broadcast %broadcast_in_dim3A_99 : vector<256x1xf32> to vector<256x2048xf32>
    %eq3A_101 = arith.cmpf oeq, %select_n3A_96, %eq3A_100 : vector<256x2048xf32>
    %jit3A_102 = arith.constant 2048 : i32
    %broadcast_in_dim3A_103 = vector.broadcast %jit3A_102 : i32 to vector<256x2048xi32>
    %select_n3A_104 = arith.select %eq3A_101, %iota3A, %broadcast_in_dim3A_103 : vector<256x2048xi1>, vector<256x2048xi32>
    %reduce_min3A_105 = arith.constant dense<2147483647> : vector<256xi32>
    %reduce_min3A_106 = vector.multi_reduction <minsi>, %select_n3A_104, %reduce_min3A_105 [1] : vector<256x2048xi32> to vector<256xi32>
    %broadcast_in_dim3A_107 = vector.shape_cast %reduce_min3A_106 : vector<256xi32> to vector<256x1xi32>
    %eq3A_108 = vector.broadcast %broadcast_in_dim3A_107 : vector<256x1xi32> to vector<256x2048xi32>
    %eq3A_109 = arith.cmpi eq, %iota3A, %eq3A_108 : vector<256x2048xi32>
    %jit3A_110 = arith.constant 0x7F800000 : f32
    %broadcast_in_dim3A_111 = vector.broadcast %jit3A_110 : f32 to vector<256x2048xf32>
    %select_n3A_112 = arith.select %eq3A_109, %broadcast_in_dim3A_111, %select_n3A_96 : vector<256x2048xi1>, vector<256x2048xf32>
    %reduce_min3A_113 = arith.constant dense<0x7F800000> : vector<256xf32>
    %reduce_min3A_114 = vector.multi_reduction <minimumf>, %select_n3A_112, %reduce_min3A_113 [1] : vector<256x2048xf32> to vector<256xf32>
    %broadcast_in_dim3A_115 = vector.shape_cast %reduce_min3A_114 : vector<256xf32> to vector<256x1xf32>
    %eq3A_116 = vector.broadcast %broadcast_in_dim3A_115 : vector<256x1xf32> to vector<256x2048xf32>
    %eq3A_117 = arith.cmpf oeq, %select_n3A_112, %eq3A_116 : vector<256x2048xf32>
    %jit3A_118 = arith.constant 2048 : i32
    %broadcast_in_dim3A_119 = vector.broadcast %jit3A_118 : i32 to vector<256x2048xi32>
    %select_n3A_120 = arith.select %eq3A_117, %iota3A, %broadcast_in_dim3A_119 : vector<256x2048xi1>, vector<256x2048xi32>
    %reduce_min3A_121 = arith.constant dense<2147483647> : vector<256xi32>
    %reduce_min3A_122 = vector.multi_reduction <minsi>, %select_n3A_120, %reduce_min3A_121 [1] : vector<256x2048xi32> to vector<256xi32>
    %broadcast_in_dim3A_123 = vector.shape_cast %reduce_min3A_122 : vector<256xi32> to vector<256x1xi32>
    %eq3A_124 = vector.broadcast %broadcast_in_dim3A_123 : vector<256x1xi32> to vector<256x2048xi32>
    %eq3A_125 = arith.cmpi eq, %iota3A, %eq3A_124 : vector<256x2048xi32>
    %jit3A_126 = arith.constant 0x7F800000 : f32
    %broadcast_in_dim3A_127 = vector.broadcast %jit3A_126 : f32 to vector<256x2048xf32>
    %select_n3A_128 = arith.select %eq3A_125, %broadcast_in_dim3A_127, %select_n3A_112 : vector<256x2048xi1>, vector<256x2048xf32>
    %reduce_min3A_129 = arith.constant dense<0x7F800000> : vector<256xf32>
    %reduce_min3A_130 = vector.multi_reduction <minimumf>, %select_n3A_128, %reduce_min3A_129 [1] : vector<256x2048xf32> to vector<256xf32>
    %broadcast_in_dim3A_131 = vector.shape_cast %reduce_min3A_130 : vector<256xf32> to vector<256x1xf32>
    %eq3A_132 = vector.broadcast %broadcast_in_dim3A_131 : vector<256x1xf32> to vector<256x2048xf32>
    %eq3A_133 = arith.cmpf oeq, %select_n3A_128, %eq3A_132 : vector<256x2048xf32>
    %jit3A_134 = arith.constant 2048 : i32
    %broadcast_in_dim3A_135 = vector.broadcast %jit3A_134 : i32 to vector<256x2048xi32>
    %select_n3A_136 = arith.select %eq3A_133, %iota3A, %broadcast_in_dim3A_135 : vector<256x2048xi1>, vector<256x2048xi32>
    %reduce_min3A_137 = arith.constant dense<2147483647> : vector<256xi32>
    %reduce_min3A_138 = vector.multi_reduction <minsi>, %select_n3A_136, %reduce_min3A_137 [1] : vector<256x2048xi32> to vector<256xi32>
    %broadcast_in_dim3A_139 = vector.shape_cast %reduce_min3A_138 : vector<256xi32> to vector<256x1xi32>
    %eq3A_140 = vector.broadcast %broadcast_in_dim3A_139 : vector<256x1xi32> to vector<256x2048xi32>
    %eq3A_141 = arith.cmpi eq, %iota3A, %eq3A_140 : vector<256x2048xi32>
    %jit3A_142 = arith.constant 0x7F800000 : f32
    %broadcast_in_dim3A_143 = vector.broadcast %jit3A_142 : f32 to vector<256x2048xf32>
    %select_n3A_144 = arith.select %eq3A_141, %broadcast_in_dim3A_143, %select_n3A_128 : vector<256x2048xi1>, vector<256x2048xf32>
    %reduce_min3A_145 = arith.constant dense<0x7F800000> : vector<256xf32>
    %reduce_min3A_146 = vector.multi_reduction <minimumf>, %select_n3A_144, %reduce_min3A_145 [1] : vector<256x2048xf32> to vector<256xf32>
    %broadcast_in_dim3A_147 = vector.shape_cast %reduce_min3A_146 : vector<256xf32> to vector<256x1xf32>
    %eq3A_148 = vector.broadcast %broadcast_in_dim3A_147 : vector<256x1xf32> to vector<256x2048xf32>
    %eq3A_149 = arith.cmpf oeq, %select_n3A_144, %eq3A_148 : vector<256x2048xf32>
    %jit3A_150 = arith.constant 2048 : i32
    %broadcast_in_dim3A_151 = vector.broadcast %jit3A_150 : i32 to vector<256x2048xi32>
    %select_n3A_152 = arith.select %eq3A_149, %iota3A, %broadcast_in_dim3A_151 : vector<256x2048xi1>, vector<256x2048xi32>
    %reduce_min3A_153 = arith.constant dense<2147483647> : vector<256xi32>
    %reduce_min3A_154 = vector.multi_reduction <minsi>, %select_n3A_152, %reduce_min3A_153 [1] : vector<256x2048xi32> to vector<256xi32>
    %broadcast_in_dim3A_155 = vector.shape_cast %reduce_min3A_154 : vector<256xi32> to vector<256x1xi32>
    %eq3A_156 = vector.broadcast %broadcast_in_dim3A_155 : vector<256x1xi32> to vector<256x2048xi32>
    %eq3A_157 = arith.cmpi eq, %iota3A, %eq3A_156 : vector<256x2048xi32>
    %jit3A_158 = arith.constant 0x7F800000 : f32
    %broadcast_in_dim3A_159 = vector.broadcast %jit3A_158 : f32 to vector<256x2048xf32>
    %select_n3A_160 = arith.select %eq3A_157, %broadcast_in_dim3A_159, %select_n3A_144 : vector<256x2048xi1>, vector<256x2048xf32>
    %reduce_min3A_161 = arith.constant dense<0x7F800000> : vector<256xf32>
    %reduce_min3A_162 = vector.multi_reduction <minimumf>, %select_n3A_160, %reduce_min3A_161 [1] : vector<256x2048xf32> to vector<256xf32>
    %broadcast_in_dim3A_163 = vector.shape_cast %reduce_min3A_162 : vector<256xf32> to vector<256x1xf32>
    %eq3A_164 = vector.broadcast %broadcast_in_dim3A_163 : vector<256x1xf32> to vector<256x2048xf32>
    %eq3A_165 = arith.cmpf oeq, %select_n3A_160, %eq3A_164 : vector<256x2048xf32>
    %jit3A_166 = arith.constant 2048 : i32
    %broadcast_in_dim3A_167 = vector.broadcast %jit3A_166 : i32 to vector<256x2048xi32>
    %select_n3A_168 = arith.select %eq3A_165, %iota3A, %broadcast_in_dim3A_167 : vector<256x2048xi1>, vector<256x2048xi32>
    %reduce_min3A_169 = arith.constant dense<2147483647> : vector<256xi32>
    %reduce_min3A_170 = vector.multi_reduction <minsi>, %select_n3A_168, %reduce_min3A_169 [1] : vector<256x2048xi32> to vector<256xi32>
    %broadcast_in_dim3A_171 = vector.shape_cast %reduce_min3A_170 : vector<256xi32> to vector<256x1xi32>
    %eq3A_172 = vector.broadcast %broadcast_in_dim3A_171 : vector<256x1xi32> to vector<256x2048xi32>
    %eq3A_173 = arith.cmpi eq, %iota3A, %eq3A_172 : vector<256x2048xi32>
    %jit3A_174 = arith.constant 0x7F800000 : f32
    %broadcast_in_dim3A_175 = vector.broadcast %jit3A_174 : f32 to vector<256x2048xf32>
    %select_n3A_176 = arith.select %eq3A_173, %broadcast_in_dim3A_175, %select_n3A_160 : vector<256x2048xi1>, vector<256x2048xf32>
    %reduce_min3A_177 = arith.constant dense<0x7F800000> : vector<256xf32>
    %reduce_min3A_178 = vector.multi_reduction <minimumf>, %select_n3A_176, %reduce_min3A_177 [1] : vector<256x2048xf32> to vector<256xf32>
    %broadcast_in_dim3A_179 = vector.shape_cast %reduce_min3A_178 : vector<256xf32> to vector<256x1xf32>
    %eq3A_180 = vector.broadcast %broadcast_in_dim3A_179 : vector<256x1xf32> to vector<256x2048xf32>
    %eq3A_181 = arith.cmpf oeq, %select_n3A_176, %eq3A_180 : vector<256x2048xf32>
    %jit3A_182 = arith.constant 2048 : i32
    %broadcast_in_dim3A_183 = vector.broadcast %jit3A_182 : i32 to vector<256x2048xi32>
    %select_n3A_184 = arith.select %eq3A_181, %iota3A, %broadcast_in_dim3A_183 : vector<256x2048xi1>, vector<256x2048xi32>
    %reduce_min3A_185 = arith.constant dense<2147483647> : vector<256xi32>
    %reduce_min3A_186 = vector.multi_reduction <minsi>, %select_n3A_184, %reduce_min3A_185 [1] : vector<256x2048xi32> to vector<256xi32>
    %broadcast_in_dim3A_187 = vector.shape_cast %reduce_min3A_186 : vector<256xi32> to vector<256x1xi32>
    %eq3A_188 = vector.broadcast %broadcast_in_dim3A_187 : vector<256x1xi32> to vector<256x2048xi32>
    %eq3A_189 = arith.cmpi eq, %iota3A, %eq3A_188 : vector<256x2048xi32>
    %jit3A_190 = arith.constant 0x7F800000 : f32
    %broadcast_in_dim3A_191 = vector.broadcast %jit3A_190 : f32 to vector<256x2048xf32>
    %select_n3A_192 = arith.select %eq3A_189, %broadcast_in_dim3A_191, %select_n3A_176 : vector<256x2048xi1>, vector<256x2048xf32>
    %reduce_min3A_193 = arith.constant dense<0x7F800000> : vector<256xf32>
    %reduce_min3A_194 = vector.multi_reduction <minimumf>, %select_n3A_192, %reduce_min3A_193 [1] : vector<256x2048xf32> to vector<256xf32>
    %broadcast_in_dim3A_195 = vector.shape_cast %reduce_min3A_194 : vector<256xf32> to vector<256x1xf32>
    %eq3A_196 = vector.broadcast %broadcast_in_dim3A_195 : vector<256x1xf32> to vector<256x2048xf32>
    %eq3A_197 = arith.cmpf oeq, %select_n3A_192, %eq3A_196 : vector<256x2048xf32>
    %jit3A_198 = arith.constant 2048 : i32
    %broadcast_in_dim3A_199 = vector.broadcast %jit3A_198 : i32 to vector<256x2048xi32>
    %select_n3A_200 = arith.select %eq3A_197, %iota3A, %broadcast_in_dim3A_199 : vector<256x2048xi1>, vector<256x2048xi32>
    %reduce_min3A_201 = arith.constant dense<2147483647> : vector<256xi32>
    %reduce_min3A_202 = vector.multi_reduction <minsi>, %select_n3A_200, %reduce_min3A_201 [1] : vector<256x2048xi32> to vector<256xi32>
    %broadcast_in_dim3A_203 = vector.shape_cast %reduce_min3A_202 : vector<256xi32> to vector<256x1xi32>
    %eq3A_204 = vector.broadcast %broadcast_in_dim3A_203 : vector<256x1xi32> to vector<256x2048xi32>
    %eq3A_205 = arith.cmpi eq, %iota3A, %eq3A_204 : vector<256x2048xi32>
    %jit3A_206 = arith.constant 0x7F800000 : f32
    %broadcast_in_dim3A_207 = vector.broadcast %jit3A_206 : f32 to vector<256x2048xf32>
    %select_n3A_208 = arith.select %eq3A_205, %broadcast_in_dim3A_207, %select_n3A_192 : vector<256x2048xi1>, vector<256x2048xf32>
    %reduce_min3A_209 = arith.constant dense<0x7F800000> : vector<256xf32>
    %reduce_min3A_210 = vector.multi_reduction <minimumf>, %select_n3A_208, %reduce_min3A_209 [1] : vector<256x2048xf32> to vector<256xf32>
    %broadcast_in_dim3A_211 = vector.shape_cast %reduce_min3A_210 : vector<256xf32> to vector<256x1xf32>
    %eq3A_212 = vector.broadcast %broadcast_in_dim3A_211 : vector<256x1xf32> to vector<256x2048xf32>
    %eq3A_213 = arith.cmpf oeq, %select_n3A_208, %eq3A_212 : vector<256x2048xf32>
    %jit3A_214 = arith.constant 2048 : i32
    %broadcast_in_dim3A_215 = vector.broadcast %jit3A_214 : i32 to vector<256x2048xi32>
    %select_n3A_216 = arith.select %eq3A_213, %iota3A, %broadcast_in_dim3A_215 : vector<256x2048xi1>, vector<256x2048xi32>
    %reduce_min3A_217 = arith.constant dense<2147483647> : vector<256xi32>
    %reduce_min3A_218 = vector.multi_reduction <minsi>, %select_n3A_216, %reduce_min3A_217 [1] : vector<256x2048xi32> to vector<256xi32>
    %broadcast_in_dim3A_219 = vector.shape_cast %reduce_min3A_218 : vector<256xi32> to vector<256x1xi32>
    %eq3A_220 = vector.broadcast %broadcast_in_dim3A_219 : vector<256x1xi32> to vector<256x2048xi32>
    %eq3A_221 = arith.cmpi eq, %iota3A, %eq3A_220 : vector<256x2048xi32>
    %jit3A_222 = arith.constant 0x7F800000 : f32
    %broadcast_in_dim3A_223 = vector.broadcast %jit3A_222 : f32 to vector<256x2048xf32>
    %select_n3A_224 = arith.select %eq3A_221, %broadcast_in_dim3A_223, %select_n3A_208 : vector<256x2048xi1>, vector<256x2048xf32>
    %reduce_min3A_225 = arith.constant dense<0x7F800000> : vector<256xf32>
    %reduce_min3A_226 = vector.multi_reduction <minimumf>, %select_n3A_224, %reduce_min3A_225 [1] : vector<256x2048xf32> to vector<256xf32>
    %broadcast_in_dim3A_227 = vector.shape_cast %reduce_min3A_226 : vector<256xf32> to vector<256x1xf32>
    %eq3A_228 = vector.broadcast %broadcast_in_dim3A_227 : vector<256x1xf32> to vector<256x2048xf32>
    %eq3A_229 = arith.cmpf oeq, %select_n3A_224, %eq3A_228 : vector<256x2048xf32>
    %jit3A_230 = arith.constant 2048 : i32
    %broadcast_in_dim3A_231 = vector.broadcast %jit3A_230 : i32 to vector<256x2048xi32>
    %select_n3A_232 = arith.select %eq3A_229, %iota3A, %broadcast_in_dim3A_231 : vector<256x2048xi1>, vector<256x2048xi32>
    %reduce_min3A_233 = arith.constant dense<2147483647> : vector<256xi32>
    %reduce_min3A_234 = vector.multi_reduction <minsi>, %select_n3A_232, %reduce_min3A_233 [1] : vector<256x2048xi32> to vector<256xi32>
    %broadcast_in_dim3A_235 = vector.shape_cast %reduce_min3A_234 : vector<256xi32> to vector<256x1xi32>
    %eq3A_236 = vector.broadcast %broadcast_in_dim3A_235 : vector<256x1xi32> to vector<256x2048xi32>
    %eq3A_237 = arith.cmpi eq, %iota3A, %eq3A_236 : vector<256x2048xi32>
    %jit3A_238 = arith.constant 0x7F800000 : f32
    %broadcast_in_dim3A_239 = vector.broadcast %jit3A_238 : f32 to vector<256x2048xf32>
    %select_n3A_240 = arith.select %eq3A_237, %broadcast_in_dim3A_239, %select_n3A_224 : vector<256x2048xi1>, vector<256x2048xf32>
    %reduce_min3A_241 = arith.constant dense<0x7F800000> : vector<256xf32>
    %reduce_min3A_242 = vector.multi_reduction <minimumf>, %select_n3A_240, %reduce_min3A_241 [1] : vector<256x2048xf32> to vector<256xf32>
    %broadcast_in_dim3A_243 = vector.shape_cast %reduce_min3A_242 : vector<256xf32> to vector<256x1xf32>
    %eq3A_244 = vector.broadcast %broadcast_in_dim3A_243 : vector<256x1xf32> to vector<256x2048xf32>
    %eq3A_245 = arith.cmpf oeq, %select_n3A_240, %eq3A_244 : vector<256x2048xf32>
    %jit3A_246 = arith.constant 2048 : i32
    %broadcast_in_dim3A_247 = vector.broadcast %jit3A_246 : i32 to vector<256x2048xi32>
    %select_n3A_248 = arith.select %eq3A_245, %iota3A, %broadcast_in_dim3A_247 : vector<256x2048xi1>, vector<256x2048xi32>
    %reduce_min3A_249 = arith.constant dense<2147483647> : vector<256xi32>
    %reduce_min3A_250 = vector.multi_reduction <minsi>, %select_n3A_248, %reduce_min3A_249 [1] : vector<256x2048xi32> to vector<256xi32>
    %broadcast_in_dim3A_251 = vector.shape_cast %reduce_min3A_250 : vector<256xi32> to vector<256x1xi32>
    %eq3A_252 = vector.broadcast %broadcast_in_dim3A_251 : vector<256x1xi32> to vector<256x2048xi32>
    %eq3A_253 = arith.cmpi eq, %iota3A, %eq3A_252 : vector<256x2048xi32>
    %jit3A_254 = arith.constant 0x7F800000 : f32
    %broadcast_in_dim3A_255 = vector.broadcast %jit3A_254 : f32 to vector<256x2048xf32>
    %select_n3A_256 = arith.select %eq3A_253, %broadcast_in_dim3A_255, %select_n3A_240 : vector<256x2048xi1>, vector<256x2048xf32>
    %reduce_min3A_257 = arith.constant dense<0x7F800000> : vector<256xf32>
    %reduce_min3A_258 = vector.multi_reduction <minimumf>, %select_n3A_256, %reduce_min3A_257 [1] : vector<256x2048xf32> to vector<256xf32>
    %broadcast_in_dim3A_259 = vector.shape_cast %reduce_min3A_258 : vector<256xf32> to vector<256x1xf32>
    %eq3A_260 = vector.broadcast %broadcast_in_dim3A_259 : vector<256x1xf32> to vector<256x2048xf32>
    %eq3A_261 = arith.cmpf oeq, %select_n3A_256, %eq3A_260 : vector<256x2048xf32>
    %jit3A_262 = arith.constant 2048 : i32
    %broadcast_in_dim3A_263 = vector.broadcast %jit3A_262 : i32 to vector<256x2048xi32>
    %select_n3A_264 = arith.select %eq3A_261, %iota3A, %broadcast_in_dim3A_263 : vector<256x2048xi1>, vector<256x2048xi32>
    %reduce_min3A_265 = arith.constant dense<2147483647> : vector<256xi32>
    %reduce_min3A_266 = vector.multi_reduction <minsi>, %select_n3A_264, %reduce_min3A_265 [1] : vector<256x2048xi32> to vector<256xi32>
    %broadcast_in_dim3A_267 = vector.shape_cast %reduce_min3A_266 : vector<256xi32> to vector<256x1xi32>
    %concatenate3A = tpu.concatenate %broadcast_in_dim3A_27, %broadcast_in_dim3A_43, %broadcast_in_dim3A_59, %broadcast_in_dim3A_75, %broadcast_in_dim3A_91, %broadcast_in_dim3A_107, %broadcast_in_dim3A_123, %broadcast_in_dim3A_139, %broadcast_in_dim3A_155, %broadcast_in_dim3A_171, %broadcast_in_dim3A_187, %broadcast_in_dim3A_203, %broadcast_in_dim3A_219, %broadcast_in_dim3A_235, %broadcast_in_dim3A_251, %broadcast_in_dim3A_267 in 1 : vector<256x1xi32>, vector<256x1xi32>, vector<256x1xi32>, vector<256x1xi32>, vector<256x1xi32>, vector<256x1xi32>, vector<256x1xi32>, vector<256x1xi32>, vector<256x1xi32>, vector<256x1xi32>, vector<256x1xi32>, vector<256x1xi32>, vector<256x1xi32>, vector<256x1xi32>, vector<256x1xi32>, vector<256x1xi32> -> vector<256x16xi32>
    %mul3A_268 = arith.constant 2048 : i32
    %mul3A_269 = arith.muli %arg0, %mul3A_268 : i32
    %add3A_270 = vector.broadcast %mul3A_269 : i32 to vector<256x16xi32>
    %add3A_271 = arith.addi %concatenate3A, %add3A_270 : vector<256x16xi32>
    %swap3A = arith.constant 0 : index
    %swap3A_272 = arith.constant 0 : index
    %swap3A_273 = arith.constant 0 : index
    %swap3A_274 = vector.load %arg4[%swap3A, %swap3A_272, %swap3A_273] : memref<1x256x16xi32, #tpu.memory_space<vmem>>, vector<1x256x16xi32>
    %swap3A_275 = vector.shape_cast %swap3A_274 : vector<1x256x16xi32> to vector<256x16xi32>
    %swap3A_276 = vector.shape_cast %add3A_271 : vector<256x16xi32> to vector<1x256x16xi32>
    tpu.vector_store %arg4[%swap3A, %swap3A_272, %swap3A_273], %swap3A_276 {strides = array<i32>} : memref<1x256x16xi32, #tpu.memory_space<vmem>>, vector<1x256x16xi32>,
    return
  }
  func.func @transform_0(%arg0: i32, %arg1: i32) -> (i32, i32, i32) {
    %c0_i32 = arith.constant 0 : i32
    %c0_i32_0 = arith.constant 0 : i32
    return %arg0, %arg1, %c0_i32 : i32, i32, i32
  }
  func.func @transform_1(%arg0: i32, %arg1: i32) -> (i32, i32, i32) {
    %c0_i32 = arith.constant 0 : i32
    %c0_i32_0 = arith.constant 0 : i32
    %c0_i32_1 = arith.constant 0 : i32
    return %arg0, %c0_i32, %c0_i32_0 : i32, i32, i32
  }
  func.func @transform_2(%arg0: i32, %arg1: i32) -> (i32, i32, i32) {
    %c0_i32 = arith.constant 0 : i32
    %c0_i32_0 = arith.constant 0 : i32
    return %arg0, %arg1, %c0_i32 : i32, i32, i32
  }
}

module attributes {stable_mosaic.version = 14 : i64} {
  func.func @body(%arg0: memref<3x8x2048xf32, #tpu.memory_space<vmem>>, %arg1: memref<8x512xi32, #tpu.memory_space<vmem>>) attributes {dimension_semantics = [], scalar_prefetch = 0 : i64, scratch_operands = 0 : i64, tpu.core_type = #tpu.core_type<tc>} {
    %get3A = arith.constant 0 : index
    %get3A_0 = arith.constant 0 : index
    %get3A_1 = arith.constant 0 : index
    %get3A_2 = vector.load %arg0[%get3A, %get3A_0, %get3A_1] : memref<3x8x2048xf32, #tpu.memory_space<vmem>>, vector<1x8x2048xf32>
    %get3A_3 = vector.shape_cast %get3A_2 : vector<1x8x2048xf32> to vector<8x2048xf32>
    %get3A_4 = arith.constant 1 : index
    %get3A_5 = arith.constant 0 : index
    %get3A_6 = arith.constant 0 : index
    %get3A_7 = vector.load %arg0[%get3A_4, %get3A_5, %get3A_6] : memref<3x8x2048xf32, #tpu.memory_space<vmem>>, vector<1x8x2048xf32>
    %get3A_8 = vector.shape_cast %get3A_7 : vector<1x8x2048xf32> to vector<8x2048xf32>
    %get3A_9 = arith.constant 2 : index
    %get3A_10 = arith.constant 0 : index
    %get3A_11 = arith.constant 0 : index
    %get3A_12 = vector.load %arg0[%get3A_9, %get3A_10, %get3A_11] : memref<3x8x2048xf32, #tpu.memory_space<vmem>>, vector<1x8x2048xf32>
    %get3A_13 = vector.shape_cast %get3A_12 : vector<1x8x2048xf32> to vector<8x2048xf32>
    %iota3A = tpu.iota {dimensions = array<i32: 1>} : vector<8x2048xi32>
    %iota3A_14 = tpu.iota {dimensions = array<i32: 1>} : vector<8x512xi32>
    %iota3A_15 = tpu.iota {dimensions = array<i32: 0>} : vector<8x1xi32>
    %mul3A = arith.constant 2048 : i32
    %mul3A_16 = vector.broadcast %mul3A : i32 to vector<8x1xi32>
    %mul3A_17 = arith.muli %iota3A_15, %mul3A_16 : vector<8x1xi32>
    %broadcast_in_dim3A = arith.constant 0x7F800000 : f32
    %broadcast_in_dim3A_18 = vector.broadcast %broadcast_in_dim3A : f32 to vector<8x2048xf32>
    %broadcast_in_dim3A_19 = vector.shape_cast %mul3A_17 : vector<8x1xi32> to vector<8x1xi32>
    %broadcast_in_dim3A_20 = vector.broadcast %broadcast_in_dim3A_19 : vector<8x1xi32> to vector<8x512xi32>
    %broadcast_in_dim3A_21 = arith.constant 0 : i32
    %broadcast_in_dim3A_22 = vector.broadcast %broadcast_in_dim3A_21 : i32 to vector<8x1xi32>
    %scan3A = arith.constant 1 : i32
    %scan3A_23 = arith.constant 511 : i32
    %scan3A_24 = arith.addi %scan3A, %scan3A_23 : i32
    %scan3A_25 = arith.constant 1 : i32
    %scan3A_26:3 = scf.for %scan3A_30 = %scan3A to %scan3A_24 step %scan3A_25 iter_args(%scan3A_31 = %broadcast_in_dim3A_18, %scan3A_32 = %broadcast_in_dim3A_20, %scan3A_33 = %broadcast_in_dim3A_22) -> (vector<8x2048xf32>, vector<8x512xi32>, vector<8x1xi32>)  : i32 {
      %eq3A = vector.broadcast %scan3A_33 : vector<8x1xi32> to vector<8x2048xi32>
      %eq3A_34 = arith.cmpi eq, %iota3A, %eq3A : vector<8x2048xi32>
      %jit3A = arith.constant 0.000000e+00 : f32
      %broadcast_in_dim3A_35 = vector.broadcast %jit3A : f32 to vector<8x2048xf32>
      %select_n3A = arith.select %eq3A_34, %get3A_3, %broadcast_in_dim3A_35 : vector<8x2048xi1>, vector<8x2048xf32>
      %reduce_sum3A = arith.constant dense<0.000000e+00> : vector<8xf32>
      %reduce_sum3A_36 = vector.multi_reduction <add>, %select_n3A, %reduce_sum3A [1] : vector<8x2048xf32> to vector<8xf32>
      %broadcast_in_dim3A_37 = vector.shape_cast %reduce_sum3A_36 : vector<8xf32> to vector<8x1xf32>
      %jit3A_38 = arith.constant 0.000000e+00 : f32
      %broadcast_in_dim3A_39 = vector.broadcast %jit3A_38 : f32 to vector<8x2048xf32>
      %select_n3A_40 = arith.select %eq3A_34, %get3A_8, %broadcast_in_dim3A_39 : vector<8x2048xi1>, vector<8x2048xf32>
      %reduce_sum3A_41 = arith.constant dense<0.000000e+00> : vector<8xf32>
      %reduce_sum3A_42 = vector.multi_reduction <add>, %select_n3A_40, %reduce_sum3A_41 [1] : vector<8x2048xf32> to vector<8xf32>
      %broadcast_in_dim3A_43 = vector.shape_cast %reduce_sum3A_42 : vector<8xf32> to vector<8x1xf32>
      %jit3A_44 = arith.constant 0.000000e+00 : f32
      %broadcast_in_dim3A_45 = vector.broadcast %jit3A_44 : f32 to vector<8x2048xf32>
      %select_n3A_46 = arith.select %eq3A_34, %get3A_13, %broadcast_in_dim3A_45 : vector<8x2048xi1>, vector<8x2048xf32>
      %reduce_sum3A_47 = arith.constant dense<0.000000e+00> : vector<8xf32>
      %reduce_sum3A_48 = vector.multi_reduction <add>, %select_n3A_46, %reduce_sum3A_47 [1] : vector<8x2048xf32> to vector<8xf32>
      %broadcast_in_dim3A_49 = vector.shape_cast %reduce_sum3A_48 : vector<8xf32> to vector<8x1xf32>
      %sub3A = vector.broadcast %broadcast_in_dim3A_37 : vector<8x1xf32> to vector<8x2048xf32>
      %sub3A_50 = arith.subf %get3A_3, %sub3A : vector<8x2048xf32>
      %sub3A_51 = vector.broadcast %broadcast_in_dim3A_43 : vector<8x1xf32> to vector<8x2048xf32>
      %sub3A_52 = arith.subf %get3A_8, %sub3A_51 : vector<8x2048xf32>
      %sub3A_53 = vector.broadcast %broadcast_in_dim3A_49 : vector<8x1xf32> to vector<8x2048xf32>
      %sub3A_54 = arith.subf %get3A_13, %sub3A_53 : vector<8x2048xf32>
      %mul3A_55 = arith.mulf %sub3A_50, %sub3A_50 : vector<8x2048xf32>
      %mul3A_56 = arith.mulf %sub3A_52, %sub3A_52 : vector<8x2048xf32>
      %add3A = arith.addf %mul3A_55, %mul3A_56 : vector<8x2048xf32>
      %mul3A_57 = arith.mulf %sub3A_54, %sub3A_54 : vector<8x2048xf32>
      %add3A_58 = arith.addf %add3A, %mul3A_57 : vector<8x2048xf32>
      %min3A = arith.minimumf %scan3A_31, %add3A_58 : vector<8x2048xf32>
      %reduce_max3A = arith.constant dense<0xFF800000> : vector<8xf32>
      %reduce_max3A_59 = vector.multi_reduction <maximumf>, %min3A, %reduce_max3A [1] : vector<8x2048xf32> to vector<8xf32>
      %broadcast_in_dim3A_60 = vector.shape_cast %reduce_max3A_59 : vector<8xf32> to vector<8x1xf32>
      %eq3A_61 = vector.broadcast %broadcast_in_dim3A_60 : vector<8x1xf32> to vector<8x2048xf32>
      %eq3A_62 = arith.cmpf oeq, %min3A, %eq3A_61 : vector<8x2048xf32>
      %jit3A_63 = arith.constant 2048 : i32
      %broadcast_in_dim3A_64 = vector.broadcast %jit3A_63 : i32 to vector<8x2048xi32>
      %select_n3A_65 = arith.select %eq3A_62, %iota3A, %broadcast_in_dim3A_64 : vector<8x2048xi1>, vector<8x2048xi32>
      %reduce_min3A = arith.constant dense<2147483647> : vector<8xi32>
      %reduce_min3A_66 = vector.multi_reduction <minsi>, %select_n3A_65, %reduce_min3A [1] : vector<8x2048xi32> to vector<8xi32>
      %broadcast_in_dim3A_67 = vector.shape_cast %reduce_min3A_66 : vector<8xi32> to vector<8x1xi32>
      %eq3A_68 = vector.broadcast %scan3A_30 : i32 to vector<8x512xi32>
      %eq3A_69 = arith.cmpi eq, %iota3A_14, %eq3A_68 : vector<8x512xi32>
      %add3A_70 = arith.addi %broadcast_in_dim3A_67, %mul3A_17 : vector<8x1xi32>
      %broadcast_in_dim3A_71 = vector.shape_cast %add3A_70 : vector<8x1xi32> to vector<8x1xi32>
      %broadcast_in_dim3A_72 = vector.broadcast %broadcast_in_dim3A_71 : vector<8x1xi32> to vector<8x512xi32>
      %select_n3A_73 = arith.select %eq3A_69, %broadcast_in_dim3A_72, %scan3A_32 : vector<8x512xi1>, vector<8x512xi32>
      scf.yield %min3A, %select_n3A_73, %broadcast_in_dim3A_67 : vector<8x2048xf32>, vector<8x512xi32>, vector<8x1xi32>
    }
    %scan3A_27 = arith.constant 511 : i32
    %swap3A = arith.constant 0 : index
    %swap3A_28 = arith.constant 0 : index
    %swap3A_29 = vector.load %arg1[%swap3A, %swap3A_28] : memref<8x512xi32, #tpu.memory_space<vmem>>, vector<8x512xi32>
    tpu.vector_store %arg1[%swap3A, %swap3A_28], %scan3A_26#1 {strides = array<i32>} : memref<8x512xi32, #tpu.memory_space<vmem>>, vector<8x512xi32>,
    return
  }
}

module attributes {stable_mosaic.version = 14 : i64} {
  func.func @body(%arg0: i32, %arg1: i32, %arg2: memref<1x256x128xf32, #tpu.memory_space<vmem>>, %arg3: memref<1x256x3xf32, #tpu.memory_space<vmem>>, %arg4: memref<6x64xf32, #tpu.memory_space<vmem>>, %arg5: memref<1x256x64xf32, #tpu.memory_space<vmem>>, %arg6: memref<1x64xf32, #tpu.memory_space<vmem>>, %arg7: memref<1x64xf32, #tpu.memory_space<vmem>>) attributes {dimension_semantics = [#tpu.dimension_semantics<arbitrary>, #tpu.dimension_semantics<arbitrary>], iteration_bounds = array<i64: 8, 8>, scalar_prefetch = 0 : i64, scratch_operands = 0 : i64, tpu.core_type = #tpu.core_type<tc>, window_params = [{transform_indices = @transform_0, window_bounds = array<i64: 1, 256, 128>}, {transform_indices = @transform_1, window_bounds = array<i64: 1, 256, 3>}, {pipeline_mode = #tpu.pipeline_mode<synchronous>, transform_indices = @transform_2, window_bounds = array<i64: 6, 64>}, {transform_indices = @transform_3, window_bounds = array<i64: 1, 256, 64>}, {pipeline_mode = #tpu.pipeline_mode<synchronous>, transform_indices = @transform_4, window_bounds = array<i64: 1, 64>}, {pipeline_mode = #tpu.pipeline_mode<synchronous>, transform_indices = @transform_5, window_bounds = array<i64: 1, 64>}]} {
    %get3A = arith.constant 0 : index
    %get3A_0 = arith.constant 0 : index
    %get3A_1 = arith.constant 0 : index
    %get3A_2 = vector.load %arg2[%get3A, %get3A_0, %get3A_1] : memref<1x256x128xf32, #tpu.memory_space<vmem>>, vector<1x256x128xf32>
    %get3A_3 = vector.shape_cast %get3A_2 : vector<1x256x128xf32> to vector<256x128xf32>
    %get3A_4 = arith.constant 0 : index
    %get3A_5 = arith.constant 0 : index
    %get3A_6 = arith.constant 0 : index
    %get3A_7 = vector.load %arg3[%get3A_4, %get3A_5, %get3A_6] : memref<1x256x3xf32, #tpu.memory_space<vmem>>, vector<1x256x3xf32>
    %get3A_8 = vector.shape_cast %get3A_7 : vector<1x256x3xf32> to vector<256x3xf32>
    %get3A_9 = arith.constant 0 : index
    %get3A_10 = arith.constant 0 : index
    %get3A_11 = vector.load %arg4[%get3A_9, %get3A_10] : memref<6x64xf32, #tpu.memory_space<vmem>>, vector<6x64xf32>
    %convert_element_type3A = arith.truncf %get3A_11 : vector<6x64xf32> to vector<6x64xbf16>
    %slice3A = vector.extract_strided_slice %get3A_3 {offsets = [0, 0], sizes = [256, 3], strides = [1, 1]} : vector<256x128xf32> to vector<256x3xf32>
    %sub3A = arith.subf %slice3A, %get3A_8 : vector<256x3xf32>
    %concatenate3A = tpu.concatenate %sub3A, %get3A_8 in 1 : vector<256x3xf32>, vector<256x3xf32> -> vector<256x6xf32>
    %convert_element_type3A_12 = arith.truncf %concatenate3A : vector<256x6xf32> to vector<256x6xbf16>
    %dot_general3A = arith.constant dense<0.000000e+00> : vector<256x64xf32>
    %dot_general3A_13 = tpu.matmul %convert_element_type3A_12, %convert_element_type3A, %dot_general3A {dimension_numbers = #tpu.dot_dimension_numbers<[1], [0], [0], [1], [0, 0, 1, 1], [], []>, transpose_lhs_hint = false} : vector<256x6xbf16>, vector<6x64xbf16>, vector<256x64xf32> -> vector<256x64xf32>
    %mul3A = arith.mulf %dot_general3A_13, %dot_general3A_13 : vector<256x64xf32>
    %slice3A_14 = vector.extract_strided_slice %get3A_3 {offsets = [0, 8], sizes = [256, 3], strides = [1, 1]} : vector<256x128xf32> to vector<256x3xf32>
    %sub3A_15 = arith.subf %slice3A_14, %get3A_8 : vector<256x3xf32>
    %concatenate3A_16 = tpu.concatenate %sub3A_15, %get3A_8 in 1 : vector<256x3xf32>, vector<256x3xf32> -> vector<256x6xf32>
    %convert_element_type3A_17 = arith.truncf %concatenate3A_16 : vector<256x6xf32> to vector<256x6xbf16>
    %dot_general3A_18 = arith.constant dense<0.000000e+00> : vector<256x64xf32>
    %dot_general3A_19 = tpu.matmul %convert_element_type3A_17, %convert_element_type3A, %dot_general3A_18 {dimension_numbers = #tpu.dot_dimension_numbers<[1], [0], [0], [1], [0, 0, 1, 1], [], []>, transpose_lhs_hint = false} : vector<256x6xbf16>, vector<6x64xbf16>, vector<256x64xf32> -> vector<256x64xf32>
    %max3A = arith.maximumf %dot_general3A_13, %dot_general3A_19 : vector<256x64xf32>
    %add3A = arith.addf %dot_general3A_13, %dot_general3A_19 : vector<256x64xf32>
    %mul3A_20 = arith.mulf %dot_general3A_19, %dot_general3A_19 : vector<256x64xf32>
    %add3A_21 = arith.addf %mul3A, %mul3A_20 : vector<256x64xf32>
    %slice3A_22 = vector.extract_strided_slice %get3A_3 {offsets = [0, 16], sizes = [256, 3], strides = [1, 1]} : vector<256x128xf32> to vector<256x3xf32>
    %sub3A_23 = arith.subf %slice3A_22, %get3A_8 : vector<256x3xf32>
    %concatenate3A_24 = tpu.concatenate %sub3A_23, %get3A_8 in 1 : vector<256x3xf32>, vector<256x3xf32> -> vector<256x6xf32>
    %convert_element_type3A_25 = arith.truncf %concatenate3A_24 : vector<256x6xf32> to vector<256x6xbf16>
    %dot_general3A_26 = arith.constant dense<0.000000e+00> : vector<256x64xf32>
    %dot_general3A_27 = tpu.matmul %convert_element_type3A_25, %convert_element_type3A, %dot_general3A_26 {dimension_numbers = #tpu.dot_dimension_numbers<[1], [0], [0], [1], [0, 0, 1, 1], [], []>, transpose_lhs_hint = false} : vector<256x6xbf16>, vector<6x64xbf16>, vector<256x64xf32> -> vector<256x64xf32>
    %max3A_28 = arith.maximumf %max3A, %dot_general3A_27 : vector<256x64xf32>
    %add3A_29 = arith.addf %add3A, %dot_general3A_27 : vector<256x64xf32>
    %mul3A_30 = arith.mulf %dot_general3A_27, %dot_general3A_27 : vector<256x64xf32>
    %add3A_31 = arith.addf %add3A_21, %mul3A_30 : vector<256x64xf32>
    %slice3A_32 = vector.extract_strided_slice %get3A_3 {offsets = [0, 24], sizes = [256, 3], strides = [1, 1]} : vector<256x128xf32> to vector<256x3xf32>
    %sub3A_33 = arith.subf %slice3A_32, %get3A_8 : vector<256x3xf32>
    %concatenate3A_34 = tpu.concatenate %sub3A_33, %get3A_8 in 1 : vector<256x3xf32>, vector<256x3xf32> -> vector<256x6xf32>
    %convert_element_type3A_35 = arith.truncf %concatenate3A_34 : vector<256x6xf32> to vector<256x6xbf16>
    %dot_general3A_36 = arith.constant dense<0.000000e+00> : vector<256x64xf32>
    %dot_general3A_37 = tpu.matmul %convert_element_type3A_35, %convert_element_type3A, %dot_general3A_36 {dimension_numbers = #tpu.dot_dimension_numbers<[1], [0], [0], [1], [0, 0, 1, 1], [], []>, transpose_lhs_hint = false} : vector<256x6xbf16>, vector<6x64xbf16>, vector<256x64xf32> -> vector<256x64xf32>
    %max3A_38 = arith.maximumf %max3A_28, %dot_general3A_37 : vector<256x64xf32>
    %add3A_39 = arith.addf %add3A_29, %dot_general3A_37 : vector<256x64xf32>
    %mul3A_40 = arith.mulf %dot_general3A_37, %dot_general3A_37 : vector<256x64xf32>
    %add3A_41 = arith.addf %add3A_31, %mul3A_40 : vector<256x64xf32>
    %slice3A_42 = vector.extract_strided_slice %get3A_3 {offsets = [0, 32], sizes = [256, 3], strides = [1, 1]} : vector<256x128xf32> to vector<256x3xf32>
    %sub3A_43 = arith.subf %slice3A_42, %get3A_8 : vector<256x3xf32>
    %concatenate3A_44 = tpu.concatenate %sub3A_43, %get3A_8 in 1 : vector<256x3xf32>, vector<256x3xf32> -> vector<256x6xf32>
    %convert_element_type3A_45 = arith.truncf %concatenate3A_44 : vector<256x6xf32> to vector<256x6xbf16>
    %dot_general3A_46 = arith.constant dense<0.000000e+00> : vector<256x64xf32>
    %dot_general3A_47 = tpu.matmul %convert_element_type3A_45, %convert_element_type3A, %dot_general3A_46 {dimension_numbers = #tpu.dot_dimension_numbers<[1], [0], [0], [1], [0, 0, 1, 1], [], []>, transpose_lhs_hint = false} : vector<256x6xbf16>, vector<6x64xbf16>, vector<256x64xf32> -> vector<256x64xf32>
    %max3A_48 = arith.maximumf %max3A_38, %dot_general3A_47 : vector<256x64xf32>
    %add3A_49 = arith.addf %add3A_39, %dot_general3A_47 : vector<256x64xf32>
    %mul3A_50 = arith.mulf %dot_general3A_47, %dot_general3A_47 : vector<256x64xf32>
    %add3A_51 = arith.addf %add3A_41, %mul3A_50 : vector<256x64xf32>
    %slice3A_52 = vector.extract_strided_slice %get3A_3 {offsets = [0, 40], sizes = [256, 3], strides = [1, 1]} : vector<256x128xf32> to vector<256x3xf32>
    %sub3A_53 = arith.subf %slice3A_52, %get3A_8 : vector<256x3xf32>
    %concatenate3A_54 = tpu.concatenate %sub3A_53, %get3A_8 in 1 : vector<256x3xf32>, vector<256x3xf32> -> vector<256x6xf32>
    %convert_element_type3A_55 = arith.truncf %concatenate3A_54 : vector<256x6xf32> to vector<256x6xbf16>
    %dot_general3A_56 = arith.constant dense<0.000000e+00> : vector<256x64xf32>
    %dot_general3A_57 = tpu.matmul %convert_element_type3A_55, %convert_element_type3A, %dot_general3A_56 {dimension_numbers = #tpu.dot_dimension_numbers<[1], [0], [0], [1], [0, 0, 1, 1], [], []>, transpose_lhs_hint = false} : vector<256x6xbf16>, vector<6x64xbf16>, vector<256x64xf32> -> vector<256x64xf32>
    %max3A_58 = arith.maximumf %max3A_48, %dot_general3A_57 : vector<256x64xf32>
    %add3A_59 = arith.addf %add3A_49, %dot_general3A_57 : vector<256x64xf32>
    %mul3A_60 = arith.mulf %dot_general3A_57, %dot_general3A_57 : vector<256x64xf32>
    %add3A_61 = arith.addf %add3A_51, %mul3A_60 : vector<256x64xf32>
    %slice3A_62 = vector.extract_strided_slice %get3A_3 {offsets = [0, 48], sizes = [256, 3], strides = [1, 1]} : vector<256x128xf32> to vector<256x3xf32>
    %sub3A_63 = arith.subf %slice3A_62, %get3A_8 : vector<256x3xf32>
    %concatenate3A_64 = tpu.concatenate %sub3A_63, %get3A_8 in 1 : vector<256x3xf32>, vector<256x3xf32> -> vector<256x6xf32>
    %convert_element_type3A_65 = arith.truncf %concatenate3A_64 : vector<256x6xf32> to vector<256x6xbf16>
    %dot_general3A_66 = arith.constant dense<0.000000e+00> : vector<256x64xf32>
    %dot_general3A_67 = tpu.matmul %convert_element_type3A_65, %convert_element_type3A, %dot_general3A_66 {dimension_numbers = #tpu.dot_dimension_numbers<[1], [0], [0], [1], [0, 0, 1, 1], [], []>, transpose_lhs_hint = false} : vector<256x6xbf16>, vector<6x64xbf16>, vector<256x64xf32> -> vector<256x64xf32>
    %max3A_68 = arith.maximumf %max3A_58, %dot_general3A_67 : vector<256x64xf32>
    %add3A_69 = arith.addf %add3A_59, %dot_general3A_67 : vector<256x64xf32>
    %mul3A_70 = arith.mulf %dot_general3A_67, %dot_general3A_67 : vector<256x64xf32>
    %add3A_71 = arith.addf %add3A_61, %mul3A_70 : vector<256x64xf32>
    %slice3A_72 = vector.extract_strided_slice %get3A_3 {offsets = [0, 56], sizes = [256, 3], strides = [1, 1]} : vector<256x128xf32> to vector<256x3xf32>
    %sub3A_73 = arith.subf %slice3A_72, %get3A_8 : vector<256x3xf32>
    %concatenate3A_74 = tpu.concatenate %sub3A_73, %get3A_8 in 1 : vector<256x3xf32>, vector<256x3xf32> -> vector<256x6xf32>
    %convert_element_type3A_75 = arith.truncf %concatenate3A_74 : vector<256x6xf32> to vector<256x6xbf16>
    %dot_general3A_76 = arith.constant dense<0.000000e+00> : vector<256x64xf32>
    %dot_general3A_77 = tpu.matmul %convert_element_type3A_75, %convert_element_type3A, %dot_general3A_76 {dimension_numbers = #tpu.dot_dimension_numbers<[1], [0], [0], [1], [0, 0, 1, 1], [], []>, transpose_lhs_hint = false} : vector<256x6xbf16>, vector<6x64xbf16>, vector<256x64xf32> -> vector<256x64xf32>
    %max3A_78 = arith.maximumf %max3A_68, %dot_general3A_77 : vector<256x64xf32>
    %add3A_79 = arith.addf %add3A_69, %dot_general3A_77 : vector<256x64xf32>
    %mul3A_80 = arith.mulf %dot_general3A_77, %dot_general3A_77 : vector<256x64xf32>
    %add3A_81 = arith.addf %add3A_71, %mul3A_80 : vector<256x64xf32>
    %slice3A_82 = vector.extract_strided_slice %get3A_3 {offsets = [0, 64], sizes = [256, 3], strides = [1, 1]} : vector<256x128xf32> to vector<256x3xf32>
    %sub3A_83 = arith.subf %slice3A_82, %get3A_8 : vector<256x3xf32>
    %concatenate3A_84 = tpu.concatenate %sub3A_83, %get3A_8 in 1 : vector<256x3xf32>, vector<256x3xf32> -> vector<256x6xf32>
    %convert_element_type3A_85 = arith.truncf %concatenate3A_84 : vector<256x6xf32> to vector<256x6xbf16>
    %dot_general3A_86 = arith.constant dense<0.000000e+00> : vector<256x64xf32>
    %dot_general3A_87 = tpu.matmul %convert_element_type3A_85, %convert_element_type3A, %dot_general3A_86 {dimension_numbers = #tpu.dot_dimension_numbers<[1], [0], [0], [1], [0, 0, 1, 1], [], []>, transpose_lhs_hint = false} : vector<256x6xbf16>, vector<6x64xbf16>, vector<256x64xf32> -> vector<256x64xf32>
    %max3A_88 = arith.maximumf %max3A_78, %dot_general3A_87 : vector<256x64xf32>
    %add3A_89 = arith.addf %add3A_79, %dot_general3A_87 : vector<256x64xf32>
    %mul3A_90 = arith.mulf %dot_general3A_87, %dot_general3A_87 : vector<256x64xf32>
    %add3A_91 = arith.addf %add3A_81, %mul3A_90 : vector<256x64xf32>
    %slice3A_92 = vector.extract_strided_slice %get3A_3 {offsets = [0, 72], sizes = [256, 3], strides = [1, 1]} : vector<256x128xf32> to vector<256x3xf32>
    %sub3A_93 = arith.subf %slice3A_92, %get3A_8 : vector<256x3xf32>
    %concatenate3A_94 = tpu.concatenate %sub3A_93, %get3A_8 in 1 : vector<256x3xf32>, vector<256x3xf32> -> vector<256x6xf32>
    %convert_element_type3A_95 = arith.truncf %concatenate3A_94 : vector<256x6xf32> to vector<256x6xbf16>
    %dot_general3A_96 = arith.constant dense<0.000000e+00> : vector<256x64xf32>
    %dot_general3A_97 = tpu.matmul %convert_element_type3A_95, %convert_element_type3A, %dot_general3A_96 {dimension_numbers = #tpu.dot_dimension_numbers<[1], [0], [0], [1], [0, 0, 1, 1], [], []>, transpose_lhs_hint = false} : vector<256x6xbf16>, vector<6x64xbf16>, vector<256x64xf32> -> vector<256x64xf32>
    %max3A_98 = arith.maximumf %max3A_88, %dot_general3A_97 : vector<256x64xf32>
    %add3A_99 = arith.addf %add3A_89, %dot_general3A_97 : vector<256x64xf32>
    %mul3A_100 = arith.mulf %dot_general3A_97, %dot_general3A_97 : vector<256x64xf32>
    %add3A_101 = arith.addf %add3A_91, %mul3A_100 : vector<256x64xf32>
    %slice3A_102 = vector.extract_strided_slice %get3A_3 {offsets = [0, 80], sizes = [256, 3], strides = [1, 1]} : vector<256x128xf32> to vector<256x3xf32>
    %sub3A_103 = arith.subf %slice3A_102, %get3A_8 : vector<256x3xf32>
    %concatenate3A_104 = tpu.concatenate %sub3A_103, %get3A_8 in 1 : vector<256x3xf32>, vector<256x3xf32> -> vector<256x6xf32>
    %convert_element_type3A_105 = arith.truncf %concatenate3A_104 : vector<256x6xf32> to vector<256x6xbf16>
    %dot_general3A_106 = arith.constant dense<0.000000e+00> : vector<256x64xf32>
    %dot_general3A_107 = tpu.matmul %convert_element_type3A_105, %convert_element_type3A, %dot_general3A_106 {dimension_numbers = #tpu.dot_dimension_numbers<[1], [0], [0], [1], [0, 0, 1, 1], [], []>, transpose_lhs_hint = false} : vector<256x6xbf16>, vector<6x64xbf16>, vector<256x64xf32> -> vector<256x64xf32>
    %max3A_108 = arith.maximumf %max3A_98, %dot_general3A_107 : vector<256x64xf32>
    %add3A_109 = arith.addf %add3A_99, %dot_general3A_107 : vector<256x64xf32>
    %mul3A_110 = arith.mulf %dot_general3A_107, %dot_general3A_107 : vector<256x64xf32>
    %add3A_111 = arith.addf %add3A_101, %mul3A_110 : vector<256x64xf32>
    %slice3A_112 = vector.extract_strided_slice %get3A_3 {offsets = [0, 88], sizes = [256, 3], strides = [1, 1]} : vector<256x128xf32> to vector<256x3xf32>
    %sub3A_113 = arith.subf %slice3A_112, %get3A_8 : vector<256x3xf32>
    %concatenate3A_114 = tpu.concatenate %sub3A_113, %get3A_8 in 1 : vector<256x3xf32>, vector<256x3xf32> -> vector<256x6xf32>
    %convert_element_type3A_115 = arith.truncf %concatenate3A_114 : vector<256x6xf32> to vector<256x6xbf16>
    %dot_general3A_116 = arith.constant dense<0.000000e+00> : vector<256x64xf32>
    %dot_general3A_117 = tpu.matmul %convert_element_type3A_115, %convert_element_type3A, %dot_general3A_116 {dimension_numbers = #tpu.dot_dimension_numbers<[1], [0], [0], [1], [0, 0, 1, 1], [], []>, transpose_lhs_hint = false} : vector<256x6xbf16>, vector<6x64xbf16>, vector<256x64xf32> -> vector<256x64xf32>
    %max3A_118 = arith.maximumf %max3A_108, %dot_general3A_117 : vector<256x64xf32>
    %add3A_119 = arith.addf %add3A_109, %dot_general3A_117 : vector<256x64xf32>
    %mul3A_120 = arith.mulf %dot_general3A_117, %dot_general3A_117 : vector<256x64xf32>
    %add3A_121 = arith.addf %add3A_111, %mul3A_120 : vector<256x64xf32>
    %slice3A_122 = vector.extract_strided_slice %get3A_3 {offsets = [0, 96], sizes = [256, 3], strides = [1, 1]} : vector<256x128xf32> to vector<256x3xf32>
    %sub3A_123 = arith.subf %slice3A_122, %get3A_8 : vector<256x3xf32>
    %concatenate3A_124 = tpu.concatenate %sub3A_123, %get3A_8 in 1 : vector<256x3xf32>, vector<256x3xf32> -> vector<256x6xf32>
    %convert_element_type3A_125 = arith.truncf %concatenate3A_124 : vector<256x6xf32> to vector<256x6xbf16>
    %dot_general3A_126 = arith.constant dense<0.000000e+00> : vector<256x64xf32>
    %dot_general3A_127 = tpu.matmul %convert_element_type3A_125, %convert_element_type3A, %dot_general3A_126 {dimension_numbers = #tpu.dot_dimension_numbers<[1], [0], [0], [1], [0, 0, 1, 1], [], []>, transpose_lhs_hint = false} : vector<256x6xbf16>, vector<6x64xbf16>, vector<256x64xf32> -> vector<256x64xf32>
    %max3A_128 = arith.maximumf %max3A_118, %dot_general3A_127 : vector<256x64xf32>
    %add3A_129 = arith.addf %add3A_119, %dot_general3A_127 : vector<256x64xf32>
    %mul3A_130 = arith.mulf %dot_general3A_127, %dot_general3A_127 : vector<256x64xf32>
    %add3A_131 = arith.addf %add3A_121, %mul3A_130 : vector<256x64xf32>
    %slice3A_132 = vector.extract_strided_slice %get3A_3 {offsets = [0, 104], sizes = [256, 3], strides = [1, 1]} : vector<256x128xf32> to vector<256x3xf32>
    %sub3A_133 = arith.subf %slice3A_132, %get3A_8 : vector<256x3xf32>
    %concatenate3A_134 = tpu.concatenate %sub3A_133, %get3A_8 in 1 : vector<256x3xf32>, vector<256x3xf32> -> vector<256x6xf32>
    %convert_element_type3A_135 = arith.truncf %concatenate3A_134 : vector<256x6xf32> to vector<256x6xbf16>
    %dot_general3A_136 = arith.constant dense<0.000000e+00> : vector<256x64xf32>
    %dot_general3A_137 = tpu.matmul %convert_element_type3A_135, %convert_element_type3A, %dot_general3A_136 {dimension_numbers = #tpu.dot_dimension_numbers<[1], [0], [0], [1], [0, 0, 1, 1], [], []>, transpose_lhs_hint = false} : vector<256x6xbf16>, vector<6x64xbf16>, vector<256x64xf32> -> vector<256x64xf32>
    %max3A_138 = arith.maximumf %max3A_128, %dot_general3A_137 : vector<256x64xf32>
    %add3A_139 = arith.addf %add3A_129, %dot_general3A_137 : vector<256x64xf32>
    %mul3A_140 = arith.mulf %dot_general3A_137, %dot_general3A_137 : vector<256x64xf32>
    %add3A_141 = arith.addf %add3A_131, %mul3A_140 : vector<256x64xf32>
    %slice3A_142 = vector.extract_strided_slice %get3A_3 {offsets = [0, 112], sizes = [256, 3], strides = [1, 1]} : vector<256x128xf32> to vector<256x3xf32>
    %sub3A_143 = arith.subf %slice3A_142, %get3A_8 : vector<256x3xf32>
    %concatenate3A_144 = tpu.concatenate %sub3A_143, %get3A_8 in 1 : vector<256x3xf32>, vector<256x3xf32> -> vector<256x6xf32>
    %convert_element_type3A_145 = arith.truncf %concatenate3A_144 : vector<256x6xf32> to vector<256x6xbf16>
    %dot_general3A_146 = arith.constant dense<0.000000e+00> : vector<256x64xf32>
    %dot_general3A_147 = tpu.matmul %convert_element_type3A_145, %convert_element_type3A, %dot_general3A_146 {dimension_numbers = #tpu.dot_dimension_numbers<[1], [0], [0], [1], [0, 0, 1, 1], [], []>, transpose_lhs_hint = false} : vector<256x6xbf16>, vector<6x64xbf16>, vector<256x64xf32> -> vector<256x64xf32>
    %max3A_148 = arith.maximumf %max3A_138, %dot_general3A_147 : vector<256x64xf32>
    %add3A_149 = arith.addf %add3A_139, %dot_general3A_147 : vector<256x64xf32>
    %mul3A_150 = arith.mulf %dot_general3A_147, %dot_general3A_147 : vector<256x64xf32>
    %add3A_151 = arith.addf %add3A_141, %mul3A_150 : vector<256x64xf32>
    %slice3A_152 = vector.extract_strided_slice %get3A_3 {offsets = [0, 120], sizes = [256, 3], strides = [1, 1]} : vector<256x128xf32> to vector<256x3xf32>
    %sub3A_153 = arith.subf %slice3A_152, %get3A_8 : vector<256x3xf32>
    %concatenate3A_154 = tpu.concatenate %sub3A_153, %get3A_8 in 1 : vector<256x3xf32>, vector<256x3xf32> -> vector<256x6xf32>
    %convert_element_type3A_155 = arith.truncf %concatenate3A_154 : vector<256x6xf32> to vector<256x6xbf16>
    %dot_general3A_156 = arith.constant dense<0.000000e+00> : vector<256x64xf32>
    %dot_general3A_157 = tpu.matmul %convert_element_type3A_155, %convert_element_type3A, %dot_general3A_156 {dimension_numbers = #tpu.dot_dimension_numbers<[1], [0], [0], [1], [0, 0, 1, 1], [], []>, transpose_lhs_hint = false} : vector<256x6xbf16>, vector<6x64xbf16>, vector<256x64xf32> -> vector<256x64xf32>
    %max3A_158 = arith.maximumf %max3A_148, %dot_general3A_157 : vector<256x64xf32>
    %add3A_159 = arith.addf %add3A_149, %dot_general3A_157 : vector<256x64xf32>
    %mul3A_160 = arith.mulf %dot_general3A_157, %dot_general3A_157 : vector<256x64xf32>
    %add3A_161 = arith.addf %add3A_151, %mul3A_160 : vector<256x64xf32>
    %swap3A = arith.constant 0 : index
    %swap3A_162 = arith.constant 0 : index
    %swap3A_163 = arith.constant 0 : index
    %swap3A_164 = vector.load %arg5[%swap3A, %swap3A_162, %swap3A_163] : memref<1x256x64xf32, #tpu.memory_space<vmem>>, vector<1x256x64xf32>
    %swap3A_165 = vector.shape_cast %swap3A_164 : vector<1x256x64xf32> to vector<256x64xf32>
    %swap3A_166 = vector.shape_cast %max3A_158 : vector<256x64xf32> to vector<1x256x64xf32>
    tpu.vector_store %arg5[%swap3A, %swap3A_162, %swap3A_163], %swap3A_166 {strides = array<i32>} : memref<1x256x64xf32, #tpu.memory_space<vmem>>, vector<1x256x64xf32>,
    %reduce_sum3A = arith.constant dense<0.000000e+00> : vector<64xf32>
    %reduce_sum3A_167 = vector.multi_reduction <add>, %add3A_159, %reduce_sum3A [0] : vector<256x64xf32> to vector<64xf32>
    %broadcast_in_dim3A = vector.shape_cast %reduce_sum3A_167 : vector<64xf32> to vector<1x64xf32>
    %reduce_sum3A_168 = arith.constant dense<0.000000e+00> : vector<64xf32>
    %reduce_sum3A_169 = vector.multi_reduction <add>, %add3A_161, %reduce_sum3A_168 [0] : vector<256x64xf32> to vector<64xf32>
    %broadcast_in_dim3A_170 = vector.shape_cast %reduce_sum3A_169 : vector<64xf32> to vector<1x64xf32>
    %eq3A = arith.constant 0 : i32
    %eq3A_171 = arith.cmpi eq, %arg0, %eq3A : i32
    %eq3A_172 = arith.constant 0 : i32
    %eq3A_173 = arith.cmpi eq, %arg1, %eq3A_172 : i32
    %and3A = arith.andi %eq3A_171, %eq3A_173 : i1
    %convert_element_type3A_174 = arith.extui %and3A : i1 to i32
    %cond3A = arith.constant 0 : i32
    %cond3A_175 = arith.cmpi ne, %convert_element_type3A_174, %cond3A : i32
    scf.if %cond3A_175 {
      %broadcast_in_dim3A_190 = arith.constant 0.000000e+00 : f32
      %broadcast_in_dim3A_191 = vector.broadcast %broadcast_in_dim3A_190 : f32 to vector<1x64xf32>
      %swap3A_192 = arith.constant 0 : index
      %swap3A_193 = arith.constant 0 : index
      %swap3A_194 = vector.load %arg6[%swap3A_192, %swap3A_193] : memref<1x64xf32, #tpu.memory_space<vmem>>, vector<1x64xf32>
      tpu.vector_store %arg6[%swap3A_192, %swap3A_193], %broadcast_in_dim3A_191 {strides = array<i32>} : memref<1x64xf32, #tpu.memory_space<vmem>>, vector<1x64xf32>,
      %broadcast_in_dim3A_195 = arith.constant 0.000000e+00 : f32
      %broadcast_in_dim3A_196 = vector.broadcast %broadcast_in_dim3A_195 : f32 to vector<1x64xf32>
      %swap3A_197 = arith.constant 0 : index
      %swap3A_198 = arith.constant 0 : index
      %swap3A_199 = vector.load %arg7[%swap3A_197, %swap3A_198] : memref<1x64xf32, #tpu.memory_space<vmem>>, vector<1x64xf32>
      tpu.vector_store %arg7[%swap3A_197, %swap3A_198], %broadcast_in_dim3A_196 {strides = array<i32>} : memref<1x64xf32, #tpu.memory_space<vmem>>, vector<1x64xf32>,
    } else {
    }
    %get3A_176 = arith.constant 0 : index
    %get3A_177 = arith.constant 0 : index
    %get3A_178 = vector.load %arg6[%get3A_176, %get3A_177] : memref<1x64xf32, #tpu.memory_space<vmem>>, vector<1x64xf32>
    %add3A_179 = arith.addf %get3A_178, %broadcast_in_dim3A : vector<1x64xf32>
    %swap3A_180 = arith.constant 0 : index
    %swap3A_181 = arith.constant 0 : index
    %swap3A_182 = vector.load %arg6[%swap3A_180, %swap3A_181] : memref<1x64xf32, #tpu.memory_space<vmem>>, vector<1x64xf32>
    tpu.vector_store %arg6[%swap3A_180, %swap3A_181], %add3A_179 {strides = array<i32>} : memref<1x64xf32, #tpu.memory_space<vmem>>, vector<1x64xf32>,
    %get3A_183 = arith.constant 0 : index
    %get3A_184 = arith.constant 0 : index
    %get3A_185 = vector.load %arg7[%get3A_183, %get3A_184] : memref<1x64xf32, #tpu.memory_space<vmem>>, vector<1x64xf32>
    %add3A_186 = arith.addf %get3A_185, %broadcast_in_dim3A_170 : vector<1x64xf32>
    %swap3A_187 = arith.constant 0 : index
    %swap3A_188 = arith.constant 0 : index
    %swap3A_189 = vector.load %arg7[%swap3A_187, %swap3A_188] : memref<1x64xf32, #tpu.memory_space<vmem>>, vector<1x64xf32>
    tpu.vector_store %arg7[%swap3A_187, %swap3A_188], %add3A_186 {strides = array<i32>} : memref<1x64xf32, #tpu.memory_space<vmem>>, vector<1x64xf32>,
    return
  }
  func.func @transform_0(%arg0: i32, %arg1: i32) -> (i32, i32, i32) {
    %c0_i32 = arith.constant 0 : i32
    %c0_i32_0 = arith.constant 0 : i32
    return %arg0, %arg1, %c0_i32 : i32, i32, i32
  }
  func.func @transform_1(%arg0: i32, %arg1: i32) -> (i32, i32, i32) {
    %c0_i32 = arith.constant 0 : i32
    %c0_i32_0 = arith.constant 0 : i32
    return %arg0, %arg1, %c0_i32 : i32, i32, i32
  }
  func.func @transform_2(%arg0: i32, %arg1: i32) -> (i32, i32) {
    %c0_i32 = arith.constant 0 : i32
    %c0_i32_0 = arith.constant 0 : i32
    %c0_i32_1 = arith.constant 0 : i32
    return %c0_i32, %c0_i32_0 : i32, i32
  }
  func.func @transform_3(%arg0: i32, %arg1: i32) -> (i32, i32, i32) {
    %c0_i32 = arith.constant 0 : i32
    %c0_i32_0 = arith.constant 0 : i32
    return %arg0, %arg1, %c0_i32 : i32, i32, i32
  }
  func.func @transform_4(%arg0: i32, %arg1: i32) -> (i32, i32) {
    %c0_i32 = arith.constant 0 : i32
    %c0_i32_0 = arith.constant 0 : i32
    %c0_i32_1 = arith.constant 0 : i32
    return %c0_i32, %c0_i32_0 : i32, i32
  }
  func.func @transform_5(%arg0: i32, %arg1: i32) -> (i32, i32) {
    %c0_i32 = arith.constant 0 : i32
    %c0_i32_0 = arith.constant 0 : i32
    %c0_i32_1 = arith.constant 0 : i32
    return %c0_i32, %c0_i32_0 : i32, i32
  }
}

module attributes {stable_mosaic.version = 14 : i64} {
  func.func @body(%arg0: i32, %arg1: i32, %arg2: memref<1x512x64xf32, #tpu.memory_space<vmem>>, %arg3: memref<1x64xf32, #tpu.memory_space<vmem>>, %arg4: memref<1x64xf32, #tpu.memory_space<vmem>>, %arg5: memref<1x512x64xf32, #tpu.memory_space<vmem>>) attributes {dimension_semantics = [#tpu.dimension_semantics<arbitrary>, #tpu.dimension_semantics<arbitrary>], iteration_bounds = array<i64: 8, 1>, scalar_prefetch = 0 : i64, scratch_operands = 0 : i64, tpu.core_type = #tpu.core_type<tc>, window_params = [{transform_indices = @transform_0, window_bounds = array<i64: 1, 512, 64>}, {pipeline_mode = #tpu.pipeline_mode<synchronous>, transform_indices = @transform_1, window_bounds = array<i64: 1, 64>}, {pipeline_mode = #tpu.pipeline_mode<synchronous>, transform_indices = @transform_2, window_bounds = array<i64: 1, 64>}, {transform_indices = @transform_3, window_bounds = array<i64: 1, 512, 64>}]} {
    %get3A = arith.constant 0 : index
    %get3A_0 = arith.constant 0 : index
    %get3A_1 = arith.constant 0 : index
    %get3A_2 = vector.load %arg2[%get3A, %get3A_0, %get3A_1] : memref<1x512x64xf32, #tpu.memory_space<vmem>>, vector<1x512x64xf32>
    %get3A_3 = vector.shape_cast %get3A_2 : vector<1x512x64xf32> to vector<512x64xf32>
    %get3A_4 = arith.constant 0 : index
    %get3A_5 = arith.constant 0 : index
    %get3A_6 = vector.load %arg3[%get3A_4, %get3A_5] : memref<1x64xf32, #tpu.memory_space<vmem>>, vector<1x64xf32>
    %mul3A = vector.broadcast %get3A_6 : vector<1x64xf32> to vector<512x64xf32>
    %mul3A_7 = arith.mulf %get3A_3, %mul3A : vector<512x64xf32>
    %get3A_8 = arith.constant 0 : index
    %get3A_9 = arith.constant 0 : index
    %get3A_10 = vector.load %arg4[%get3A_8, %get3A_9] : memref<1x64xf32, #tpu.memory_space<vmem>>, vector<1x64xf32>
    %add3A = vector.broadcast %get3A_10 : vector<1x64xf32> to vector<512x64xf32>
    %add3A_11 = arith.addf %mul3A_7, %add3A : vector<512x64xf32>
    %gt3A = arith.constant 0.000000e+00 : f32
    %gt3A_12 = vector.broadcast %gt3A : f32 to vector<512x64xf32>
    %gt3A_13 = arith.cmpf ogt, %add3A_11, %gt3A_12 : vector<512x64xf32>
    %mul3A_14 = arith.constant 2.000000e-01 : f32
    %mul3A_15 = vector.broadcast %mul3A_14 : f32 to vector<512x64xf32>
    %mul3A_16 = arith.mulf %mul3A_15, %add3A_11 : vector<512x64xf32>
    %select_n3A = arith.select %gt3A_13, %add3A_11, %mul3A_16 : vector<512x64xi1>, vector<512x64xf32>
    %swap3A = arith.constant 0 : index
    %swap3A_17 = arith.constant 0 : index
    %swap3A_18 = arith.constant 0 : index
    %swap3A_19 = vector.load %arg5[%swap3A, %swap3A_17, %swap3A_18] : memref<1x512x64xf32, #tpu.memory_space<vmem>>, vector<1x512x64xf32>
    %swap3A_20 = vector.shape_cast %swap3A_19 : vector<1x512x64xf32> to vector<512x64xf32>
    %swap3A_21 = vector.shape_cast %select_n3A : vector<512x64xf32> to vector<1x512x64xf32>
    tpu.vector_store %arg5[%swap3A, %swap3A_17, %swap3A_18], %swap3A_21 {strides = array<i32>} : memref<1x512x64xf32, #tpu.memory_space<vmem>>, vector<1x512x64xf32>,
    return
  }
  func.func @transform_0(%arg0: i32, %arg1: i32) -> (i32, i32, i32) {
    %c0_i32 = arith.constant 0 : i32
    %c0_i32_0 = arith.constant 0 : i32
    return %arg0, %arg1, %c0_i32 : i32, i32, i32
  }
  func.func @transform_1(%arg0: i32, %arg1: i32) -> (i32, i32) {
    %c0_i32 = arith.constant 0 : i32
    %c0_i32_0 = arith.constant 0 : i32
    %c0_i32_1 = arith.constant 0 : i32
    return %c0_i32, %c0_i32_0 : i32, i32
  }
  func.func @transform_2(%arg0: i32, %arg1: i32) -> (i32, i32) {
    %c0_i32 = arith.constant 0 : i32
    %c0_i32_0 = arith.constant 0 : i32
    %c0_i32_1 = arith.constant 0 : i32
    return %c0_i32, %c0_i32_0 : i32, i32
  }
  func.func @transform_3(%arg0: i32, %arg1: i32) -> (i32, i32, i32) {
    %c0_i32 = arith.constant 0 : i32
    %c0_i32_0 = arith.constant 0 : i32
    return %arg0, %arg1, %c0_i32 : i32, i32, i32
  }
}

module attributes {stable_mosaic.version = 14 : i64} {
  func.func @body(%arg0: i32, %arg1: i32, %arg2: memref<1x512x64xf32, #tpu.memory_space<vmem>>, %arg3: memref<1x64x512xf32, #tpu.memory_space<vmem>>, %arg4: memref<1x512x8xi32, #tpu.memory_space<vmem>>) attributes {dimension_semantics = [#tpu.dimension_semantics<arbitrary>, #tpu.dimension_semantics<arbitrary>], iteration_bounds = array<i64: 8, 1>, scalar_prefetch = 0 : i64, scratch_operands = 0 : i64, tpu.core_type = #tpu.core_type<tc>, window_params = [{transform_indices = @transform_0, window_bounds = array<i64: 1, 512, 64>}, {transform_indices = @transform_1, window_bounds = array<i64: 1, 64, 512>}, {transform_indices = @transform_2, window_bounds = array<i64: 1, 512, 8>}]} {
    %get3A = arith.constant 0 : index
    %get3A_0 = arith.constant 0 : index
    %get3A_1 = arith.constant 0 : index
    %get3A_2 = vector.load %arg2[%get3A, %get3A_0, %get3A_1] : memref<1x512x64xf32, #tpu.memory_space<vmem>>, vector<1x512x64xf32>
    %get3A_3 = vector.shape_cast %get3A_2 : vector<1x512x64xf32> to vector<512x64xf32>
    %get3A_4 = arith.constant 0 : index
    %get3A_5 = arith.constant 0 : index
    %get3A_6 = arith.constant 0 : index
    %get3A_7 = vector.load %arg3[%get3A_4, %get3A_5, %get3A_6] : memref<1x64x512xf32, #tpu.memory_space<vmem>>, vector<1x64x512xf32>
    %get3A_8 = vector.shape_cast %get3A_7 : vector<1x64x512xf32> to vector<64x512xf32>
    %mul3A = arith.mulf %get3A_3, %get3A_3 : vector<512x64xf32>
    %reduce_sum3A = arith.constant dense<0.000000e+00> : vector<512xf32>
    %reduce_sum3A_9 = vector.multi_reduction <add>, %mul3A, %reduce_sum3A [1] : vector<512x64xf32> to vector<512xf32>
    %broadcast_in_dim3A = vector.shape_cast %reduce_sum3A_9 : vector<512xf32> to vector<512x1xf32>
    %mul3A_10 = arith.mulf %get3A_8, %get3A_8 : vector<64x512xf32>
    %reduce_sum3A_11 = arith.constant dense<0.000000e+00> : vector<512xf32>
    %reduce_sum3A_12 = vector.multi_reduction <add>, %mul3A_10, %reduce_sum3A_11 [0] : vector<64x512xf32> to vector<512xf32>
    %broadcast_in_dim3A_13 = vector.shape_cast %reduce_sum3A_12 : vector<512xf32> to vector<1x512xf32>
    %convert_element_type3A = arith.truncf %get3A_3 : vector<512x64xf32> to vector<512x64xbf16>
    %convert_element_type3A_14 = arith.truncf %get3A_8 : vector<64x512xf32> to vector<64x512xbf16>
    %dot_general3A = arith.constant dense<0.000000e+00> : vector<512x512xf32>
    %dot_general3A_15 = tpu.matmul %convert_element_type3A, %convert_element_type3A_14, %dot_general3A {dimension_numbers = #tpu.dot_dimension_numbers<[1], [0], [0], [1], [0, 0, 1, 1], [], []>, transpose_lhs_hint = false} : vector<512x64xbf16>, vector<64x512xbf16>, vector<512x512xf32> -> vector<512x512xf32>
    %add3A = vector.broadcast %broadcast_in_dim3A : vector<512x1xf32> to vector<512x512xf32>
    %add3A_16 = vector.broadcast %broadcast_in_dim3A_13 : vector<1x512xf32> to vector<512x512xf32>
    %add3A_17 = arith.addf %add3A, %add3A_16 : vector<512x512xf32>
    %mul3A_18 = arith.constant 2.000000e+00 : f32
    %mul3A_19 = vector.broadcast %mul3A_18 : f32 to vector<512x512xf32>
    %mul3A_20 = arith.mulf %mul3A_19, %dot_general3A_15 : vector<512x512xf32>
    %sub3A = arith.subf %add3A_17, %mul3A_20 : vector<512x512xf32>
    %iota3A = tpu.iota {dimensions = array<i32: 1>} : vector<512x512xi32>
    %reduce_min3A = arith.constant dense<0x7F800000> : vector<512xf32>
    %reduce_min3A_21 = vector.multi_reduction <minimumf>, %sub3A, %reduce_min3A [1] : vector<512x512xf32> to vector<512xf32>
    %broadcast_in_dim3A_22 = vector.shape_cast %reduce_min3A_21 : vector<512xf32> to vector<512x1xf32>
    %eq3A = vector.broadcast %broadcast_in_dim3A_22 : vector<512x1xf32> to vector<512x512xf32>
    %eq3A_23 = arith.cmpf oeq, %sub3A, %eq3A : vector<512x512xf32>
    %jit3A = arith.constant 512 : i32
    %broadcast_in_dim3A_24 = vector.broadcast %jit3A : i32 to vector<512x512xi32>
    %select_n3A = arith.select %eq3A_23, %iota3A, %broadcast_in_dim3A_24 : vector<512x512xi1>, vector<512x512xi32>
    %reduce_min3A_25 = arith.constant dense<2147483647> : vector<512xi32>
    %reduce_min3A_26 = vector.multi_reduction <minsi>, %select_n3A, %reduce_min3A_25 [1] : vector<512x512xi32> to vector<512xi32>
    %broadcast_in_dim3A_27 = vector.shape_cast %reduce_min3A_26 : vector<512xi32> to vector<512x1xi32>
    %eq3A_28 = vector.broadcast %broadcast_in_dim3A_27 : vector<512x1xi32> to vector<512x512xi32>
    %eq3A_29 = arith.cmpi eq, %iota3A, %eq3A_28 : vector<512x512xi32>
    %jit3A_30 = arith.constant 0x7F800000 : f32
    %broadcast_in_dim3A_31 = vector.broadcast %jit3A_30 : f32 to vector<512x512xf32>
    %select_n3A_32 = arith.select %eq3A_29, %broadcast_in_dim3A_31, %sub3A : vector<512x512xi1>, vector<512x512xf32>
    %reduce_min3A_33 = arith.constant dense<0x7F800000> : vector<512xf32>
    %reduce_min3A_34 = vector.multi_reduction <minimumf>, %select_n3A_32, %reduce_min3A_33 [1] : vector<512x512xf32> to vector<512xf32>
    %broadcast_in_dim3A_35 = vector.shape_cast %reduce_min3A_34 : vector<512xf32> to vector<512x1xf32>
    %eq3A_36 = vector.broadcast %broadcast_in_dim3A_35 : vector<512x1xf32> to vector<512x512xf32>
    %eq3A_37 = arith.cmpf oeq, %select_n3A_32, %eq3A_36 : vector<512x512xf32>
    %jit3A_38 = arith.constant 512 : i32
    %broadcast_in_dim3A_39 = vector.broadcast %jit3A_38 : i32 to vector<512x512xi32>
    %select_n3A_40 = arith.select %eq3A_37, %iota3A, %broadcast_in_dim3A_39 : vector<512x512xi1>, vector<512x512xi32>
    %reduce_min3A_41 = arith.constant dense<2147483647> : vector<512xi32>
    %reduce_min3A_42 = vector.multi_reduction <minsi>, %select_n3A_40, %reduce_min3A_41 [1] : vector<512x512xi32> to vector<512xi32>
    %broadcast_in_dim3A_43 = vector.shape_cast %reduce_min3A_42 : vector<512xi32> to vector<512x1xi32>
    %eq3A_44 = vector.broadcast %broadcast_in_dim3A_43 : vector<512x1xi32> to vector<512x512xi32>
    %eq3A_45 = arith.cmpi eq, %iota3A, %eq3A_44 : vector<512x512xi32>
    %jit3A_46 = arith.constant 0x7F800000 : f32
    %broadcast_in_dim3A_47 = vector.broadcast %jit3A_46 : f32 to vector<512x512xf32>
    %select_n3A_48 = arith.select %eq3A_45, %broadcast_in_dim3A_47, %select_n3A_32 : vector<512x512xi1>, vector<512x512xf32>
    %reduce_min3A_49 = arith.constant dense<0x7F800000> : vector<512xf32>
    %reduce_min3A_50 = vector.multi_reduction <minimumf>, %select_n3A_48, %reduce_min3A_49 [1] : vector<512x512xf32> to vector<512xf32>
    %broadcast_in_dim3A_51 = vector.shape_cast %reduce_min3A_50 : vector<512xf32> to vector<512x1xf32>
    %eq3A_52 = vector.broadcast %broadcast_in_dim3A_51 : vector<512x1xf32> to vector<512x512xf32>
    %eq3A_53 = arith.cmpf oeq, %select_n3A_48, %eq3A_52 : vector<512x512xf32>
    %jit3A_54 = arith.constant 512 : i32
    %broadcast_in_dim3A_55 = vector.broadcast %jit3A_54 : i32 to vector<512x512xi32>
    %select_n3A_56 = arith.select %eq3A_53, %iota3A, %broadcast_in_dim3A_55 : vector<512x512xi1>, vector<512x512xi32>
    %reduce_min3A_57 = arith.constant dense<2147483647> : vector<512xi32>
    %reduce_min3A_58 = vector.multi_reduction <minsi>, %select_n3A_56, %reduce_min3A_57 [1] : vector<512x512xi32> to vector<512xi32>
    %broadcast_in_dim3A_59 = vector.shape_cast %reduce_min3A_58 : vector<512xi32> to vector<512x1xi32>
    %eq3A_60 = vector.broadcast %broadcast_in_dim3A_59 : vector<512x1xi32> to vector<512x512xi32>
    %eq3A_61 = arith.cmpi eq, %iota3A, %eq3A_60 : vector<512x512xi32>
    %jit3A_62 = arith.constant 0x7F800000 : f32
    %broadcast_in_dim3A_63 = vector.broadcast %jit3A_62 : f32 to vector<512x512xf32>
    %select_n3A_64 = arith.select %eq3A_61, %broadcast_in_dim3A_63, %select_n3A_48 : vector<512x512xi1>, vector<512x512xf32>
    %reduce_min3A_65 = arith.constant dense<0x7F800000> : vector<512xf32>
    %reduce_min3A_66 = vector.multi_reduction <minimumf>, %select_n3A_64, %reduce_min3A_65 [1] : vector<512x512xf32> to vector<512xf32>
    %broadcast_in_dim3A_67 = vector.shape_cast %reduce_min3A_66 : vector<512xf32> to vector<512x1xf32>
    %eq3A_68 = vector.broadcast %broadcast_in_dim3A_67 : vector<512x1xf32> to vector<512x512xf32>
    %eq3A_69 = arith.cmpf oeq, %select_n3A_64, %eq3A_68 : vector<512x512xf32>
    %jit3A_70 = arith.constant 512 : i32
    %broadcast_in_dim3A_71 = vector.broadcast %jit3A_70 : i32 to vector<512x512xi32>
    %select_n3A_72 = arith.select %eq3A_69, %iota3A, %broadcast_in_dim3A_71 : vector<512x512xi1>, vector<512x512xi32>
    %reduce_min3A_73 = arith.constant dense<2147483647> : vector<512xi32>
    %reduce_min3A_74 = vector.multi_reduction <minsi>, %select_n3A_72, %reduce_min3A_73 [1] : vector<512x512xi32> to vector<512xi32>
    %broadcast_in_dim3A_75 = vector.shape_cast %reduce_min3A_74 : vector<512xi32> to vector<512x1xi32>
    %eq3A_76 = vector.broadcast %broadcast_in_dim3A_75 : vector<512x1xi32> to vector<512x512xi32>
    %eq3A_77 = arith.cmpi eq, %iota3A, %eq3A_76 : vector<512x512xi32>
    %jit3A_78 = arith.constant 0x7F800000 : f32
    %broadcast_in_dim3A_79 = vector.broadcast %jit3A_78 : f32 to vector<512x512xf32>
    %select_n3A_80 = arith.select %eq3A_77, %broadcast_in_dim3A_79, %select_n3A_64 : vector<512x512xi1>, vector<512x512xf32>
    %reduce_min3A_81 = arith.constant dense<0x7F800000> : vector<512xf32>
    %reduce_min3A_82 = vector.multi_reduction <minimumf>, %select_n3A_80, %reduce_min3A_81 [1] : vector<512x512xf32> to vector<512xf32>
    %broadcast_in_dim3A_83 = vector.shape_cast %reduce_min3A_82 : vector<512xf32> to vector<512x1xf32>
    %eq3A_84 = vector.broadcast %broadcast_in_dim3A_83 : vector<512x1xf32> to vector<512x512xf32>
    %eq3A_85 = arith.cmpf oeq, %select_n3A_80, %eq3A_84 : vector<512x512xf32>
    %jit3A_86 = arith.constant 512 : i32
    %broadcast_in_dim3A_87 = vector.broadcast %jit3A_86 : i32 to vector<512x512xi32>
    %select_n3A_88 = arith.select %eq3A_85, %iota3A, %broadcast_in_dim3A_87 : vector<512x512xi1>, vector<512x512xi32>
    %reduce_min3A_89 = arith.constant dense<2147483647> : vector<512xi32>
    %reduce_min3A_90 = vector.multi_reduction <minsi>, %select_n3A_88, %reduce_min3A_89 [1] : vector<512x512xi32> to vector<512xi32>
    %broadcast_in_dim3A_91 = vector.shape_cast %reduce_min3A_90 : vector<512xi32> to vector<512x1xi32>
    %eq3A_92 = vector.broadcast %broadcast_in_dim3A_91 : vector<512x1xi32> to vector<512x512xi32>
    %eq3A_93 = arith.cmpi eq, %iota3A, %eq3A_92 : vector<512x512xi32>
    %jit3A_94 = arith.constant 0x7F800000 : f32
    %broadcast_in_dim3A_95 = vector.broadcast %jit3A_94 : f32 to vector<512x512xf32>
    %select_n3A_96 = arith.select %eq3A_93, %broadcast_in_dim3A_95, %select_n3A_80 : vector<512x512xi1>, vector<512x512xf32>
    %reduce_min3A_97 = arith.constant dense<0x7F800000> : vector<512xf32>
    %reduce_min3A_98 = vector.multi_reduction <minimumf>, %select_n3A_96, %reduce_min3A_97 [1] : vector<512x512xf32> to vector<512xf32>
    %broadcast_in_dim3A_99 = vector.shape_cast %reduce_min3A_98 : vector<512xf32> to vector<512x1xf32>
    %eq3A_100 = vector.broadcast %broadcast_in_dim3A_99 : vector<512x1xf32> to vector<512x512xf32>
    %eq3A_101 = arith.cmpf oeq, %select_n3A_96, %eq3A_100 : vector<512x512xf32>
    %jit3A_102 = arith.constant 512 : i32
    %broadcast_in_dim3A_103 = vector.broadcast %jit3A_102 : i32 to vector<512x512xi32>
    %select_n3A_104 = arith.select %eq3A_101, %iota3A, %broadcast_in_dim3A_103 : vector<512x512xi1>, vector<512x512xi32>
    %reduce_min3A_105 = arith.constant dense<2147483647> : vector<512xi32>
    %reduce_min3A_106 = vector.multi_reduction <minsi>, %select_n3A_104, %reduce_min3A_105 [1] : vector<512x512xi32> to vector<512xi32>
    %broadcast_in_dim3A_107 = vector.shape_cast %reduce_min3A_106 : vector<512xi32> to vector<512x1xi32>
    %eq3A_108 = vector.broadcast %broadcast_in_dim3A_107 : vector<512x1xi32> to vector<512x512xi32>
    %eq3A_109 = arith.cmpi eq, %iota3A, %eq3A_108 : vector<512x512xi32>
    %jit3A_110 = arith.constant 0x7F800000 : f32
    %broadcast_in_dim3A_111 = vector.broadcast %jit3A_110 : f32 to vector<512x512xf32>
    %select_n3A_112 = arith.select %eq3A_109, %broadcast_in_dim3A_111, %select_n3A_96 : vector<512x512xi1>, vector<512x512xf32>
    %reduce_min3A_113 = arith.constant dense<0x7F800000> : vector<512xf32>
    %reduce_min3A_114 = vector.multi_reduction <minimumf>, %select_n3A_112, %reduce_min3A_113 [1] : vector<512x512xf32> to vector<512xf32>
    %broadcast_in_dim3A_115 = vector.shape_cast %reduce_min3A_114 : vector<512xf32> to vector<512x1xf32>
    %eq3A_116 = vector.broadcast %broadcast_in_dim3A_115 : vector<512x1xf32> to vector<512x512xf32>
    %eq3A_117 = arith.cmpf oeq, %select_n3A_112, %eq3A_116 : vector<512x512xf32>
    %jit3A_118 = arith.constant 512 : i32
    %broadcast_in_dim3A_119 = vector.broadcast %jit3A_118 : i32 to vector<512x512xi32>
    %select_n3A_120 = arith.select %eq3A_117, %iota3A, %broadcast_in_dim3A_119 : vector<512x512xi1>, vector<512x512xi32>
    %reduce_min3A_121 = arith.constant dense<2147483647> : vector<512xi32>
    %reduce_min3A_122 = vector.multi_reduction <minsi>, %select_n3A_120, %reduce_min3A_121 [1] : vector<512x512xi32> to vector<512xi32>
    %broadcast_in_dim3A_123 = vector.shape_cast %reduce_min3A_122 : vector<512xi32> to vector<512x1xi32>
    %eq3A_124 = vector.broadcast %broadcast_in_dim3A_123 : vector<512x1xi32> to vector<512x512xi32>
    %eq3A_125 = arith.cmpi eq, %iota3A, %eq3A_124 : vector<512x512xi32>
    %jit3A_126 = arith.constant 0x7F800000 : f32
    %broadcast_in_dim3A_127 = vector.broadcast %jit3A_126 : f32 to vector<512x512xf32>
    %select_n3A_128 = arith.select %eq3A_125, %broadcast_in_dim3A_127, %select_n3A_112 : vector<512x512xi1>, vector<512x512xf32>
    %reduce_min3A_129 = arith.constant dense<0x7F800000> : vector<512xf32>
    %reduce_min3A_130 = vector.multi_reduction <minimumf>, %select_n3A_128, %reduce_min3A_129 [1] : vector<512x512xf32> to vector<512xf32>
    %broadcast_in_dim3A_131 = vector.shape_cast %reduce_min3A_130 : vector<512xf32> to vector<512x1xf32>
    %eq3A_132 = vector.broadcast %broadcast_in_dim3A_131 : vector<512x1xf32> to vector<512x512xf32>
    %eq3A_133 = arith.cmpf oeq, %select_n3A_128, %eq3A_132 : vector<512x512xf32>
    %jit3A_134 = arith.constant 512 : i32
    %broadcast_in_dim3A_135 = vector.broadcast %jit3A_134 : i32 to vector<512x512xi32>
    %select_n3A_136 = arith.select %eq3A_133, %iota3A, %broadcast_in_dim3A_135 : vector<512x512xi1>, vector<512x512xi32>
    %reduce_min3A_137 = arith.constant dense<2147483647> : vector<512xi32>
    %reduce_min3A_138 = vector.multi_reduction <minsi>, %select_n3A_136, %reduce_min3A_137 [1] : vector<512x512xi32> to vector<512xi32>
    %broadcast_in_dim3A_139 = vector.shape_cast %reduce_min3A_138 : vector<512xi32> to vector<512x1xi32>
    %concatenate3A = tpu.concatenate %broadcast_in_dim3A_27, %broadcast_in_dim3A_43, %broadcast_in_dim3A_59, %broadcast_in_dim3A_75, %broadcast_in_dim3A_91, %broadcast_in_dim3A_107, %broadcast_in_dim3A_123, %broadcast_in_dim3A_139 in 1 : vector<512x1xi32>, vector<512x1xi32>, vector<512x1xi32>, vector<512x1xi32>, vector<512x1xi32>, vector<512x1xi32>, vector<512x1xi32>, vector<512x1xi32> -> vector<512x8xi32>
    %mul3A_140 = arith.constant 512 : i32
    %mul3A_141 = arith.muli %arg0, %mul3A_140 : i32
    %add3A_142 = vector.broadcast %mul3A_141 : i32 to vector<512x8xi32>
    %add3A_143 = arith.addi %concatenate3A, %add3A_142 : vector<512x8xi32>
    %swap3A = arith.constant 0 : index
    %swap3A_144 = arith.constant 0 : index
    %swap3A_145 = arith.constant 0 : index
    %swap3A_146 = vector.load %arg4[%swap3A, %swap3A_144, %swap3A_145] : memref<1x512x8xi32, #tpu.memory_space<vmem>>, vector<1x512x8xi32>
    %swap3A_147 = vector.shape_cast %swap3A_146 : vector<1x512x8xi32> to vector<512x8xi32>
    %swap3A_148 = vector.shape_cast %add3A_143 : vector<512x8xi32> to vector<1x512x8xi32>
    tpu.vector_store %arg4[%swap3A, %swap3A_144, %swap3A_145], %swap3A_148 {strides = array<i32>} : memref<1x512x8xi32, #tpu.memory_space<vmem>>, vector<1x512x8xi32>,
    return
  }
  func.func @transform_0(%arg0: i32, %arg1: i32) -> (i32, i32, i32) {
    %c0_i32 = arith.constant 0 : i32
    %c0_i32_0 = arith.constant 0 : i32
    return %arg0, %arg1, %c0_i32 : i32, i32, i32
  }
  func.func @transform_1(%arg0: i32, %arg1: i32) -> (i32, i32, i32) {
    %c0_i32 = arith.constant 0 : i32
    %c0_i32_0 = arith.constant 0 : i32
    %c0_i32_1 = arith.constant 0 : i32
    return %arg0, %c0_i32, %c0_i32_0 : i32, i32, i32
  }
  func.func @transform_2(%arg0: i32, %arg1: i32) -> (i32, i32, i32) {
    %c0_i32 = arith.constant 0 : i32
    %c0_i32_0 = arith.constant 0 : i32
    return %arg0, %arg1, %c0_i32 : i32, i32, i32
  }
}

module attributes {stable_mosaic.version = 14 : i64} {
  func.func @body(%arg0: i32, %arg1: i32, %arg2: memref<1x256x512xf32, #tpu.memory_space<vmem>>, %arg3: memref<1x256x64xf32, #tpu.memory_space<vmem>>, %arg4: memref<128x256xf32, #tpu.memory_space<vmem>>, %arg5: memref<1x256x256xf32, #tpu.memory_space<vmem>>, %arg6: memref<1x256xf32, #tpu.memory_space<vmem>>, %arg7: memref<1x256xf32, #tpu.memory_space<vmem>>) attributes {dimension_semantics = [#tpu.dimension_semantics<arbitrary>, #tpu.dimension_semantics<arbitrary>], iteration_bounds = array<i64: 8, 2>, scalar_prefetch = 0 : i64, scratch_operands = 0 : i64, tpu.core_type = #tpu.core_type<tc>, window_params = [{transform_indices = @transform_0, window_bounds = array<i64: 1, 256, 512>}, {transform_indices = @transform_1, window_bounds = array<i64: 1, 256, 64>}, {pipeline_mode = #tpu.pipeline_mode<synchronous>, transform_indices = @transform_2, window_bounds = array<i64: 128, 256>}, {transform_indices = @transform_3, window_bounds = array<i64: 1, 256, 256>}, {pipeline_mode = #tpu.pipeline_mode<synchronous>, transform_indices = @transform_4, window_bounds = array<i64: 1, 256>}, {pipeline_mode = #tpu.pipeline_mode<synchronous>, transform_indices = @transform_5, window_bounds = array<i64: 1, 256>}]} {
    %get3A = arith.constant 0 : index
    %get3A_0 = arith.constant 0 : index
    %get3A_1 = arith.constant 0 : index
    %get3A_2 = vector.load %arg2[%get3A, %get3A_0, %get3A_1] : memref<1x256x512xf32, #tpu.memory_space<vmem>>, vector<1x256x512xf32>
    %get3A_3 = vector.shape_cast %get3A_2 : vector<1x256x512xf32> to vector<256x512xf32>
    %get3A_4 = arith.constant 0 : index
    %get3A_5 = arith.constant 0 : index
    %get3A_6 = arith.constant 0 : index
    %get3A_7 = vector.load %arg3[%get3A_4, %get3A_5, %get3A_6] : memref<1x256x64xf32, #tpu.memory_space<vmem>>, vector<1x256x64xf32>
    %get3A_8 = vector.shape_cast %get3A_7 : vector<1x256x64xf32> to vector<256x64xf32>
    %get3A_9 = arith.constant 0 : index
    %get3A_10 = arith.constant 0 : index
    %get3A_11 = vector.load %arg4[%get3A_9, %get3A_10] : memref<128x256xf32, #tpu.memory_space<vmem>>, vector<128x256xf32>
    %convert_element_type3A = arith.truncf %get3A_11 : vector<128x256xf32> to vector<128x256xbf16>
    %slice3A = vector.extract_strided_slice %get3A_3 {offsets = [0, 0], sizes = [256, 64], strides = [1, 1]} : vector<256x512xf32> to vector<256x64xf32>
    %sub3A = arith.subf %slice3A, %get3A_8 : vector<256x64xf32>
    %concatenate3A = tpu.concatenate %sub3A, %get3A_8 in 1 : vector<256x64xf32>, vector<256x64xf32> -> vector<256x128xf32>
    %convert_element_type3A_12 = arith.truncf %concatenate3A : vector<256x128xf32> to vector<256x128xbf16>
    %dot_general3A = arith.constant dense<0.000000e+00> : vector<256x256xf32>
    %dot_general3A_13 = tpu.matmul %convert_element_type3A_12, %convert_element_type3A, %dot_general3A {dimension_numbers = #tpu.dot_dimension_numbers<[1], [0], [0], [1], [0, 0, 1, 1], [], []>, transpose_lhs_hint = false} : vector<256x128xbf16>, vector<128x256xbf16>, vector<256x256xf32> -> vector<256x256xf32>
    %mul3A = arith.mulf %dot_general3A_13, %dot_general3A_13 : vector<256x256xf32>
    %slice3A_14 = vector.extract_strided_slice %get3A_3 {offsets = [0, 64], sizes = [256, 64], strides = [1, 1]} : vector<256x512xf32> to vector<256x64xf32>
    %sub3A_15 = arith.subf %slice3A_14, %get3A_8 : vector<256x64xf32>
    %concatenate3A_16 = tpu.concatenate %sub3A_15, %get3A_8 in 1 : vector<256x64xf32>, vector<256x64xf32> -> vector<256x128xf32>
    %convert_element_type3A_17 = arith.truncf %concatenate3A_16 : vector<256x128xf32> to vector<256x128xbf16>
    %dot_general3A_18 = arith.constant dense<0.000000e+00> : vector<256x256xf32>
    %dot_general3A_19 = tpu.matmul %convert_element_type3A_17, %convert_element_type3A, %dot_general3A_18 {dimension_numbers = #tpu.dot_dimension_numbers<[1], [0], [0], [1], [0, 0, 1, 1], [], []>, transpose_lhs_hint = false} : vector<256x128xbf16>, vector<128x256xbf16>, vector<256x256xf32> -> vector<256x256xf32>
    %max3A = arith.maximumf %dot_general3A_13, %dot_general3A_19 : vector<256x256xf32>
    %add3A = arith.addf %dot_general3A_13, %dot_general3A_19 : vector<256x256xf32>
    %mul3A_20 = arith.mulf %dot_general3A_19, %dot_general3A_19 : vector<256x256xf32>
    %add3A_21 = arith.addf %mul3A, %mul3A_20 : vector<256x256xf32>
    %slice3A_22 = vector.extract_strided_slice %get3A_3 {offsets = [0, 128], sizes = [256, 64], strides = [1, 1]} : vector<256x512xf32> to vector<256x64xf32>
    %sub3A_23 = arith.subf %slice3A_22, %get3A_8 : vector<256x64xf32>
    %concatenate3A_24 = tpu.concatenate %sub3A_23, %get3A_8 in 1 : vector<256x64xf32>, vector<256x64xf32> -> vector<256x128xf32>
    %convert_element_type3A_25 = arith.truncf %concatenate3A_24 : vector<256x128xf32> to vector<256x128xbf16>
    %dot_general3A_26 = arith.constant dense<0.000000e+00> : vector<256x256xf32>
    %dot_general3A_27 = tpu.matmul %convert_element_type3A_25, %convert_element_type3A, %dot_general3A_26 {dimension_numbers = #tpu.dot_dimension_numbers<[1], [0], [0], [1], [0, 0, 1, 1], [], []>, transpose_lhs_hint = false} : vector<256x128xbf16>, vector<128x256xbf16>, vector<256x256xf32> -> vector<256x256xf32>
    %max3A_28 = arith.maximumf %max3A, %dot_general3A_27 : vector<256x256xf32>
    %add3A_29 = arith.addf %add3A, %dot_general3A_27 : vector<256x256xf32>
    %mul3A_30 = arith.mulf %dot_general3A_27, %dot_general3A_27 : vector<256x256xf32>
    %add3A_31 = arith.addf %add3A_21, %mul3A_30 : vector<256x256xf32>
    %slice3A_32 = vector.extract_strided_slice %get3A_3 {offsets = [0, 192], sizes = [256, 64], strides = [1, 1]} : vector<256x512xf32> to vector<256x64xf32>
    %sub3A_33 = arith.subf %slice3A_32, %get3A_8 : vector<256x64xf32>
    %concatenate3A_34 = tpu.concatenate %sub3A_33, %get3A_8 in 1 : vector<256x64xf32>, vector<256x64xf32> -> vector<256x128xf32>
    %convert_element_type3A_35 = arith.truncf %concatenate3A_34 : vector<256x128xf32> to vector<256x128xbf16>
    %dot_general3A_36 = arith.constant dense<0.000000e+00> : vector<256x256xf32>
    %dot_general3A_37 = tpu.matmul %convert_element_type3A_35, %convert_element_type3A, %dot_general3A_36 {dimension_numbers = #tpu.dot_dimension_numbers<[1], [0], [0], [1], [0, 0, 1, 1], [], []>, transpose_lhs_hint = false} : vector<256x128xbf16>, vector<128x256xbf16>, vector<256x256xf32> -> vector<256x256xf32>
    %max3A_38 = arith.maximumf %max3A_28, %dot_general3A_37 : vector<256x256xf32>
    %add3A_39 = arith.addf %add3A_29, %dot_general3A_37 : vector<256x256xf32>
    %mul3A_40 = arith.mulf %dot_general3A_37, %dot_general3A_37 : vector<256x256xf32>
    %add3A_41 = arith.addf %add3A_31, %mul3A_40 : vector<256x256xf32>
    %slice3A_42 = vector.extract_strided_slice %get3A_3 {offsets = [0, 256], sizes = [256, 64], strides = [1, 1]} : vector<256x512xf32> to vector<256x64xf32>
    %sub3A_43 = arith.subf %slice3A_42, %get3A_8 : vector<256x64xf32>
    %concatenate3A_44 = tpu.concatenate %sub3A_43, %get3A_8 in 1 : vector<256x64xf32>, vector<256x64xf32> -> vector<256x128xf32>
    %convert_element_type3A_45 = arith.truncf %concatenate3A_44 : vector<256x128xf32> to vector<256x128xbf16>
    %dot_general3A_46 = arith.constant dense<0.000000e+00> : vector<256x256xf32>
    %dot_general3A_47 = tpu.matmul %convert_element_type3A_45, %convert_element_type3A, %dot_general3A_46 {dimension_numbers = #tpu.dot_dimension_numbers<[1], [0], [0], [1], [0, 0, 1, 1], [], []>, transpose_lhs_hint = false} : vector<256x128xbf16>, vector<128x256xbf16>, vector<256x256xf32> -> vector<256x256xf32>
    %max3A_48 = arith.maximumf %max3A_38, %dot_general3A_47 : vector<256x256xf32>
    %add3A_49 = arith.addf %add3A_39, %dot_general3A_47 : vector<256x256xf32>
    %mul3A_50 = arith.mulf %dot_general3A_47, %dot_general3A_47 : vector<256x256xf32>
    %add3A_51 = arith.addf %add3A_41, %mul3A_50 : vector<256x256xf32>
    %slice3A_52 = vector.extract_strided_slice %get3A_3 {offsets = [0, 320], sizes = [256, 64], strides = [1, 1]} : vector<256x512xf32> to vector<256x64xf32>
    %sub3A_53 = arith.subf %slice3A_52, %get3A_8 : vector<256x64xf32>
    %concatenate3A_54 = tpu.concatenate %sub3A_53, %get3A_8 in 1 : vector<256x64xf32>, vector<256x64xf32> -> vector<256x128xf32>
    %convert_element_type3A_55 = arith.truncf %concatenate3A_54 : vector<256x128xf32> to vector<256x128xbf16>
    %dot_general3A_56 = arith.constant dense<0.000000e+00> : vector<256x256xf32>
    %dot_general3A_57 = tpu.matmul %convert_element_type3A_55, %convert_element_type3A, %dot_general3A_56 {dimension_numbers = #tpu.dot_dimension_numbers<[1], [0], [0], [1], [0, 0, 1, 1], [], []>, transpose_lhs_hint = false} : vector<256x128xbf16>, vector<128x256xbf16>, vector<256x256xf32> -> vector<256x256xf32>
    %max3A_58 = arith.maximumf %max3A_48, %dot_general3A_57 : vector<256x256xf32>
    %add3A_59 = arith.addf %add3A_49, %dot_general3A_57 : vector<256x256xf32>
    %mul3A_60 = arith.mulf %dot_general3A_57, %dot_general3A_57 : vector<256x256xf32>
    %add3A_61 = arith.addf %add3A_51, %mul3A_60 : vector<256x256xf32>
    %slice3A_62 = vector.extract_strided_slice %get3A_3 {offsets = [0, 384], sizes = [256, 64], strides = [1, 1]} : vector<256x512xf32> to vector<256x64xf32>
    %sub3A_63 = arith.subf %slice3A_62, %get3A_8 : vector<256x64xf32>
    %concatenate3A_64 = tpu.concatenate %sub3A_63, %get3A_8 in 1 : vector<256x64xf32>, vector<256x64xf32> -> vector<256x128xf32>
    %convert_element_type3A_65 = arith.truncf %concatenate3A_64 : vector<256x128xf32> to vector<256x128xbf16>
    %dot_general3A_66 = arith.constant dense<0.000000e+00> : vector<256x256xf32>
    %dot_general3A_67 = tpu.matmul %convert_element_type3A_65, %convert_element_type3A, %dot_general3A_66 {dimension_numbers = #tpu.dot_dimension_numbers<[1], [0], [0], [1], [0, 0, 1, 1], [], []>, transpose_lhs_hint = false} : vector<256x128xbf16>, vector<128x256xbf16>, vector<256x256xf32> -> vector<256x256xf32>
    %max3A_68 = arith.maximumf %max3A_58, %dot_general3A_67 : vector<256x256xf32>
    %add3A_69 = arith.addf %add3A_59, %dot_general3A_67 : vector<256x256xf32>
    %mul3A_70 = arith.mulf %dot_general3A_67, %dot_general3A_67 : vector<256x256xf32>
    %add3A_71 = arith.addf %add3A_61, %mul3A_70 : vector<256x256xf32>
    %slice3A_72 = vector.extract_strided_slice %get3A_3 {offsets = [0, 448], sizes = [256, 64], strides = [1, 1]} : vector<256x512xf32> to vector<256x64xf32>
    %sub3A_73 = arith.subf %slice3A_72, %get3A_8 : vector<256x64xf32>
    %concatenate3A_74 = tpu.concatenate %sub3A_73, %get3A_8 in 1 : vector<256x64xf32>, vector<256x64xf32> -> vector<256x128xf32>
    %convert_element_type3A_75 = arith.truncf %concatenate3A_74 : vector<256x128xf32> to vector<256x128xbf16>
    %dot_general3A_76 = arith.constant dense<0.000000e+00> : vector<256x256xf32>
    %dot_general3A_77 = tpu.matmul %convert_element_type3A_75, %convert_element_type3A, %dot_general3A_76 {dimension_numbers = #tpu.dot_dimension_numbers<[1], [0], [0], [1], [0, 0, 1, 1], [], []>, transpose_lhs_hint = false} : vector<256x128xbf16>, vector<128x256xbf16>, vector<256x256xf32> -> vector<256x256xf32>
    %max3A_78 = arith.maximumf %max3A_68, %dot_general3A_77 : vector<256x256xf32>
    %add3A_79 = arith.addf %add3A_69, %dot_general3A_77 : vector<256x256xf32>
    %mul3A_80 = arith.mulf %dot_general3A_77, %dot_general3A_77 : vector<256x256xf32>
    %add3A_81 = arith.addf %add3A_71, %mul3A_80 : vector<256x256xf32>
    %swap3A = arith.constant 0 : index
    %swap3A_82 = arith.constant 0 : index
    %swap3A_83 = arith.constant 0 : index
    %swap3A_84 = vector.load %arg5[%swap3A, %swap3A_82, %swap3A_83] : memref<1x256x256xf32, #tpu.memory_space<vmem>>, vector<1x256x256xf32>
    %swap3A_85 = vector.shape_cast %swap3A_84 : vector<1x256x256xf32> to vector<256x256xf32>
    %swap3A_86 = vector.shape_cast %max3A_78 : vector<256x256xf32> to vector<1x256x256xf32>
    tpu.vector_store %arg5[%swap3A, %swap3A_82, %swap3A_83], %swap3A_86 {strides = array<i32>} : memref<1x256x256xf32, #tpu.memory_space<vmem>>, vector<1x256x256xf32>,
    %reduce_sum3A = arith.constant dense<0.000000e+00> : vector<256xf32>
    %reduce_sum3A_87 = vector.multi_reduction <add>, %add3A_79, %reduce_sum3A [0] : vector<256x256xf32> to vector<256xf32>
    %broadcast_in_dim3A = vector.shape_cast %reduce_sum3A_87 : vector<256xf32> to vector<1x256xf32>
    %reduce_sum3A_88 = arith.constant dense<0.000000e+00> : vector<256xf32>
    %reduce_sum3A_89 = vector.multi_reduction <add>, %add3A_81, %reduce_sum3A_88 [0] : vector<256x256xf32> to vector<256xf32>
    %broadcast_in_dim3A_90 = vector.shape_cast %reduce_sum3A_89 : vector<256xf32> to vector<1x256xf32>
    %eq3A = arith.constant 0 : i32
    %eq3A_91 = arith.cmpi eq, %arg0, %eq3A : i32
    %eq3A_92 = arith.constant 0 : i32
    %eq3A_93 = arith.cmpi eq, %arg1, %eq3A_92 : i32
    %and3A = arith.andi %eq3A_91, %eq3A_93 : i1
    %convert_element_type3A_94 = arith.extui %and3A : i1 to i32
    %cond3A = arith.constant 0 : i32
    %cond3A_95 = arith.cmpi ne, %convert_element_type3A_94, %cond3A : i32
    scf.if %cond3A_95 {
      %broadcast_in_dim3A_110 = arith.constant 0.000000e+00 : f32
      %broadcast_in_dim3A_111 = vector.broadcast %broadcast_in_dim3A_110 : f32 to vector<1x256xf32>
      %swap3A_112 = arith.constant 0 : index
      %swap3A_113 = arith.constant 0 : index
      %swap3A_114 = vector.load %arg6[%swap3A_112, %swap3A_113] : memref<1x256xf32, #tpu.memory_space<vmem>>, vector<1x256xf32>
      tpu.vector_store %arg6[%swap3A_112, %swap3A_113], %broadcast_in_dim3A_111 {strides = array<i32>} : memref<1x256xf32, #tpu.memory_space<vmem>>, vector<1x256xf32>,
      %broadcast_in_dim3A_115 = arith.constant 0.000000e+00 : f32
      %broadcast_in_dim3A_116 = vector.broadcast %broadcast_in_dim3A_115 : f32 to vector<1x256xf32>
      %swap3A_117 = arith.constant 0 : index
      %swap3A_118 = arith.constant 0 : index
      %swap3A_119 = vector.load %arg7[%swap3A_117, %swap3A_118] : memref<1x256xf32, #tpu.memory_space<vmem>>, vector<1x256xf32>
      tpu.vector_store %arg7[%swap3A_117, %swap3A_118], %broadcast_in_dim3A_116 {strides = array<i32>} : memref<1x256xf32, #tpu.memory_space<vmem>>, vector<1x256xf32>,
    } else {
    }
    %get3A_96 = arith.constant 0 : index
    %get3A_97 = arith.constant 0 : index
    %get3A_98 = vector.load %arg6[%get3A_96, %get3A_97] : memref<1x256xf32, #tpu.memory_space<vmem>>, vector<1x256xf32>
    %add3A_99 = arith.addf %get3A_98, %broadcast_in_dim3A : vector<1x256xf32>
    %swap3A_100 = arith.constant 0 : index
    %swap3A_101 = arith.constant 0 : index
    %swap3A_102 = vector.load %arg6[%swap3A_100, %swap3A_101] : memref<1x256xf32, #tpu.memory_space<vmem>>, vector<1x256xf32>
    tpu.vector_store %arg6[%swap3A_100, %swap3A_101], %add3A_99 {strides = array<i32>} : memref<1x256xf32, #tpu.memory_space<vmem>>, vector<1x256xf32>,
    %get3A_103 = arith.constant 0 : index
    %get3A_104 = arith.constant 0 : index
    %get3A_105 = vector.load %arg7[%get3A_103, %get3A_104] : memref<1x256xf32, #tpu.memory_space<vmem>>, vector<1x256xf32>
    %add3A_106 = arith.addf %get3A_105, %broadcast_in_dim3A_90 : vector<1x256xf32>
    %swap3A_107 = arith.constant 0 : index
    %swap3A_108 = arith.constant 0 : index
    %swap3A_109 = vector.load %arg7[%swap3A_107, %swap3A_108] : memref<1x256xf32, #tpu.memory_space<vmem>>, vector<1x256xf32>
    tpu.vector_store %arg7[%swap3A_107, %swap3A_108], %add3A_106 {strides = array<i32>} : memref<1x256xf32, #tpu.memory_space<vmem>>, vector<1x256xf32>,
    return
  }
  func.func @transform_0(%arg0: i32, %arg1: i32) -> (i32, i32, i32) {
    %c0_i32 = arith.constant 0 : i32
    %c0_i32_0 = arith.constant 0 : i32
    return %arg0, %arg1, %c0_i32 : i32, i32, i32
  }
  func.func @transform_1(%arg0: i32, %arg1: i32) -> (i32, i32, i32) {
    %c0_i32 = arith.constant 0 : i32
    %c0_i32_0 = arith.constant 0 : i32
    return %arg0, %arg1, %c0_i32 : i32, i32, i32
  }
  func.func @transform_2(%arg0: i32, %arg1: i32) -> (i32, i32) {
    %c0_i32 = arith.constant 0 : i32
    %c0_i32_0 = arith.constant 0 : i32
    %c0_i32_1 = arith.constant 0 : i32
    return %c0_i32, %c0_i32_0 : i32, i32
  }
  func.func @transform_3(%arg0: i32, %arg1: i32) -> (i32, i32, i32) {
    %c0_i32 = arith.constant 0 : i32
    %c0_i32_0 = arith.constant 0 : i32
    return %arg0, %arg1, %c0_i32 : i32, i32, i32
  }
  func.func @transform_4(%arg0: i32, %arg1: i32) -> (i32, i32) {
    %c0_i32 = arith.constant 0 : i32
    %c0_i32_0 = arith.constant 0 : i32
    %c0_i32_1 = arith.constant 0 : i32
    return %c0_i32, %c0_i32_0 : i32, i32
  }
  func.func @transform_5(%arg0: i32, %arg1: i32) -> (i32, i32) {
    %c0_i32 = arith.constant 0 : i32
    %c0_i32_0 = arith.constant 0 : i32
    %c0_i32_1 = arith.constant 0 : i32
    return %c0_i32, %c0_i32_0 : i32, i32
  }
}

module attributes {stable_mosaic.version = 14 : i64} {
  func.func @body(%arg0: i32, %arg1: i32, %arg2: memref<1x512x256xf32, #tpu.memory_space<vmem>>, %arg3: memref<1x256xf32, #tpu.memory_space<vmem>>, %arg4: memref<1x256xf32, #tpu.memory_space<vmem>>, %arg5: memref<1x512x256xf32, #tpu.memory_space<vmem>>) attributes {dimension_semantics = [#tpu.dimension_semantics<arbitrary>, #tpu.dimension_semantics<arbitrary>], iteration_bounds = array<i64: 8, 1>, scalar_prefetch = 0 : i64, scratch_operands = 0 : i64, tpu.core_type = #tpu.core_type<tc>, window_params = [{transform_indices = @transform_0, window_bounds = array<i64: 1, 512, 256>}, {pipeline_mode = #tpu.pipeline_mode<synchronous>, transform_indices = @transform_1, window_bounds = array<i64: 1, 256>}, {pipeline_mode = #tpu.pipeline_mode<synchronous>, transform_indices = @transform_2, window_bounds = array<i64: 1, 256>}, {transform_indices = @transform_3, window_bounds = array<i64: 1, 512, 256>}]} {
    %get3A = arith.constant 0 : index
    %get3A_0 = arith.constant 0 : index
    %get3A_1 = arith.constant 0 : index
    %get3A_2 = vector.load %arg2[%get3A, %get3A_0, %get3A_1] : memref<1x512x256xf32, #tpu.memory_space<vmem>>, vector<1x512x256xf32>
    %get3A_3 = vector.shape_cast %get3A_2 : vector<1x512x256xf32> to vector<512x256xf32>
    %get3A_4 = arith.constant 0 : index
    %get3A_5 = arith.constant 0 : index
    %get3A_6 = vector.load %arg3[%get3A_4, %get3A_5] : memref<1x256xf32, #tpu.memory_space<vmem>>, vector<1x256xf32>
    %mul3A = vector.broadcast %get3A_6 : vector<1x256xf32> to vector<512x256xf32>
    %mul3A_7 = arith.mulf %get3A_3, %mul3A : vector<512x256xf32>
    %get3A_8 = arith.constant 0 : index
    %get3A_9 = arith.constant 0 : index
    %get3A_10 = vector.load %arg4[%get3A_8, %get3A_9] : memref<1x256xf32, #tpu.memory_space<vmem>>, vector<1x256xf32>
    %add3A = vector.broadcast %get3A_10 : vector<1x256xf32> to vector<512x256xf32>
    %add3A_11 = arith.addf %mul3A_7, %add3A : vector<512x256xf32>
    %gt3A = arith.constant 0.000000e+00 : f32
    %gt3A_12 = vector.broadcast %gt3A : f32 to vector<512x256xf32>
    %gt3A_13 = arith.cmpf ogt, %add3A_11, %gt3A_12 : vector<512x256xf32>
    %mul3A_14 = arith.constant 2.000000e-01 : f32
    %mul3A_15 = vector.broadcast %mul3A_14 : f32 to vector<512x256xf32>
    %mul3A_16 = arith.mulf %mul3A_15, %add3A_11 : vector<512x256xf32>
    %select_n3A = arith.select %gt3A_13, %add3A_11, %mul3A_16 : vector<512x256xi1>, vector<512x256xf32>
    %swap3A = arith.constant 0 : index
    %swap3A_17 = arith.constant 0 : index
    %swap3A_18 = arith.constant 0 : index
    %swap3A_19 = vector.load %arg5[%swap3A, %swap3A_17, %swap3A_18] : memref<1x512x256xf32, #tpu.memory_space<vmem>>, vector<1x512x256xf32>
    %swap3A_20 = vector.shape_cast %swap3A_19 : vector<1x512x256xf32> to vector<512x256xf32>
    %swap3A_21 = vector.shape_cast %select_n3A : vector<512x256xf32> to vector<1x512x256xf32>
    tpu.vector_store %arg5[%swap3A, %swap3A_17, %swap3A_18], %swap3A_21 {strides = array<i32>} : memref<1x512x256xf32, #tpu.memory_space<vmem>>, vector<1x512x256xf32>,
    return
  }
  func.func @transform_0(%arg0: i32, %arg1: i32) -> (i32, i32, i32) {
    %c0_i32 = arith.constant 0 : i32
    %c0_i32_0 = arith.constant 0 : i32
    return %arg0, %arg1, %c0_i32 : i32, i32, i32
  }
  func.func @transform_1(%arg0: i32, %arg1: i32) -> (i32, i32) {
    %c0_i32 = arith.constant 0 : i32
    %c0_i32_0 = arith.constant 0 : i32
    %c0_i32_1 = arith.constant 0 : i32
    return %c0_i32, %c0_i32_0 : i32, i32
  }
  func.func @transform_2(%arg0: i32, %arg1: i32) -> (i32, i32) {
    %c0_i32 = arith.constant 0 : i32
    %c0_i32_0 = arith.constant 0 : i32
    %c0_i32_1 = arith.constant 0 : i32
    return %c0_i32, %c0_i32_0 : i32, i32
  }
  func.func @transform_3(%arg0: i32, %arg1: i32) -> (i32, i32, i32) {
    %c0_i32 = arith.constant 0 : i32
    %c0_i32_0 = arith.constant 0 : i32
    return %arg0, %arg1, %c0_i32 : i32, i32, i32
  }
}

module attributes {stable_mosaic.version = 14 : i64} {
  func.func @body(%arg0: i32, %arg1: i32, %arg2: memref<1x512x256xf32, #tpu.memory_space<vmem>>, %arg3: memref<1x256x512xf32, #tpu.memory_space<vmem>>, %arg4: memref<1x512x4xi32, #tpu.memory_space<vmem>>) attributes {dimension_semantics = [#tpu.dimension_semantics<arbitrary>, #tpu.dimension_semantics<arbitrary>], iteration_bounds = array<i64: 8, 1>, scalar_prefetch = 0 : i64, scratch_operands = 0 : i64, tpu.core_type = #tpu.core_type<tc>, window_params = [{transform_indices = @transform_0, window_bounds = array<i64: 1, 512, 256>}, {transform_indices = @transform_1, window_bounds = array<i64: 1, 256, 512>}, {transform_indices = @transform_2, window_bounds = array<i64: 1, 512, 4>}]} {
    %get3A = arith.constant 0 : index
    %get3A_0 = arith.constant 0 : index
    %get3A_1 = arith.constant 0 : index
    %get3A_2 = vector.load %arg2[%get3A, %get3A_0, %get3A_1] : memref<1x512x256xf32, #tpu.memory_space<vmem>>, vector<1x512x256xf32>
    %get3A_3 = vector.shape_cast %get3A_2 : vector<1x512x256xf32> to vector<512x256xf32>
    %get3A_4 = arith.constant 0 : index
    %get3A_5 = arith.constant 0 : index
    %get3A_6 = arith.constant 0 : index
    %get3A_7 = vector.load %arg3[%get3A_4, %get3A_5, %get3A_6] : memref<1x256x512xf32, #tpu.memory_space<vmem>>, vector<1x256x512xf32>
    %get3A_8 = vector.shape_cast %get3A_7 : vector<1x256x512xf32> to vector<256x512xf32>
    %mul3A = arith.mulf %get3A_3, %get3A_3 : vector<512x256xf32>
    %reduce_sum3A = arith.constant dense<0.000000e+00> : vector<512xf32>
    %reduce_sum3A_9 = vector.multi_reduction <add>, %mul3A, %reduce_sum3A [1] : vector<512x256xf32> to vector<512xf32>
    %broadcast_in_dim3A = vector.shape_cast %reduce_sum3A_9 : vector<512xf32> to vector<512x1xf32>
    %mul3A_10 = arith.mulf %get3A_8, %get3A_8 : vector<256x512xf32>
    %reduce_sum3A_11 = arith.constant dense<0.000000e+00> : vector<512xf32>
    %reduce_sum3A_12 = vector.multi_reduction <add>, %mul3A_10, %reduce_sum3A_11 [0] : vector<256x512xf32> to vector<512xf32>
    %broadcast_in_dim3A_13 = vector.shape_cast %reduce_sum3A_12 : vector<512xf32> to vector<1x512xf32>
    %convert_element_type3A = arith.truncf %get3A_3 : vector<512x256xf32> to vector<512x256xbf16>
    %convert_element_type3A_14 = arith.truncf %get3A_8 : vector<256x512xf32> to vector<256x512xbf16>
    %dot_general3A = arith.constant dense<0.000000e+00> : vector<512x512xf32>
    %dot_general3A_15 = tpu.matmul %convert_element_type3A, %convert_element_type3A_14, %dot_general3A {dimension_numbers = #tpu.dot_dimension_numbers<[1], [0], [0], [1], [0, 0, 1, 1], [], []>, transpose_lhs_hint = false} : vector<512x256xbf16>, vector<256x512xbf16>, vector<512x512xf32> -> vector<512x512xf32>
    %add3A = vector.broadcast %broadcast_in_dim3A : vector<512x1xf32> to vector<512x512xf32>
    %add3A_16 = vector.broadcast %broadcast_in_dim3A_13 : vector<1x512xf32> to vector<512x512xf32>
    %add3A_17 = arith.addf %add3A, %add3A_16 : vector<512x512xf32>
    %mul3A_18 = arith.constant 2.000000e+00 : f32
    %mul3A_19 = vector.broadcast %mul3A_18 : f32 to vector<512x512xf32>
    %mul3A_20 = arith.mulf %mul3A_19, %dot_general3A_15 : vector<512x512xf32>
    %sub3A = arith.subf %add3A_17, %mul3A_20 : vector<512x512xf32>
    %iota3A = tpu.iota {dimensions = array<i32: 1>} : vector<512x512xi32>
    %reduce_min3A = arith.constant dense<0x7F800000> : vector<512xf32>
    %reduce_min3A_21 = vector.multi_reduction <minimumf>, %sub3A, %reduce_min3A [1] : vector<512x512xf32> to vector<512xf32>
    %broadcast_in_dim3A_22 = vector.shape_cast %reduce_min3A_21 : vector<512xf32> to vector<512x1xf32>
    %eq3A = vector.broadcast %broadcast_in_dim3A_22 : vector<512x1xf32> to vector<512x512xf32>
    %eq3A_23 = arith.cmpf oeq, %sub3A, %eq3A : vector<512x512xf32>
    %jit3A = arith.constant 512 : i32
    %broadcast_in_dim3A_24 = vector.broadcast %jit3A : i32 to vector<512x512xi32>
    %select_n3A = arith.select %eq3A_23, %iota3A, %broadcast_in_dim3A_24 : vector<512x512xi1>, vector<512x512xi32>
    %reduce_min3A_25 = arith.constant dense<2147483647> : vector<512xi32>
    %reduce_min3A_26 = vector.multi_reduction <minsi>, %select_n3A, %reduce_min3A_25 [1] : vector<512x512xi32> to vector<512xi32>
    %broadcast_in_dim3A_27 = vector.shape_cast %reduce_min3A_26 : vector<512xi32> to vector<512x1xi32>
    %eq3A_28 = vector.broadcast %broadcast_in_dim3A_27 : vector<512x1xi32> to vector<512x512xi32>
    %eq3A_29 = arith.cmpi eq, %iota3A, %eq3A_28 : vector<512x512xi32>
    %jit3A_30 = arith.constant 0x7F800000 : f32
    %broadcast_in_dim3A_31 = vector.broadcast %jit3A_30 : f32 to vector<512x512xf32>
    %select_n3A_32 = arith.select %eq3A_29, %broadcast_in_dim3A_31, %sub3A : vector<512x512xi1>, vector<512x512xf32>
    %reduce_min3A_33 = arith.constant dense<0x7F800000> : vector<512xf32>
    %reduce_min3A_34 = vector.multi_reduction <minimumf>, %select_n3A_32, %reduce_min3A_33 [1] : vector<512x512xf32> to vector<512xf32>
    %broadcast_in_dim3A_35 = vector.shape_cast %reduce_min3A_34 : vector<512xf32> to vector<512x1xf32>
    %eq3A_36 = vector.broadcast %broadcast_in_dim3A_35 : vector<512x1xf32> to vector<512x512xf32>
    %eq3A_37 = arith.cmpf oeq, %select_n3A_32, %eq3A_36 : vector<512x512xf32>
    %jit3A_38 = arith.constant 512 : i32
    %broadcast_in_dim3A_39 = vector.broadcast %jit3A_38 : i32 to vector<512x512xi32>
    %select_n3A_40 = arith.select %eq3A_37, %iota3A, %broadcast_in_dim3A_39 : vector<512x512xi1>, vector<512x512xi32>
    %reduce_min3A_41 = arith.constant dense<2147483647> : vector<512xi32>
    %reduce_min3A_42 = vector.multi_reduction <minsi>, %select_n3A_40, %reduce_min3A_41 [1] : vector<512x512xi32> to vector<512xi32>
    %broadcast_in_dim3A_43 = vector.shape_cast %reduce_min3A_42 : vector<512xi32> to vector<512x1xi32>
    %eq3A_44 = vector.broadcast %broadcast_in_dim3A_43 : vector<512x1xi32> to vector<512x512xi32>
    %eq3A_45 = arith.cmpi eq, %iota3A, %eq3A_44 : vector<512x512xi32>
    %jit3A_46 = arith.constant 0x7F800000 : f32
    %broadcast_in_dim3A_47 = vector.broadcast %jit3A_46 : f32 to vector<512x512xf32>
    %select_n3A_48 = arith.select %eq3A_45, %broadcast_in_dim3A_47, %select_n3A_32 : vector<512x512xi1>, vector<512x512xf32>
    %reduce_min3A_49 = arith.constant dense<0x7F800000> : vector<512xf32>
    %reduce_min3A_50 = vector.multi_reduction <minimumf>, %select_n3A_48, %reduce_min3A_49 [1] : vector<512x512xf32> to vector<512xf32>
    %broadcast_in_dim3A_51 = vector.shape_cast %reduce_min3A_50 : vector<512xf32> to vector<512x1xf32>
    %eq3A_52 = vector.broadcast %broadcast_in_dim3A_51 : vector<512x1xf32> to vector<512x512xf32>
    %eq3A_53 = arith.cmpf oeq, %select_n3A_48, %eq3A_52 : vector<512x512xf32>
    %jit3A_54 = arith.constant 512 : i32
    %broadcast_in_dim3A_55 = vector.broadcast %jit3A_54 : i32 to vector<512x512xi32>
    %select_n3A_56 = arith.select %eq3A_53, %iota3A, %broadcast_in_dim3A_55 : vector<512x512xi1>, vector<512x512xi32>
    %reduce_min3A_57 = arith.constant dense<2147483647> : vector<512xi32>
    %reduce_min3A_58 = vector.multi_reduction <minsi>, %select_n3A_56, %reduce_min3A_57 [1] : vector<512x512xi32> to vector<512xi32>
    %broadcast_in_dim3A_59 = vector.shape_cast %reduce_min3A_58 : vector<512xi32> to vector<512x1xi32>
    %eq3A_60 = vector.broadcast %broadcast_in_dim3A_59 : vector<512x1xi32> to vector<512x512xi32>
    %eq3A_61 = arith.cmpi eq, %iota3A, %eq3A_60 : vector<512x512xi32>
    %jit3A_62 = arith.constant 0x7F800000 : f32
    %broadcast_in_dim3A_63 = vector.broadcast %jit3A_62 : f32 to vector<512x512xf32>
    %select_n3A_64 = arith.select %eq3A_61, %broadcast_in_dim3A_63, %select_n3A_48 : vector<512x512xi1>, vector<512x512xf32>
    %reduce_min3A_65 = arith.constant dense<0x7F800000> : vector<512xf32>
    %reduce_min3A_66 = vector.multi_reduction <minimumf>, %select_n3A_64, %reduce_min3A_65 [1] : vector<512x512xf32> to vector<512xf32>
    %broadcast_in_dim3A_67 = vector.shape_cast %reduce_min3A_66 : vector<512xf32> to vector<512x1xf32>
    %eq3A_68 = vector.broadcast %broadcast_in_dim3A_67 : vector<512x1xf32> to vector<512x512xf32>
    %eq3A_69 = arith.cmpf oeq, %select_n3A_64, %eq3A_68 : vector<512x512xf32>
    %jit3A_70 = arith.constant 512 : i32
    %broadcast_in_dim3A_71 = vector.broadcast %jit3A_70 : i32 to vector<512x512xi32>
    %select_n3A_72 = arith.select %eq3A_69, %iota3A, %broadcast_in_dim3A_71 : vector<512x512xi1>, vector<512x512xi32>
    %reduce_min3A_73 = arith.constant dense<2147483647> : vector<512xi32>
    %reduce_min3A_74 = vector.multi_reduction <minsi>, %select_n3A_72, %reduce_min3A_73 [1] : vector<512x512xi32> to vector<512xi32>
    %broadcast_in_dim3A_75 = vector.shape_cast %reduce_min3A_74 : vector<512xi32> to vector<512x1xi32>
    %concatenate3A = tpu.concatenate %broadcast_in_dim3A_27, %broadcast_in_dim3A_43, %broadcast_in_dim3A_59, %broadcast_in_dim3A_75 in 1 : vector<512x1xi32>, vector<512x1xi32>, vector<512x1xi32>, vector<512x1xi32> -> vector<512x4xi32>
    %mul3A_76 = arith.constant 512 : i32
    %mul3A_77 = arith.muli %arg0, %mul3A_76 : i32
    %add3A_78 = vector.broadcast %mul3A_77 : i32 to vector<512x4xi32>
    %add3A_79 = arith.addi %concatenate3A, %add3A_78 : vector<512x4xi32>
    %swap3A = arith.constant 0 : index
    %swap3A_80 = arith.constant 0 : index
    %swap3A_81 = arith.constant 0 : index
    %swap3A_82 = vector.load %arg4[%swap3A, %swap3A_80, %swap3A_81] : memref<1x512x4xi32, #tpu.memory_space<vmem>>, vector<1x512x4xi32>
    %swap3A_83 = vector.shape_cast %swap3A_82 : vector<1x512x4xi32> to vector<512x4xi32>
    %swap3A_84 = vector.shape_cast %add3A_79 : vector<512x4xi32> to vector<1x512x4xi32>
    tpu.vector_store %arg4[%swap3A, %swap3A_80, %swap3A_81], %swap3A_84 {strides = array<i32>} : memref<1x512x4xi32, #tpu.memory_space<vmem>>, vector<1x512x4xi32>,
    return
  }
  func.func @transform_0(%arg0: i32, %arg1: i32) -> (i32, i32, i32) {
    %c0_i32 = arith.constant 0 : i32
    %c0_i32_0 = arith.constant 0 : i32
    return %arg0, %arg1, %c0_i32 : i32, i32, i32
  }
  func.func @transform_1(%arg0: i32, %arg1: i32) -> (i32, i32, i32) {
    %c0_i32 = arith.constant 0 : i32
    %c0_i32_0 = arith.constant 0 : i32
    %c0_i32_1 = arith.constant 0 : i32
    return %arg0, %c0_i32, %c0_i32_0 : i32, i32, i32
  }
  func.func @transform_2(%arg0: i32, %arg1: i32) -> (i32, i32, i32) {
    %c0_i32 = arith.constant 0 : i32
    %c0_i32_0 = arith.constant 0 : i32
    return %arg0, %arg1, %c0_i32 : i32, i32, i32
  }
}

module attributes {stable_mosaic.version = 14 : i64} {
  func.func @body(%arg0: i32, %arg1: i32, %arg2: memref<1x256x1024xf32, #tpu.memory_space<vmem>>, %arg3: memref<1x256x256xf32, #tpu.memory_space<vmem>>, %arg4: memref<512x512xf32, #tpu.memory_space<vmem>>, %arg5: memref<1x256x512xf32, #tpu.memory_space<vmem>>, %arg6: memref<1x512xf32, #tpu.memory_space<vmem>>, %arg7: memref<1x512xf32, #tpu.memory_space<vmem>>) attributes {dimension_semantics = [#tpu.dimension_semantics<arbitrary>, #tpu.dimension_semantics<arbitrary>], iteration_bounds = array<i64: 8, 2>, scalar_prefetch = 0 : i64, scratch_operands = 0 : i64, tpu.core_type = #tpu.core_type<tc>, window_params = [{transform_indices = @transform_0, window_bounds = array<i64: 1, 256, 1024>}, {transform_indices = @transform_1, window_bounds = array<i64: 1, 256, 256>}, {pipeline_mode = #tpu.pipeline_mode<synchronous>, transform_indices = @transform_2, window_bounds = array<i64: 512, 512>}, {transform_indices = @transform_3, window_bounds = array<i64: 1, 256, 512>}, {pipeline_mode = #tpu.pipeline_mode<synchronous>, transform_indices = @transform_4, window_bounds = array<i64: 1, 512>}, {pipeline_mode = #tpu.pipeline_mode<synchronous>, transform_indices = @transform_5, window_bounds = array<i64: 1, 512>}]} {
    %get3A = arith.constant 0 : index
    %get3A_0 = arith.constant 0 : index
    %get3A_1 = arith.constant 0 : index
    %get3A_2 = vector.load %arg2[%get3A, %get3A_0, %get3A_1] : memref<1x256x1024xf32, #tpu.memory_space<vmem>>, vector<1x256x1024xf32>
    %get3A_3 = vector.shape_cast %get3A_2 : vector<1x256x1024xf32> to vector<256x1024xf32>
    %get3A_4 = arith.constant 0 : index
    %get3A_5 = arith.constant 0 : index
    %get3A_6 = arith.constant 0 : index
    %get3A_7 = vector.load %arg3[%get3A_4, %get3A_5, %get3A_6] : memref<1x256x256xf32, #tpu.memory_space<vmem>>, vector<1x256x256xf32>
    %get3A_8 = vector.shape_cast %get3A_7 : vector<1x256x256xf32> to vector<256x256xf32>
    %get3A_9 = arith.constant 0 : index
    %get3A_10 = arith.constant 0 : index
    %get3A_11 = vector.load %arg4[%get3A_9, %get3A_10] : memref<512x512xf32, #tpu.memory_space<vmem>>, vector<512x512xf32>
    %convert_element_type3A = arith.truncf %get3A_11 : vector<512x512xf32> to vector<512x512xbf16>
    %slice3A = vector.extract_strided_slice %get3A_3 {offsets = [0, 0], sizes = [256, 256], strides = [1, 1]} : vector<256x1024xf32> to vector<256x256xf32>
    %sub3A = arith.subf %slice3A, %get3A_8 : vector<256x256xf32>
    %concatenate3A = tpu.concatenate %sub3A, %get3A_8 in 1 : vector<256x256xf32>, vector<256x256xf32> -> vector<256x512xf32>
    %convert_element_type3A_12 = arith.truncf %concatenate3A : vector<256x512xf32> to vector<256x512xbf16>
    %dot_general3A = arith.constant dense<0.000000e+00> : vector<256x512xf32>
    %dot_general3A_13 = tpu.matmul %convert_element_type3A_12, %convert_element_type3A, %dot_general3A {dimension_numbers = #tpu.dot_dimension_numbers<[1], [0], [0], [1], [0, 0, 1, 1], [], []>, transpose_lhs_hint = false} : vector<256x512xbf16>, vector<512x512xbf16>, vector<256x512xf32> -> vector<256x512xf32>
    %mul3A = arith.mulf %dot_general3A_13, %dot_general3A_13 : vector<256x512xf32>
    %slice3A_14 = vector.extract_strided_slice %get3A_3 {offsets = [0, 256], sizes = [256, 256], strides = [1, 1]} : vector<256x1024xf32> to vector<256x256xf32>
    %sub3A_15 = arith.subf %slice3A_14, %get3A_8 : vector<256x256xf32>
    %concatenate3A_16 = tpu.concatenate %sub3A_15, %get3A_8 in 1 : vector<256x256xf32>, vector<256x256xf32> -> vector<256x512xf32>
    %convert_element_type3A_17 = arith.truncf %concatenate3A_16 : vector<256x512xf32> to vector<256x512xbf16>
    %dot_general3A_18 = arith.constant dense<0.000000e+00> : vector<256x512xf32>
    %dot_general3A_19 = tpu.matmul %convert_element_type3A_17, %convert_element_type3A, %dot_general3A_18 {dimension_numbers = #tpu.dot_dimension_numbers<[1], [0], [0], [1], [0, 0, 1, 1], [], []>, transpose_lhs_hint = false} : vector<256x512xbf16>, vector<512x512xbf16>, vector<256x512xf32> -> vector<256x512xf32>
    %max3A = arith.maximumf %dot_general3A_13, %dot_general3A_19 : vector<256x512xf32>
    %add3A = arith.addf %dot_general3A_13, %dot_general3A_19 : vector<256x512xf32>
    %mul3A_20 = arith.mulf %dot_general3A_19, %dot_general3A_19 : vector<256x512xf32>
    %add3A_21 = arith.addf %mul3A, %mul3A_20 : vector<256x512xf32>
    %slice3A_22 = vector.extract_strided_slice %get3A_3 {offsets = [0, 512], sizes = [256, 256], strides = [1, 1]} : vector<256x1024xf32> to vector<256x256xf32>
    %sub3A_23 = arith.subf %slice3A_22, %get3A_8 : vector<256x256xf32>
    %concatenate3A_24 = tpu.concatenate %sub3A_23, %get3A_8 in 1 : vector<256x256xf32>, vector<256x256xf32> -> vector<256x512xf32>
    %convert_element_type3A_25 = arith.truncf %concatenate3A_24 : vector<256x512xf32> to vector<256x512xbf16>
    %dot_general3A_26 = arith.constant dense<0.000000e+00> : vector<256x512xf32>
    %dot_general3A_27 = tpu.matmul %convert_element_type3A_25, %convert_element_type3A, %dot_general3A_26 {dimension_numbers = #tpu.dot_dimension_numbers<[1], [0], [0], [1], [0, 0, 1, 1], [], []>, transpose_lhs_hint = false} : vector<256x512xbf16>, vector<512x512xbf16>, vector<256x512xf32> -> vector<256x512xf32>
    %max3A_28 = arith.maximumf %max3A, %dot_general3A_27 : vector<256x512xf32>
    %add3A_29 = arith.addf %add3A, %dot_general3A_27 : vector<256x512xf32>
    %mul3A_30 = arith.mulf %dot_general3A_27, %dot_general3A_27 : vector<256x512xf32>
    %add3A_31 = arith.addf %add3A_21, %mul3A_30 : vector<256x512xf32>
    %slice3A_32 = vector.extract_strided_slice %get3A_3 {offsets = [0, 768], sizes = [256, 256], strides = [1, 1]} : vector<256x1024xf32> to vector<256x256xf32>
    %sub3A_33 = arith.subf %slice3A_32, %get3A_8 : vector<256x256xf32>
    %concatenate3A_34 = tpu.concatenate %sub3A_33, %get3A_8 in 1 : vector<256x256xf32>, vector<256x256xf32> -> vector<256x512xf32>
    %convert_element_type3A_35 = arith.truncf %concatenate3A_34 : vector<256x512xf32> to vector<256x512xbf16>
    %dot_general3A_36 = arith.constant dense<0.000000e+00> : vector<256x512xf32>
    %dot_general3A_37 = tpu.matmul %convert_element_type3A_35, %convert_element_type3A, %dot_general3A_36 {dimension_numbers = #tpu.dot_dimension_numbers<[1], [0], [0], [1], [0, 0, 1, 1], [], []>, transpose_lhs_hint = false} : vector<256x512xbf16>, vector<512x512xbf16>, vector<256x512xf32> -> vector<256x512xf32>
    %max3A_38 = arith.maximumf %max3A_28, %dot_general3A_37 : vector<256x512xf32>
    %add3A_39 = arith.addf %add3A_29, %dot_general3A_37 : vector<256x512xf32>
    %mul3A_40 = arith.mulf %dot_general3A_37, %dot_general3A_37 : vector<256x512xf32>
    %add3A_41 = arith.addf %add3A_31, %mul3A_40 : vector<256x512xf32>
    %swap3A = arith.constant 0 : index
    %swap3A_42 = arith.constant 0 : index
    %swap3A_43 = arith.constant 0 : index
    %swap3A_44 = vector.load %arg5[%swap3A, %swap3A_42, %swap3A_43] : memref<1x256x512xf32, #tpu.memory_space<vmem>>, vector<1x256x512xf32>
    %swap3A_45 = vector.shape_cast %swap3A_44 : vector<1x256x512xf32> to vector<256x512xf32>
    %swap3A_46 = vector.shape_cast %max3A_38 : vector<256x512xf32> to vector<1x256x512xf32>
    tpu.vector_store %arg5[%swap3A, %swap3A_42, %swap3A_43], %swap3A_46 {strides = array<i32>} : memref<1x256x512xf32, #tpu.memory_space<vmem>>, vector<1x256x512xf32>,
    %reduce_sum3A = arith.constant dense<0.000000e+00> : vector<512xf32>
    %reduce_sum3A_47 = vector.multi_reduction <add>, %add3A_39, %reduce_sum3A [0] : vector<256x512xf32> to vector<512xf32>
    %broadcast_in_dim3A = vector.shape_cast %reduce_sum3A_47 : vector<512xf32> to vector<1x512xf32>
    %reduce_sum3A_48 = arith.constant dense<0.000000e+00> : vector<512xf32>
    %reduce_sum3A_49 = vector.multi_reduction <add>, %add3A_41, %reduce_sum3A_48 [0] : vector<256x512xf32> to vector<512xf32>
    %broadcast_in_dim3A_50 = vector.shape_cast %reduce_sum3A_49 : vector<512xf32> to vector<1x512xf32>
    %eq3A = arith.constant 0 : i32
    %eq3A_51 = arith.cmpi eq, %arg0, %eq3A : i32
    %eq3A_52 = arith.constant 0 : i32
    %eq3A_53 = arith.cmpi eq, %arg1, %eq3A_52 : i32
    %and3A = arith.andi %eq3A_51, %eq3A_53 : i1
    %convert_element_type3A_54 = arith.extui %and3A : i1 to i32
    %cond3A = arith.constant 0 : i32
    %cond3A_55 = arith.cmpi ne, %convert_element_type3A_54, %cond3A : i32
    scf.if %cond3A_55 {
      %broadcast_in_dim3A_70 = arith.constant 0.000000e+00 : f32
      %broadcast_in_dim3A_71 = vector.broadcast %broadcast_in_dim3A_70 : f32 to vector<1x512xf32>
      %swap3A_72 = arith.constant 0 : index
      %swap3A_73 = arith.constant 0 : index
      %swap3A_74 = vector.load %arg6[%swap3A_72, %swap3A_73] : memref<1x512xf32, #tpu.memory_space<vmem>>, vector<1x512xf32>
      tpu.vector_store %arg6[%swap3A_72, %swap3A_73], %broadcast_in_dim3A_71 {strides = array<i32>} : memref<1x512xf32, #tpu.memory_space<vmem>>, vector<1x512xf32>,
      %broadcast_in_dim3A_75 = arith.constant 0.000000e+00 : f32
      %broadcast_in_dim3A_76 = vector.broadcast %broadcast_in_dim3A_75 : f32 to vector<1x512xf32>
      %swap3A_77 = arith.constant 0 : index
      %swap3A_78 = arith.constant 0 : index
      %swap3A_79 = vector.load %arg7[%swap3A_77, %swap3A_78] : memref<1x512xf32, #tpu.memory_space<vmem>>, vector<1x512xf32>
      tpu.vector_store %arg7[%swap3A_77, %swap3A_78], %broadcast_in_dim3A_76 {strides = array<i32>} : memref<1x512xf32, #tpu.memory_space<vmem>>, vector<1x512xf32>,
    } else {
    }
    %get3A_56 = arith.constant 0 : index
    %get3A_57 = arith.constant 0 : index
    %get3A_58 = vector.load %arg6[%get3A_56, %get3A_57] : memref<1x512xf32, #tpu.memory_space<vmem>>, vector<1x512xf32>
    %add3A_59 = arith.addf %get3A_58, %broadcast_in_dim3A : vector<1x512xf32>
    %swap3A_60 = arith.constant 0 : index
    %swap3A_61 = arith.constant 0 : index
    %swap3A_62 = vector.load %arg6[%swap3A_60, %swap3A_61] : memref<1x512xf32, #tpu.memory_space<vmem>>, vector<1x512xf32>
    tpu.vector_store %arg6[%swap3A_60, %swap3A_61], %add3A_59 {strides = array<i32>} : memref<1x512xf32, #tpu.memory_space<vmem>>, vector<1x512xf32>,
    %get3A_63 = arith.constant 0 : index
    %get3A_64 = arith.constant 0 : index
    %get3A_65 = vector.load %arg7[%get3A_63, %get3A_64] : memref<1x512xf32, #tpu.memory_space<vmem>>, vector<1x512xf32>
    %add3A_66 = arith.addf %get3A_65, %broadcast_in_dim3A_50 : vector<1x512xf32>
    %swap3A_67 = arith.constant 0 : index
    %swap3A_68 = arith.constant 0 : index
    %swap3A_69 = vector.load %arg7[%swap3A_67, %swap3A_68] : memref<1x512xf32, #tpu.memory_space<vmem>>, vector<1x512xf32>
    tpu.vector_store %arg7[%swap3A_67, %swap3A_68], %add3A_66 {strides = array<i32>} : memref<1x512xf32, #tpu.memory_space<vmem>>, vector<1x512xf32>,
    return
  }
  func.func @transform_0(%arg0: i32, %arg1: i32) -> (i32, i32, i32) {
    %c0_i32 = arith.constant 0 : i32
    %c0_i32_0 = arith.constant 0 : i32
    return %arg0, %arg1, %c0_i32 : i32, i32, i32
  }
  func.func @transform_1(%arg0: i32, %arg1: i32) -> (i32, i32, i32) {
    %c0_i32 = arith.constant 0 : i32
    %c0_i32_0 = arith.constant 0 : i32
    return %arg0, %arg1, %c0_i32 : i32, i32, i32
  }
  func.func @transform_2(%arg0: i32, %arg1: i32) -> (i32, i32) {
    %c0_i32 = arith.constant 0 : i32
    %c0_i32_0 = arith.constant 0 : i32
    %c0_i32_1 = arith.constant 0 : i32
    return %c0_i32, %c0_i32_0 : i32, i32
  }
  func.func @transform_3(%arg0: i32, %arg1: i32) -> (i32, i32, i32) {
    %c0_i32 = arith.constant 0 : i32
    %c0_i32_0 = arith.constant 0 : i32
    return %arg0, %arg1, %c0_i32 : i32, i32, i32
  }
  func.func @transform_4(%arg0: i32, %arg1: i32) -> (i32, i32) {
    %c0_i32 = arith.constant 0 : i32
    %c0_i32_0 = arith.constant 0 : i32
    %c0_i32_1 = arith.constant 0 : i32
    return %c0_i32, %c0_i32_0 : i32, i32
  }
  func.func @transform_5(%arg0: i32, %arg1: i32) -> (i32, i32) {
    %c0_i32 = arith.constant 0 : i32
    %c0_i32_0 = arith.constant 0 : i32
    %c0_i32_1 = arith.constant 0 : i32
    return %c0_i32, %c0_i32_0 : i32, i32
  }
}

module attributes {stable_mosaic.version = 14 : i64} {
  func.func @body(%arg0: i32, %arg1: i32, %arg2: memref<1x512x512xf32, #tpu.memory_space<vmem>>, %arg3: memref<1x512xf32, #tpu.memory_space<vmem>>, %arg4: memref<1x512xf32, #tpu.memory_space<vmem>>, %arg5: memref<1x512x512xf32, #tpu.memory_space<vmem>>) attributes {dimension_semantics = [#tpu.dimension_semantics<arbitrary>, #tpu.dimension_semantics<arbitrary>], iteration_bounds = array<i64: 8, 1>, scalar_prefetch = 0 : i64, scratch_operands = 0 : i64, tpu.core_type = #tpu.core_type<tc>, window_params = [{transform_indices = @transform_0, window_bounds = array<i64: 1, 512, 512>}, {pipeline_mode = #tpu.pipeline_mode<synchronous>, transform_indices = @transform_1, window_bounds = array<i64: 1, 512>}, {pipeline_mode = #tpu.pipeline_mode<synchronous>, transform_indices = @transform_2, window_bounds = array<i64: 1, 512>}, {transform_indices = @transform_3, window_bounds = array<i64: 1, 512, 512>}]} {
    %get3A = arith.constant 0 : index
    %get3A_0 = arith.constant 0 : index
    %get3A_1 = arith.constant 0 : index
    %get3A_2 = vector.load %arg2[%get3A, %get3A_0, %get3A_1] : memref<1x512x512xf32, #tpu.memory_space<vmem>>, vector<1x512x512xf32>
    %get3A_3 = vector.shape_cast %get3A_2 : vector<1x512x512xf32> to vector<512x512xf32>
    %get3A_4 = arith.constant 0 : index
    %get3A_5 = arith.constant 0 : index
    %get3A_6 = vector.load %arg3[%get3A_4, %get3A_5] : memref<1x512xf32, #tpu.memory_space<vmem>>, vector<1x512xf32>
    %mul3A = vector.broadcast %get3A_6 : vector<1x512xf32> to vector<512x512xf32>
    %mul3A_7 = arith.mulf %get3A_3, %mul3A : vector<512x512xf32>
    %get3A_8 = arith.constant 0 : index
    %get3A_9 = arith.constant 0 : index
    %get3A_10 = vector.load %arg4[%get3A_8, %get3A_9] : memref<1x512xf32, #tpu.memory_space<vmem>>, vector<1x512xf32>
    %add3A = vector.broadcast %get3A_10 : vector<1x512xf32> to vector<512x512xf32>
    %add3A_11 = arith.addf %mul3A_7, %add3A : vector<512x512xf32>
    %gt3A = arith.constant 0.000000e+00 : f32
    %gt3A_12 = vector.broadcast %gt3A : f32 to vector<512x512xf32>
    %gt3A_13 = arith.cmpf ogt, %add3A_11, %gt3A_12 : vector<512x512xf32>
    %mul3A_14 = arith.constant 2.000000e-01 : f32
    %mul3A_15 = vector.broadcast %mul3A_14 : f32 to vector<512x512xf32>
    %mul3A_16 = arith.mulf %mul3A_15, %add3A_11 : vector<512x512xf32>
    %select_n3A = arith.select %gt3A_13, %add3A_11, %mul3A_16 : vector<512x512xi1>, vector<512x512xf32>
    %swap3A = arith.constant 0 : index
    %swap3A_17 = arith.constant 0 : index
    %swap3A_18 = arith.constant 0 : index
    %swap3A_19 = vector.load %arg5[%swap3A, %swap3A_17, %swap3A_18] : memref<1x512x512xf32, #tpu.memory_space<vmem>>, vector<1x512x512xf32>
    %swap3A_20 = vector.shape_cast %swap3A_19 : vector<1x512x512xf32> to vector<512x512xf32>
    %swap3A_21 = vector.shape_cast %select_n3A : vector<512x512xf32> to vector<1x512x512xf32>
    tpu.vector_store %arg5[%swap3A, %swap3A_17, %swap3A_18], %swap3A_21 {strides = array<i32>} : memref<1x512x512xf32, #tpu.memory_space<vmem>>, vector<1x512x512xf32>,
    return
  }
  func.func @transform_0(%arg0: i32, %arg1: i32) -> (i32, i32, i32) {
    %c0_i32 = arith.constant 0 : i32
    %c0_i32_0 = arith.constant 0 : i32
    return %arg0, %arg1, %c0_i32 : i32, i32, i32
  }
  func.func @transform_1(%arg0: i32, %arg1: i32) -> (i32, i32) {
    %c0_i32 = arith.constant 0 : i32
    %c0_i32_0 = arith.constant 0 : i32
    %c0_i32_1 = arith.constant 0 : i32
    return %c0_i32, %c0_i32_0 : i32, i32
  }
  func.func @transform_2(%arg0: i32, %arg1: i32) -> (i32, i32) {
    %c0_i32 = arith.constant 0 : i32
    %c0_i32_0 = arith.constant 0 : i32
    %c0_i32_1 = arith.constant 0 : i32
    return %c0_i32, %c0_i32_0 : i32, i32
  }
  func.func @transform_3(%arg0: i32, %arg1: i32) -> (i32, i32, i32) {
    %c0_i32 = arith.constant 0 : i32
    %c0_i32_0 = arith.constant 0 : i32
    return %arg0, %arg1, %c0_i32 : i32, i32, i32
  }
}

</mosaic_0001>

<sc_bundles>
// kernel: kernel.16.cloned.1.call-start
scs
__scs_entry_jumppad:
0x0: {  	(pc) =	sbr.rel $0x88, $3  }
0x1: {  	(tag) =	ssettag $0x0;
	lr =	simm.s32 $0x1  }
0x2: {  	[smem:$0x3F97] =	sst lr;
	_ =	strace $0xD0000000  }
0x3: {  	_ = 	snop  }
0x4: {  	_ = 	snop  }
0x5: {  	_ = 	snop  }
0x6: {  	_ = 	snop  }
0x7: {  	_ = 	snop  }
__scs_overlays_trampoline_lowered:
0x8: {  	[smem:$0x3FA6] =	sst s0  }
0x9: {  	[smem:$0x3FA7] =	sst s1  }
0xa: {  	[smem:$0x3FA8] =	sst s2  }
0xb: {  	[smem:$0x3FA9] =	sst s3  }
0xc: {  	[smem:$0x3FAA] =	sst s4  }
0xd: {  	[smem:$0x3FAB] =	sst s5  }
0xe: {  	[smem:$0x3FAC] =	sst s6  }
0xf: {  	[smem:$0x3FAD] =	sst s7  }
0x10: {  	[smem:$0x3FAE] =	sst s8  }
0x11: {  	[smem:$0x3FAF] =	sst s9;
	s0 =	simm.s32 @!p0 $0x0  }
0x12: {  	s1 =	sld [smem:$0x3F95];
	s0 =	simm.s32 @p0 $0x1  }
0x13: {  	[smem:$0x3FB0] =	sst s0;
	s0 =	simm.s32 @!p1 $0x0  }
0x14: {  	s2 =	sld [smem:$0x3F94];
	s0 =	simm.s32 @p1 $0x1  }
0x15: {  	[smem:$0x3FB1] =	sst s0;
	s0 =	simm.s32 @!p2 $0x0  }
0x16: {  	s3 =	sld [smem:$0x3FDB];
	s0 =	simm.s32 @p2 $0x1  }
0x17: {  	s4 =	simm.s32 $0x1BF5;
	[smem:$0x3FB3] =	sst s0  }
0x18: {  	s0 =	sld [smem:$0x3F96];
	_ =	swait.ge [sflag:s4], $0x0  }
0x19: {  	s7 =	sld [smem:$0x3F97]  }
0x1a: {  	s8 =	sadd.s32 $0xFFFFE003, lr  }
0x1b: {  	s9 =	sadd.s32 $0xFFFFFEF7, lr;
	s5 =	simm.s32 $0xFFFFFFFF;
	p2 =	slt.u32 s8, $0xFFFFF086  }
0x1c: {  	p1 =	slt.u32 s9, $0xF7A;
	s5 =	simm.s32 @!p2 $0x0  }
0x1d: {  	s5 =	simm.s32 @p1 $0x1;
	p0 =	seq.s32 s7, s2  }
0x1e: {  	s7 =	smul.u32 @!p0 $0xF7A, s2;
	p2 =	seq.s32 @!p0 s5, $0x0  }
0x1f: {  	s9 =	smul.u32 $0xF7A, s1;
	s8 =	simm.s32 @!p0 $0x1BF5;
	p2 =	por !p2, p0  }
0x20: {  	[sflag:s8] =	ssyncset.s32 @!p0 $0xFFFFF086;
	s6 =	sadd.s32 @!p0 s3, s7;
	s7 =	simm.s32 @!p0 $0x108  }
0x21: {  	s3 =	sadd.s32 s3, s9;
	s6 =	sadd.s32 @!p0 $0x88, s6;
	s7 =	simm.s32 @p2 $0x1082  }
0x22: {  	[simem:s7], [sflag:s8] =	dma.local @!p0 [hbm:s6], $0xF7A  }
0x23: {  	s9 =	sor.u32 $0xD0000000, s2;
	s6 =	simm.s32 $0x108;
	_ =	swait.ge @!p0 [sflag:s8], $0x0  }
0x24: {  	s3 =	sadd.s32 $0x88, s3;
	s6 =	simm.s32 @!p1 $0x1082;
	[sflag:s4] =	ssyncset.s32 $0xFFFFF086  }
0x25: {  	[simem:s6], [sflag:s4] =	dma.local [hbm:s3], $0xF7A  }
0x26: {  	[smem:$0x3F97] =	sst s1;
	(tag) =	ssettag s2;
	_ =	strace s9  }
0x27: {  	s1 =	sld [smem:$0x3FA7]  }
0x28: {  	s2 =	sld [smem:$0x3FA8]  }
0x29: {  	s4 =	sld [smem:$0x3FAA]  }
0x2a: {  	p0 =	seq.s32 s5, $0x0;
	s5 =	sld [smem:$0x3FAB]  }
0x2b: {  	s6 =	sld [smem:$0x3FAC]  }
0x2c: {  	s7 =	sld [smem:$0x3FAD]  }
0x2d: {  	s3 =	simm.s32 $0x108;
	s8 =	sld [smem:$0x3FAE]  }
0x2e: {  	s3 =	simm.s32 @!p0 $0x1082;
	s9 =	sld [smem:$0x3FAF]  }
0x2f: {  	lr =	sadd.s32 s0, s3;
	s0 =	sld [smem:$0x3FA6]  }
0x30: {  	s3 =	sld [smem:$0x3FA9]  }
0x31: {  	[smem:$0x3FB2] =	sst s10  }
0x32: {  	s10 =	sld [smem:$0x3FB0];
	_ =	sdelay $0x3  }
0x33: {  	p0 =	seq.s32 s10, $0x1;
	s10 =	sld [smem:$0x3FB2];
	_ =	sdelay $0x3  }
0x34: {  	[smem:$0x3FB2] =	sst s10  }
0x35: {  	s10 =	sld [smem:$0x3FB1];
	_ =	sdelay $0x3  }
0x36: {  	p1 =	seq.s32 s10, $0x1;
	s10 =	sld [smem:$0x3FB2];
	_ =	sdelay $0x3  }
0x37: {  	[smem:$0x3FB2] =	sst s10  }
0x38: {  	s10 =	sld [smem:$0x3FB3]  }
0x39: {  	_ = 	snop;
	(pc) =	sbr.ind lr, $3  }
0x3a: {  	_ = 	snop  }
0x3b: {  	_ = 	snop  }
0x3c: {  	p2 =	seq.s32 s10, $0x1;
	s10 =	sld [smem:$0x3FB2]  }
0x3d: {  	_ =	shalt  }
0x3e: {  	_ =	shalt  }
0x3f: {  	_ =	shalt  }
0x40: {  	_ =	shalt  }
0x41: {  	_ =	shalt  }
0x42: {  	_ =	shalt  }
0x43: {  	_ =	shalt  }
0x44: {  	_ =	shalt  }
0x45: {  	_ =	shalt  }
0x46: {  	_ =	shalt  }
0x47: {  	_ =	shalt  }
0x48: {  	_ =	shalt  }
0x49: {  	_ =	shalt  }
0x4a: {  	_ =	shalt  }
0x4b: {  	_ =	shalt  }
0x4c: {  	_ =	shalt  }
0x4d: {  	_ =	shalt  }
0x4e: {  	_ =	shalt  }
0x4f: {  	_ =	shalt  }
0x50: {  	_ =	shalt  }
0x51: {  	_ =	shalt  }
0x52: {  	_ =	shalt  }
0x53: {  	_ =	shalt  }
0x54: {  	_ =	shalt  }
0x55: {  	_ =	shalt  }
0x56: {  	_ =	shalt  }
0x57: {  	_ =	shalt  }
0x58: {  	_ =	shalt  }
0x59: {  	_ =	shalt  }
0x5a: {  	_ =	shalt  }
0x5b: {  	_ =	shalt  }
0x5c: {  	_ =	shalt  }
0x5d: {  	_ =	shalt  }
0x5e: {  	_ =	shalt  }
0x5f: {  	_ =	shalt  }
0x60: {  	_ =	shalt  }
0x61: {  	_ =	shalt  }
0x62: {  	_ =	shalt  }
0x63: {  	_ =	shalt  }
0x64: {  	_ =	shalt  }
0x65: {  	_ =	shalt  }
0x66: {  	_ =	shalt  }
0x67: {  	_ =	shalt  }
0x68: {  	_ =	shalt  }
0x69: {  	_ =	shalt  }
0x6a: {  	_ =	shalt  }
0x6b: {  	_ =	shalt  }
0x6c: {  	_ =	shalt  }
0x6d: {  	_ =	shalt  }
0x6e: {  	_ =	shalt  }
0x6f: {  	_ =	shalt  }
0x70: {  	_ =	shalt  }
0x71: {  	_ =	shalt  }
0x72: {  	_ =	shalt  }
0x73: {  	_ =	shalt  }
0x74: {  	_ =	shalt  }
0x75: {  	_ =	shalt  }
0x76: {  	_ =	shalt  }
0x77: {  	_ =	shalt  }
0x78: {  	_ =	shalt  }
0x79: {  	_ =	shalt  }
0x7a: {  	_ =	shalt  }
0x7b: {  	_ =	shalt  }
0x7c: {  	_ =	shalt  }
0x7d: {  	_ =	shalt  }
0x7e: {  	_ =	shalt  }
0x7f: {  	_ =	shalt  }
0x80: {  	_ =	shalt  }
0x81: {  	_ =	shalt  }
0x82: {  	_ =	shalt  }
0x83: {  	_ =	shalt  }
0x84: {  	_ =	shalt  }
0x85: {  	_ =	shalt  }
0x86: {  	_ =	shalt  }
0x87: {  	_ =	shalt  }
.Lfunc_end0:
.L_simem_size_0:
called_computation_lowered:
.L_overlay_start_0:
0x88: {  	s2 =	sld [smem:$0x3FD9]  }
0x89: {  	s3 =	sld [smem:$0x3FFE];
	_ =	sdelay $0x1  }
0x8a: {  	s1 =	srdreg.scid  }
0x8b: {  	s0 =	sand.u32 $0x1, s1  }
0x8c: {  	s16 =	sshll.u32 s0, $0xA;
	s2 =	sadd.s32 s3, s2  }
0x8d: {  	s2 =	sadd.s32 s2, s16  }
0x8e: {  	[smem:$0x3FBE] =	sst s2  }
0x8f: {  	_ = 	snop  }
0x90: {  	(tm) =	ssettm $0x1  }
0x91: {  	s17 =	sld [smem:$0x3FFB];
	_ =	sdelay $0x3  }
0x92: {  	_ =	strace s17  }
0x93: {  	s2 =	sld [smem:$0x3FFC];
	_ =	sdelay $0x3  }
0x94: {  	_ =	strace s2  }
0x95: {  	s2 =	sld [smem:$0x3FFD];
	_ =	sdelay $0x3  }
0x96: {  	_ =	strace s2  }
0x97: {  	_ =	strace $0x8FFFFFFF  }
0x98: {  	s18 =	sld [smem:$0x3FDB];
	_ =	sdelay $0x1  }
0x99: {  	s19 =	simm.s32 $_scs_section_size  }
0x9a: {  	s4 =	simm.s32 $_size__tile_overlayer_lowered;
	s5 =	simm.s32 $_tile_overlayer_lowered  }
0x9b: {  	s22 =	simm.s32 $0x1BFF;
	s21 =	sshll.u32 s5, $0x1;
	s2 =	sadd.s32 s19, s18  }
0x9c: {  	s6 =	simm.s32 $0x0;
	s20 =	sshll.u32 s4, $0x1;
	s4 =	sadd.s32 s21, s2  }
0x9d: {  	[timem:s6], [sflag:s22] =	dma.local [hbm:s4], s20  }
0x9e: {  	_ =	swait.ge [sflag:s22], s20  }
0x9f: {  	s3 =	ssub.s32 $0x0, s20;
	[sflag:s22] =	ssyncset.done $0x0  }
0xa0: {  	[sflag:s22] =	ssyncadd.s32 s3;
	_ =	sdelay $0x1  }
0xa1: {  	s23 =	simm.s32 $0x1B8B  }
0xa2: {  	_ =	swait.ge [sflag:s23], $0x1  }
0xa3: {  	[sflag:s23] =	ssyncset.done $0x0  }
0xa4: {  	s25 =	simm.s32 $0x1B8E;
	s24 =	sld [smem:$0x3FFE];
	[sflag:s23] =	ssyncadd.s32 $0xFFFFFFFF  }
0xa5: {  	s26 =	simm.s32 $execute0_lowered;
	[smem:$0x3FD2] =	sst s25  }
0xa6: {  	s4 =	sshll.u32 s26, $0x1;
	_ =	strace $0x80000046;
	[dreg:$0x1] =	wrdreg $0xFFFFFFFF  }
0xa7: {  	s28 =	simm.s32 $_size_execute0_lowered;
	s2 =	sadd.s32 s2, s4;
	[dreg:$0x0] =	wrdreg $0x0  }
0xa8: {  	s4 =	sshll.u32 s28, $0x1;
	[dreg:$0x2] =	wrdreg s2  }
0xa9: {  	[dreg:$0x3] =	wrdreg s4  }
0xaa: {  	[dreg:$0x4] =	wrdreg $0xC0  }
0xab: {  	_ =	task [dreg:s6], $0x5FFFF  }
0xac: {  	[dreg:$0x1] =	wrdreg $0xFFFFFFFF  }
0xad: {  	[dreg:$0x0] =	wrdreg $0x60  }
0xae: {  	[dreg:$0x2] =	wrdreg s24  }
0xaf: {  	[dreg:$0x3] =	wrdreg $0x9  }
0xb0: {  	_ =	task.clear_ibuf [dreg:s6], $0x4FFFF;
	_ =	strace $0x90000046  }
0xb1: {  	s29 =	simm.s32 $0x9;
	_ =	strace $0x80000048  }
0xb2: {  	_ =	swait.ge [sflag:s29], $0x1  }
0xb3: {  	[sflag:s29] =	ssyncadd.s32 $0xFFFFFFFF  }
0xb4: {  	_ =	strace $0x90000048  }
0xb5: {  	_ =	sfence  }
0xb6: {  	s30 =	sld [smem:$0x0];
	_ =	sdelay $0x2  }
0xb7: {  	s31 =	sshll.u32 s1, $0xD;
	s1 =	sshrl.u32 s1, $0x2  }
0xb8: {  	s3 =	sand.u32 $0x4000, s31;
	s1 =	sadd.s32 s1, s30  }
0xb9: {  	s0 =	sor.u32 s3, s0;
	s1 =	sshll.u32 s1, $0x11  }
0xba: {  	s0 =	sor.u32 s1, s0  }
0xbb: {  	s0 =	sadd.s32 $0x8F2B, s0  }
0xbc: {  	[sflag:s0] =	ssyncadd.remote.s32 $0x1  }
0xbd: {  	_ =	sfence.sel $0xFFFF  }
0xbe: {  	[dreg:$0x0] =	wrdreg $0xFFFFFFFF;
	(pc) =	sbr.abs _section_cstart, $3  }
0xbf: {  	[dreg:$0x1] =	wrdreg $0xFFFFFFFF  }
0xc0: {  	_ =	task.clear_ibuf [dreg:s6], $0x2FFFF;
	_ =	strace $0x9FFFFFFF  }
0xc1: {  	(tm) =	ssettm $0x7FFFFFFF  }
tec
execute0_lowered:
.L_overlay_start_1:
0x0: {  	(tag) =	ssettag $0x1  }
0x1: {  	s4 =	rddreg [dreg:$0x0]  }
0x2: {  	s0 =	rddreg [dreg:$0x1];
	s2 =	simm.s32 $0x0;
	s3 =	srdreg.scid  }
0x3: {  	s1 =	stileid.u32;
	s9 =	simm.s32 $0x1;
	s10 =	simm.s32 $0x0  }
0x4: {  	[smem:$0x7FF] =	sst s2;
	s3 =	sand.u32 $0x1, s3;
	s5 =	sshll.u32 s1, $0xE  }
0x5: {  	s6 =	sshll.u32 s3, $0xD;
	s7 =	ssub.s32 $0x2, s3;
	_ =	strace $0x80000047  }
0x6: {  	s3 =	sadd.s32 $0xB600, s4;
	s5 =	sor.u32 s6, s5;
	s29 =	sshrl.u32 s7, $0x1  }
0x7: {  	s8 =	sshrl.u32 s5, $0x3;
	s6 =	ssub.s32 s7, s29;
	s31 =	sadd.s32 s5, s4  }
0x8: {  	s7 =	simm.s32 $0x2;
	s30 =	sadd.s32 s8, s4;
	s4 =	smax.u32 s6, $0x1  }
0x9: {  	s6 =	sadd.s32 $0xF600, s31;
	s8 =	simm.s32 $0x80;
	s5 =	sadd.s32 $0x3600, s30  }
.LBB2_1:
0xa: {  	s11 =	sadd.s32 $0x0, s5  }
0xb: {  	[tilespmem:s2], [sflag:$0x2] =	stream.linear.gather [hbm4b:s11+s2], $0x80, $0x38;
	[tilespmem:$0x480] =	vst v63  }
0xc: {  	_ =	swait.ge [sflag:s7], $0x80  }
0xd: {  	[sflag:s7] =	ssyncset.done $0x0  }
0xe: {  	[sflag:s7] =	ssyncadd.s32 $0xFFFFFF80  }
0xf: {  	[tilespmem:s8], [sflag:$0x1] =	stream.indirect.gather [hbm4b:s3+s8], $0x8, s2, s8, $0xb8;
	[tilespmem:$0x480] =	vst v63  }
0x10: {  	_ =	swait.ge [sflag:s9], $0x400  }
0x11: {  	[sflag:s9] =	ssyncset.done $0x0  }
0x12: {  	[sflag:s9] =	ssyncadd.s32 $0xFFFFFC00  }
0x13: {  	[hbm4b:s6+s2] =	stream.linear.scatter [tilespmem:s8], [sflag:$0x2], $0x400, $0x38;
	[tilespmem:$0x480] =	vst v63  }
0x14: {  	s12 =	simm.s32 $0x10;
	_ =	swait.ge [sflag:s7], $0x400  }
0x15: {  	s13 =	simm.s32 $0x20;
	s11 =	sadd.s32 $0x80, s6;
	[sflag:s7] =	ssyncset.done $0x0  }
.LBB2_2:
0x16: {  	s14 =	sadd.s32 s12, s5  }
0x17: {  	[sflag:s7] =	ssyncadd.s32 $0xFFFFFC00;
	s12 =	smov.u32 s13;
	s15 =	sadd.s32 $0x10, s13  }
0x18: {  	[tilespmem:s2], [sflag:$0x2] =	stream.linear.gather [hbm4b:s14+s2], $0x80, $0x38;
	[tilespmem:$0x480] =	vst v63  }
0x19: {  	p0 =	sne.s32 s13, $0x3F0;
	_ =	swait.ge [sflag:s7], $0x80  }
0x1a: {  	[sflag:s7] =	ssyncset.done $0x0  }
0x1b: {  	[sflag:s7] =	ssyncadd.s32 $0xFFFFFF80  }
0x1c: {  	[tilespmem:s8], [sflag:$0x1] =	stream.indirect.gather [hbm4b:s3+s8], $0x8, s2, s8, $0xb8;
	[tilespmem:$0x480] =	vst v63  }
0x1d: {  	_ =	swait.ge [sflag:s9], $0x400  }
.Ltmp0:
0x1e: {  	[sflag:s9] =	ssyncset.done $0x0;
	(pc) =	sbr.rel @p0 .LBB2_2-.Ltmp0, $4  }
0x1f: {  	[sflag:s9] =	ssyncadd.s32 $0xFFFFFC00  }
0x20: {  	[hbm4b:s11+s2] =	stream.linear.scatter [tilespmem:s8], [sflag:$0x2], $0x400, $0x38;
	[tilespmem:$0x480] =	vst v63  }
0x21: {  	_ =	swait.ge [sflag:s7], $0x400  }
0x22: {  	s13 =	smov.u32 s15;
	s11 =	sadd.s32 $0x80, s11;
	[sflag:s7] =	ssyncset.done $0x0  }
0x23: {  	s12 =	sadd.s32 s12, s5;
	[sflag:s7] =	ssyncadd.s32 $0xFFFFFC00  }
0x24: {  	[tilespmem:s2], [sflag:$0x2] =	stream.linear.gather [hbm4b:s12+s2], $0x80, $0x38;
	[tilespmem:$0x480] =	vst v63  }
0x25: {  	_ =	swait.ge [sflag:s7], $0x80  }
0x26: {  	[sflag:s7] =	ssyncset.done $0x0  }
0x27: {  	[sflag:s7] =	ssyncadd.s32 $0xFFFFFF80  }
0x28: {  	[tilespmem:s8], [sflag:$0x1] =	stream.indirect.gather [hbm4b:s3+s8], $0x8, s2, s8, $0xb8;
	[tilespmem:$0x480] =	vst v63  }
0x29: {  	s10 =	sadd.s32 $0x1, s10;
	_ =	swait.ge [sflag:s9], $0x400  }
0x2a: {  	p0 =	sne.s32 s10, s4;
	[sflag:s9] =	ssyncset.done $0x0  }
.Ltmp1:
0x2b: {  	[sflag:s9] =	ssyncadd.s32 $0xFFFFFC00;
	(pc) =	sbr.rel @p0 .LBB2_1-.Ltmp1, $4  }
0x2c: {  	[hbm4b:s11+s2] =	stream.linear.scatter [tilespmem:s8], [sflag:$0x2], $0x400, $0x38;
	[tilespmem:$0x480] =	vst v63  }
0x2d: {  	_ =	swait.ge [sflag:s7], $0x400  }
0x2e: {  	[sflag:s7] =	ssyncset.done $0x0  }
0x2f: {  	[sflag:s7] =	ssyncadd.s32 $0xFFFFFC00  }
0x30: {  	_ =	sfence.sel $0x180000  }
0x31: {  	[bflag:$0x0] =	sbarrier.arrive $0xFFFF  }
0x32: {  	p0 =	sne.s32 s1, $0x0;
	_ =	strace $0x90000047  }
0x33: {  	s0 =	sadd.s32 @!p0 $0x100000, s0;
	[bflag:$0x2] =	sbarrier.arrive $0xFFFF  }
0x34: {  	[sflag:s0] =	ssyncadd.tile.s32 @!p0 $0x1;
	_ =	shalt  }
.Lfunc_end2:
_tile_overlayer_lowered:
.L_overlay_start_2:
0x35: {  	(tag) =	ssettag $0x2  }
0x36: {  	s0 =	rddreg [dreg:$0x0];
	s2 =	stileid.u32  }
0x37: {  	s1 =	rddreg [dreg:$0x1];
	p0 =	sne.s32 s2, $0x0  }
0x38: {  	s3 =	rddreg [dreg:$0x2];
	[bflag:$0x3] =	sbarrier.arrive $0xFFFF;
	s2 =	simm.s32 @!p0 $0x1C02  }
0x39: {  	[timem:s3], [sflag:s2] =	dma.local @!p0 [hbm:s0], s1  }
0x3a: {  	s0 =	simm.s32 @!p0 $0x2  }
0x3b: {  	_ =	swait.ge @!p0 [sflag:s0], s1  }
0x3c: {  	s1 =	ssub.s32 @!p0 $0x0, s1;
	[sflag:s0] =	ssyncset.done @!p0 $0x0  }
0x3d: {  	[sflag:s0] =	ssyncadd.s32 @!p0 s1  }
0x3e: {  	[bflag:$0x3] =	sbarrier.arrive $0xFFFF  }
0x3f: {  	_ =	shalt  }

// kernel: kernel.19.cloned.1.call-start
scs
__scs_entry_jumppad:
0x0: {  	(pc) =	sbr.rel $0x88, $3  }
0x1: {  	(tag) =	ssettag $0x0;
	lr =	simm.s32 $0x1  }
0x2: {  	[smem:$0x3F97] =	sst lr;
	_ =	strace $0xD0000000  }
0x3: {  	_ = 	snop  }
0x4: {  	_ = 	snop  }
0x5: {  	_ = 	snop  }
0x6: {  	_ = 	snop  }
0x7: {  	_ = 	snop  }
__scs_overlays_trampoline_lowered:
0x8: {  	[smem:$0x3FA6] =	sst s0  }
0x9: {  	[smem:$0x3FA7] =	sst s1  }
0xa: {  	[smem:$0x3FA8] =	sst s2  }
0xb: {  	[smem:$0x3FA9] =	sst s3  }
0xc: {  	[smem:$0x3FAA] =	sst s4  }
0xd: {  	[smem:$0x3FAB] =	sst s5  }
0xe: {  	[smem:$0x3FAC] =	sst s6  }
0xf: {  	[smem:$0x3FAD] =	sst s7  }
0x10: {  	[smem:$0x3FAE] =	sst s8  }
0x11: {  	[smem:$0x3FAF] =	sst s9;
	s0 =	simm.s32 @!p0 $0x0  }
0x12: {  	s1 =	sld [smem:$0x3F95];
	s0 =	simm.s32 @p0 $0x1  }
0x13: {  	[smem:$0x3FB0] =	sst s0;
	s0 =	simm.s32 @!p1 $0x0  }
0x14: {  	s2 =	sld [smem:$0x3F94];
	s0 =	simm.s32 @p1 $0x1  }
0x15: {  	[smem:$0x3FB1] =	sst s0;
	s0 =	simm.s32 @!p2 $0x0  }
0x16: {  	s3 =	sld [smem:$0x3FDB];
	s0 =	simm.s32 @p2 $0x1  }
0x17: {  	s4 =	simm.s32 $0x1BF5;
	[smem:$0x3FB3] =	sst s0  }
0x18: {  	s0 =	sld [smem:$0x3F96];
	_ =	swait.ge [sflag:s4], $0x0  }
0x19: {  	s7 =	sld [smem:$0x3F97]  }
0x1a: {  	s8 =	sadd.s32 $0xFFFFE003, lr  }
0x1b: {  	s9 =	sadd.s32 $0xFFFFFEF7, lr;
	s5 =	simm.s32 $0xFFFFFFFF;
	p2 =	slt.u32 s8, $0xFFFFF086  }
0x1c: {  	p1 =	slt.u32 s9, $0xF7A;
	s5 =	simm.s32 @!p2 $0x0  }
0x1d: {  	s5 =	simm.s32 @p1 $0x1;
	p0 =	seq.s32 s7, s2  }
0x1e: {  	s7 =	smul.u32 @!p0 $0xF7A, s2;
	p2 =	seq.s32 @!p0 s5, $0x0  }
0x1f: {  	s9 =	smul.u32 $0xF7A, s1;
	s8 =	simm.s32 @!p0 $0x1BF5;
	p2 =	por !p2, p0  }
0x20: {  	[sflag:s8] =	ssyncset.s32 @!p0 $0xFFFFF086;
	s6 =	sadd.s32 @!p0 s3, s7;
	s7 =	simm.s32 @!p0 $0x108  }
0x21: {  	s3 =	sadd.s32 s3, s9;
	s6 =	sadd.s32 @!p0 $0x88, s6;
	s7 =	simm.s32 @p2 $0x1082  }
0x22: {  	[simem:s7], [sflag:s8] =	dma.local @!p0 [hbm:s6], $0xF7A  }
0x23: {  	s9 =	sor.u32 $0xD0000000, s2;
	s6 =	simm.s32 $0x108;
	_ =	swait.ge @!p0 [sflag:s8], $0x0  }
0x24: {  	s3 =	sadd.s32 $0x88, s3;
	s6 =	simm.s32 @!p1 $0x1082;
	[sflag:s4] =	ssyncset.s32 $0xFFFFF086  }
0x25: {  	[simem:s6], [sflag:s4] =	dma.local [hbm:s3], $0xF7A  }
0x26: {  	[smem:$0x3F97] =	sst s1;
	(tag) =	ssettag s2;
	_ =	strace s9  }
0x27: {  	s1 =	sld [smem:$0x3FA7]  }
0x28: {  	s2 =	sld [smem:$0x3FA8]  }
0x29: {  	s4 =	sld [smem:$0x3FAA]  }
0x2a: {  	p0 =	seq.s32 s5, $0x0;
	s5 =	sld [smem:$0x3FAB]  }
0x2b: {  	s6 =	sld [smem:$0x3FAC]  }
0x2c: {  	s7 =	sld [smem:$0x3FAD]  }
0x2d: {  	s3 =	simm.s32 $0x108;
	s8 =	sld [smem:$0x3FAE]  }
0x2e: {  	s3 =	simm.s32 @!p0 $0x1082;
	s9 =	sld [smem:$0x3FAF]  }
0x2f: {  	lr =	sadd.s32 s0, s3;
	s0 =	sld [smem:$0x3FA6]  }
0x30: {  	s3 =	sld [smem:$0x3FA9]  }
0x31: {  	[smem:$0x3FB2] =	sst s10  }
0x32: {  	s10 =	sld [smem:$0x3FB0];
	_ =	sdelay $0x3  }
0x33: {  	p0 =	seq.s32 s10, $0x1;
	s10 =	sld [smem:$0x3FB2];
	_ =	sdelay $0x3  }
0x34: {  	[smem:$0x3FB2] =	sst s10  }
0x35: {  	s10 =	sld [smem:$0x3FB1];
	_ =	sdelay $0x3  }
0x36: {  	p1 =	seq.s32 s10, $0x1;
	s10 =	sld [smem:$0x3FB2];
	_ =	sdelay $0x3  }
0x37: {  	[smem:$0x3FB2] =	sst s10  }
0x38: {  	s10 =	sld [smem:$0x3FB3]  }
0x39: {  	_ = 	snop;
	(pc) =	sbr.ind lr, $3  }
0x3a: {  	_ = 	snop  }
0x3b: {  	_ = 	snop  }
0x3c: {  	p2 =	seq.s32 s10, $0x1;
	s10 =	sld [smem:$0x3FB2]  }
0x3d: {  	_ =	shalt  }
0x3e: {  	_ =	shalt  }
0x3f: {  	_ =	shalt  }
0x40: {  	_ =	shalt  }
0x41: {  	_ =	shalt  }
0x42: {  	_ =	shalt  }
0x43: {  	_ =	shalt  }
0x44: {  	_ =	shalt  }
0x45: {  	_ =	shalt  }
0x46: {  	_ =	shalt  }
0x47: {  	_ =	shalt  }
0x48: {  	_ =	shalt  }
0x49: {  	_ =	shalt  }
0x4a: {  	_ =	shalt  }
0x4b: {  	_ =	shalt  }
0x4c: {  	_ =	shalt  }
0x4d: {  	_ =	shalt  }
0x4e: {  	_ =	shalt  }
0x4f: {  	_ =	shalt  }
0x50: {  	_ =	shalt  }
0x51: {  	_ =	shalt  }
0x52: {  	_ =	shalt  }
0x53: {  	_ =	shalt  }
0x54: {  	_ =	shalt  }
0x55: {  	_ =	shalt  }
0x56: {  	_ =	shalt  }
0x57: {  	_ =	shalt  }
0x58: {  	_ =	shalt  }
0x59: {  	_ =	shalt  }
0x5a: {  	_ =	shalt  }
0x5b: {  	_ =	shalt  }
0x5c: {  	_ =	shalt  }
0x5d: {  	_ =	shalt  }
0x5e: {  	_ =	shalt  }
0x5f: {  	_ =	shalt  }
0x60: {  	_ =	shalt  }
0x61: {  	_ =	shalt  }
0x62: {  	_ =	shalt  }
0x63: {  	_ =	shalt  }
0x64: {  	_ =	shalt  }
0x65: {  	_ =	shalt  }
0x66: {  	_ =	shalt  }
0x67: {  	_ =	shalt  }
0x68: {  	_ =	shalt  }
0x69: {  	_ =	shalt  }
0x6a: {  	_ =	shalt  }
0x6b: {  	_ =	shalt  }
0x6c: {  	_ =	shalt  }
0x6d: {  	_ =	shalt  }
0x6e: {  	_ =	shalt  }
0x6f: {  	_ =	shalt  }
0x70: {  	_ =	shalt  }
0x71: {  	_ =	shalt  }
0x72: {  	_ =	shalt  }
0x73: {  	_ =	shalt  }
0x74: {  	_ =	shalt  }
0x75: {  	_ =	shalt  }
0x76: {  	_ =	shalt  }
0x77: {  	_ =	shalt  }
0x78: {  	_ =	shalt  }
0x79: {  	_ =	shalt  }
0x7a: {  	_ =	shalt  }
0x7b: {  	_ =	shalt  }
0x7c: {  	_ =	shalt  }
0x7d: {  	_ =	shalt  }
0x7e: {  	_ =	shalt  }
0x7f: {  	_ =	shalt  }
0x80: {  	_ =	shalt  }
0x81: {  	_ =	shalt  }
0x82: {  	_ =	shalt  }
0x83: {  	_ =	shalt  }
0x84: {  	_ =	shalt  }
0x85: {  	_ =	shalt  }
0x86: {  	_ =	shalt  }
0x87: {  	_ =	shalt  }
.Lfunc_end0:
.L_simem_size_0:
called_computation.1_lowered:
.L_overlay_start_0:
0x88: {  	s2 =	sld [smem:$0x3FD9]  }
0x89: {  	s3 =	sld [smem:$0x3FFE];
	_ =	sdelay $0x1  }
0x8a: {  	s1 =	srdreg.scid  }
0x8b: {  	s0 =	sand.u32 $0x1, s1  }
0x8c: {  	s17 =	sshll.u32 s0, $0xA;
	s2 =	sadd.s32 s3, s2  }
0x8d: {  	s2 =	sadd.s32 s2, s17  }
0x8e: {  	[smem:$0x3FBE] =	sst s2  }
0x8f: {  	_ = 	snop  }
0x90: {  	s2 =	sld [smem:$0x3FD0];
	(tm) =	ssettm $0x1  }
0x91: {  	s18 =	sld [smem:$0x3FFB];
	_ =	sdelay $0x3  }
0x92: {  	_ =	strace s18  }
0x93: {  	s3 =	sld [smem:$0x3FFC];
	_ =	sdelay $0x3  }
0x94: {  	_ =	strace s3  }
0x95: {  	s3 =	sld [smem:$0x3FFD];
	_ =	sdelay $0x3  }
0x96: {  	_ =	strace s3  }
0x97: {  	_ =	strace $0x8FFFFFFF  }
0x98: {  	s19 =	sld [smem:$0x3FDB];
	_ =	sdelay $0x1  }
0x99: {  	s4 =	simm.s32 $_scs_section_size  }
0x9a: {  	s5 =	simm.s32 $_size__tile_overlayer_lowered;
	s6 =	simm.s32 $_tile_overlayer_lowered  }
0x9b: {  	s22 =	simm.s32 $0x1BFF;
	s21 =	sshll.u32 s6, $0x1;
	s3 =	sadd.s32 s4, s19  }
0x9c: {  	s7 =	simm.s32 $0x0;
	s20 =	sshll.u32 s5, $0x1;
	s5 =	sadd.s32 s21, s3  }
0x9d: {  	[timem:s7], [sflag:s22] =	dma.local [hbm:s5], s20  }
0x9e: {  	_ =	swait.ge [sflag:s22], s20  }
0x9f: {  	s4 =	ssub.s32 $0x0, s20;
	[sflag:s22] =	ssyncset.done $0x0  }
0xa0: {  	[sflag:s22] =	ssyncadd.s32 s4;
	_ =	sdelay $0x1  }
0xa1: {  	s23 =	simm.s32 $0x1B8B  }
0xa2: {  	_ =	swait.ge [sflag:s23], $0x1  }
0xa3: {  	[sflag:s23] =	ssyncset.done $0x0  }
0xa4: {  	s25 =	simm.s32 $0x1B8E;
	s24 =	sld [smem:$0x3FFE];
	[sflag:s23] =	ssyncadd.s32 $0xFFFFFFFF  }
0xa5: {  	s26 =	simm.s32 $execute0_lowered;
	[smem:$0x3FD2] =	sst s25  }
0xa6: {  	s5 =	sshll.u32 s26, $0x1;
	_ =	strace $0x80000049;
	[dreg:$0x1] =	wrdreg $0xFFFFFFFF  }
0xa7: {  	s28 =	simm.s32 $_size_execute0_lowered;
	s3 =	sadd.s32 s3, s5;
	[dreg:$0x0] =	wrdreg $0x0  }
0xa8: {  	s5 =	sshll.u32 s28, $0x1;
	[dreg:$0x2] =	wrdreg s3  }
0xa9: {  	[dreg:$0x3] =	wrdreg s5  }
0xaa: {  	[dreg:$0x4] =	wrdreg $0xC0  }
0xab: {  	_ =	task [dreg:s7], $0x5FFFF  }
0xac: {  	[dreg:$0x1] =	wrdreg $0xFFFFFFFF  }
0xad: {  	[dreg:$0x0] =	wrdreg $0x60  }
0xae: {  	[dreg:$0x2] =	wrdreg s2  }
0xaf: {  	[dreg:$0x3] =	wrdreg s24  }
0xb0: {  	[dreg:$0x4] =	wrdreg $0x9  }
0xb1: {  	_ =	task.clear_ibuf [dreg:s7], $0x5FFFF;
	_ =	strace $0x90000049  }
0xb2: {  	s29 =	simm.s32 $0x9;
	_ =	strace $0x8000004B  }
0xb3: {  	_ =	swait.ge [sflag:s29], $0x1  }
0xb4: {  	[sflag:s29] =	ssyncadd.s32 $0xFFFFFFFF  }
0xb5: {  	_ =	strace $0x9000004B  }
0xb6: {  	_ =	sfence  }
0xb7: {  	s30 =	sld [smem:$0x0];
	_ =	sdelay $0x2  }
0xb8: {  	s31 =	sshll.u32 s1, $0xD;
	s1 =	sshrl.u32 s1, $0x2  }
0xb9: {  	s3 =	sand.u32 $0x4000, s31;
	s1 =	sadd.s32 s1, s30  }
0xba: {  	s0 =	sor.u32 s3, s0;
	s1 =	sshll.u32 s1, $0x11  }
0xbb: {  	s0 =	sor.u32 s1, s0  }
0xbc: {  	s0 =	sadd.s32 $0x8F2B, s0  }
0xbd: {  	[sflag:s0] =	ssyncadd.remote.s32 $0x1  }
0xbe: {  	_ =	sfence.sel $0xFFFF  }
0xbf: {  	[dreg:$0x0] =	wrdreg $0xFFFFFFFF;
	(pc) =	sbr.abs _section_cstart, $3  }
0xc0: {  	[dreg:$0x1] =	wrdreg $0xFFFFFFFF  }
0xc1: {  	_ =	task.clear_ibuf [dreg:s7], $0x2FFFF;
	_ =	strace $0x9FFFFFFF  }
0xc2: {  	(tm) =	ssettm $0x7FFFFFFF  }
0xc3: {  	_ =	shalt  }
tec
execute0_lowered:
.L_overlay_start_1:
0x0: {  	(tag) =	ssettag $0x1  }
0x1: {  	s1 =	srdreg.scid  }
0x2: {  	s0 =	stileid.u32;
	s6 =	sand.u32 $0x1, s1  }
0x3: {  	s2 =	rddreg [dreg:$0x0];
	s30 =	sshll.u32 s0, $0x8;
	s3 =	sshll.u32 s6, $0x7  }
0x4: {  	s8 =	rddreg [dreg:$0x1];
	s7 =	simm.s32 $0x1;
	s9 =	sor.u32 s3, s30  }
0x5: {  	s1 =	rddreg [dreg:$0x2];
	s3 =	simm.s32 $0x0;
	s4 =	sshrl.u32 s9, $0x3  }
0x6: {  	s10 =	ssub.s32 $0x2, s6;
	[smem:$0x7FF] =	sst s3;
	s4 =	sadd.s32 s4, s8  }
0x7: {  	_ =	strace $0x8000004A;
	s5 =	sadd.s32 $0x4F600, s4;
	s4 =	simm.s32 $0x2  }
0x8: {  	[tilespmem:s3], [sflag:$0x2] =	stream.linear.gather [hbm4b:s5+s3], $0x80, $0x38;
	[tilespmem:$0x2080] =	vst v63  }
0x9: {  	s6 =	simm.s32 $0x80;
	s11 =	sshrl.u32 s10, $0x1;
	_ =	swait.ge [sflag:s4], $0x80  }
0xa: {  	s9 =	sshll.u32 s9, $0x3;
	s31 =	ssub.s32 s10, s11;
	[sflag:s4] =	ssyncset.done $0x0  }
0xb: {  	s8 =	sadd.s32 s9, s8;
	s9 =	smax.u32 s31, $0x1;
	[sflag:s4] =	ssyncadd.s32 $0xFFFFFF80  }
0xc: {  	[tilespmem:s6], [sflag:$0x1] =	stream.indirect.gather [hbm4b:s2+s6], $0x40, s3, s6, $0xb8;
	[tilespmem:$0x2080] =	vst v63  }
0xd: {  	p0 =	sne.s32 s9, $0x1;
	_ =	swait.ge [sflag:s7], $0x2000  }
.Ltmp0:
0xe: {  	[sflag:s7] =	ssyncset.done $0x0;
	(pc) =	sbr.rel @!p0 .LBB2_2-.Ltmp0, $4  }
0xf: {  	s8 =	sadd.s32 $0x3600, s8;
	[sflag:s7] =	ssyncadd.s32 $0xFFFFE000  }
0x10: {  	[hbm4b:s8+s3] =	stream.linear.scatter [tilespmem:s6], [sflag:$0x2], $0x2000, $0x38;
	[tilespmem:$0x2080] =	vst v63  }
0x11: {  	_ =	swait.ge [sflag:s4], $0x2000  }
0x12: {  	s9 =	sadd.s32 $0xFFFFFFFF, s9;
	[sflag:s4] =	ssyncset.done $0x0  }
.LBB2_1:
0x13: {  	p0 =	sne.s32 s9, $0x1;
	s9 =	sadd.s32 $0xFFFFFFFF, s9;
	[sflag:s4] =	ssyncadd.s32 $0xFFFFE000  }
0x14: {  	[tilespmem:s3], [sflag:$0x2] =	stream.linear.gather [hbm4b:s5+s3], $0x80, $0x38;
	[tilespmem:$0x2080] =	vst v63  }
0x15: {  	_ =	swait.ge [sflag:s4], $0x80  }
0x16: {  	[sflag:s4] =	ssyncset.done $0x0  }
0x17: {  	[sflag:s4] =	ssyncadd.s32 $0xFFFFFF80  }
0x18: {  	[tilespmem:s6], [sflag:$0x1] =	stream.indirect.gather [hbm4b:s2+s6], $0x40, s3, s6, $0xb8;
	[tilespmem:$0x2080] =	vst v63  }
0x19: {  	_ =	swait.ge [sflag:s7], $0x2000  }
.Ltmp1:
0x1a: {  	[sflag:s7] =	ssyncset.done $0x0;
	(pc) =	sbr.rel @p0 .LBB2_1-.Ltmp1, $4  }
0x1b: {  	[sflag:s7] =	ssyncadd.s32 $0xFFFFE000  }
0x1c: {  	[hbm4b:s8+s3] =	stream.linear.scatter [tilespmem:s6], [sflag:$0x2], $0x2000, $0x38;
	[tilespmem:$0x2080] =	vst v63  }
0x1d: {  	_ =	swait.ge [sflag:s4], $0x2000  }
0x1e: {  	[sflag:s4] =	ssyncset.done $0x0  }
.LBB2_2:
0x1f: {  	[sflag:s4] =	ssyncadd.s32 $0xFFFFE000  }
0x20: {  	_ =	sfence.sel $0x180000  }
0x21: {  	[bflag:$0x0] =	sbarrier.arrive $0xFFFF  }
0x22: {  	p0 =	sne.s32 s0, $0x0;
	_ =	strace $0x9000004A  }
0x23: {  	s0 =	sadd.s32 @!p0 $0x100000, s1;
	[bflag:$0x2] =	sbarrier.arrive $0xFFFF  }
0x24: {  	[sflag:s0] =	ssyncadd.tile.s32 @!p0 $0x1;
	_ =	shalt  }
.Lfunc_end2:
_tile_overlayer_lowered:
.L_overlay_start_2:
0x25: {  	(tag) =	ssettag $0x2  }
0x26: {  	s0 =	rddreg [dreg:$0x0];
	s2 =	stileid.u32  }
0x27: {  	s1 =	rddreg [dreg:$0x1];
	p0 =	sne.s32 s2, $0x0  }
0x28: {  	s3 =	rddreg [dreg:$0x2];
	[bflag:$0x3] =	sbarrier.arrive $0xFFFF;
	s2 =	simm.s32 @!p0 $0x1C02  }
0x29: {  	[timem:s3], [sflag:s2] =	dma.local @!p0 [hbm:s0], s1  }
0x2a: {  	s0 =	simm.s32 @!p0 $0x2  }
0x2b: {  	_ =	swait.ge @!p0 [sflag:s0], s1  }
0x2c: {  	s1 =	ssub.s32 @!p0 $0x0, s1;
	[sflag:s0] =	ssyncset.done @!p0 $0x0  }
0x2d: {  	[sflag:s0] =	ssyncadd.s32 @!p0 s1  }
0x2e: {  	[bflag:$0x3] =	sbarrier.arrive $0xFFFF  }
0x2f: {  	_ =	shalt  }

// kernel: kernel.22.cloned.1.call-start
scs
__scs_entry_jumppad:
0x0: {  	(pc) =	sbr.rel $0x88, $3  }
0x1: {  	(tag) =	ssettag $0x0;
	lr =	simm.s32 $0x1  }
0x2: {  	[smem:$0x3F97] =	sst lr;
	_ =	strace $0xD0000000  }
0x3: {  	_ = 	snop  }
0x4: {  	_ = 	snop  }
0x5: {  	_ = 	snop  }
0x6: {  	_ = 	snop  }
0x7: {  	_ = 	snop  }
__scs_overlays_trampoline_lowered:
0x8: {  	[smem:$0x3FA6] =	sst s0  }
0x9: {  	[smem:$0x3FA7] =	sst s1  }
0xa: {  	[smem:$0x3FA8] =	sst s2  }
0xb: {  	[smem:$0x3FA9] =	sst s3  }
0xc: {  	[smem:$0x3FAA] =	sst s4  }
0xd: {  	[smem:$0x3FAB] =	sst s5  }
0xe: {  	[smem:$0x3FAC] =	sst s6  }
0xf: {  	[smem:$0x3FAD] =	sst s7  }
0x10: {  	[smem:$0x3FAE] =	sst s8  }
0x11: {  	[smem:$0x3FAF] =	sst s9;
	s0 =	simm.s32 @!p0 $0x0  }
0x12: {  	s1 =	sld [smem:$0x3F95];
	s0 =	simm.s32 @p0 $0x1  }
0x13: {  	[smem:$0x3FB0] =	sst s0;
	s0 =	simm.s32 @!p1 $0x0  }
0x14: {  	s2 =	sld [smem:$0x3F94];
	s0 =	simm.s32 @p1 $0x1  }
0x15: {  	[smem:$0x3FB1] =	sst s0;
	s0 =	simm.s32 @!p2 $0x0  }
0x16: {  	s3 =	sld [smem:$0x3FDB];
	s0 =	simm.s32 @p2 $0x1  }
0x17: {  	s4 =	simm.s32 $0x1BF5;
	[smem:$0x3FB3] =	sst s0  }
0x18: {  	s0 =	sld [smem:$0x3F96];
	_ =	swait.ge [sflag:s4], $0x0  }
0x19: {  	s7 =	sld [smem:$0x3F97]  }
0x1a: {  	s8 =	sadd.s32 $0xFFFFE003, lr  }
0x1b: {  	s9 =	sadd.s32 $0xFFFFFEF7, lr;
	s5 =	simm.s32 $0xFFFFFFFF;
	p2 =	slt.u32 s8, $0xFFFFF086  }
0x1c: {  	p1 =	slt.u32 s9, $0xF7A;
	s5 =	simm.s32 @!p2 $0x0  }
0x1d: {  	s5 =	simm.s32 @p1 $0x1;
	p0 =	seq.s32 s7, s2  }
0x1e: {  	s7 =	smul.u32 @!p0 $0xF7A, s2;
	p2 =	seq.s32 @!p0 s5, $0x0  }
0x1f: {  	s9 =	smul.u32 $0xF7A, s1;
	s8 =	simm.s32 @!p0 $0x1BF5;
	p2 =	por !p2, p0  }
0x20: {  	[sflag:s8] =	ssyncset.s32 @!p0 $0xFFFFF086;
	s6 =	sadd.s32 @!p0 s3, s7;
	s7 =	simm.s32 @!p0 $0x108  }
0x21: {  	s3 =	sadd.s32 s3, s9;
	s6 =	sadd.s32 @!p0 $0x88, s6;
	s7 =	simm.s32 @p2 $0x1082  }
0x22: {  	[simem:s7], [sflag:s8] =	dma.local @!p0 [hbm:s6], $0xF7A  }
0x23: {  	s9 =	sor.u32 $0xD0000000, s2;
	s6 =	simm.s32 $0x108;
	_ =	swait.ge @!p0 [sflag:s8], $0x0  }
0x24: {  	s3 =	sadd.s32 $0x88, s3;
	s6 =	simm.s32 @!p1 $0x1082;
	[sflag:s4] =	ssyncset.s32 $0xFFFFF086  }
0x25: {  	[simem:s6], [sflag:s4] =	dma.local [hbm:s3], $0xF7A  }
0x26: {  	[smem:$0x3F97] =	sst s1;
	(tag) =	ssettag s2;
	_ =	strace s9  }
0x27: {  	s1 =	sld [smem:$0x3FA7]  }
0x28: {  	s2 =	sld [smem:$0x3FA8]  }
0x29: {  	s4 =	sld [smem:$0x3FAA]  }
0x2a: {  	p0 =	seq.s32 s5, $0x0;
	s5 =	sld [smem:$0x3FAB]  }
0x2b: {  	s6 =	sld [smem:$0x3FAC]  }
0x2c: {  	s7 =	sld [smem:$0x3FAD]  }
0x2d: {  	s3 =	simm.s32 $0x108;
	s8 =	sld [smem:$0x3FAE]  }
0x2e: {  	s3 =	simm.s32 @!p0 $0x1082;
	s9 =	sld [smem:$0x3FAF]  }
0x2f: {  	lr =	sadd.s32 s0, s3;
	s0 =	sld [smem:$0x3FA6]  }
0x30: {  	s3 =	sld [smem:$0x3FA9]  }
0x31: {  	[smem:$0x3FB2] =	sst s10  }
0x32: {  	s10 =	sld [smem:$0x3FB0];
	_ =	sdelay $0x3  }
0x33: {  	p0 =	seq.s32 s10, $0x1;
	s10 =	sld [smem:$0x3FB2];
	_ =	sdelay $0x3  }
0x34: {  	[smem:$0x3FB2] =	sst s10  }
0x35: {  	s10 =	sld [smem:$0x3FB1];
	_ =	sdelay $0x3  }
0x36: {  	p1 =	seq.s32 s10, $0x1;
	s10 =	sld [smem:$0x3FB2];
	_ =	sdelay $0x3  }
0x37: {  	[smem:$0x3FB2] =	sst s10  }
0x38: {  	s10 =	sld [smem:$0x3FB3]  }
0x39: {  	_ = 	snop;
	(pc) =	sbr.ind lr, $3  }
0x3a: {  	_ = 	snop  }
0x3b: {  	_ = 	snop  }
0x3c: {  	p2 =	seq.s32 s10, $0x1;
	s10 =	sld [smem:$0x3FB2]  }
0x3d: {  	_ =	shalt  }
0x3e: {  	_ =	shalt  }
0x3f: {  	_ =	shalt  }
0x40: {  	_ =	shalt  }
0x41: {  	_ =	shalt  }
0x42: {  	_ =	shalt  }
0x43: {  	_ =	shalt  }
0x44: {  	_ =	shalt  }
0x45: {  	_ =	shalt  }
0x46: {  	_ =	shalt  }
0x47: {  	_ =	shalt  }
0x48: {  	_ =	shalt  }
0x49: {  	_ =	shalt  }
0x4a: {  	_ =	shalt  }
0x4b: {  	_ =	shalt  }
0x4c: {  	_ =	shalt  }
0x4d: {  	_ =	shalt  }
0x4e: {  	_ =	shalt  }
0x4f: {  	_ =	shalt  }
0x50: {  	_ =	shalt  }
0x51: {  	_ =	shalt  }
0x52: {  	_ =	shalt  }
0x53: {  	_ =	shalt  }
0x54: {  	_ =	shalt  }
0x55: {  	_ =	shalt  }
0x56: {  	_ =	shalt  }
0x57: {  	_ =	shalt  }
0x58: {  	_ =	shalt  }
0x59: {  	_ =	shalt  }
0x5a: {  	_ =	shalt  }
0x5b: {  	_ =	shalt  }
0x5c: {  	_ =	shalt  }
0x5d: {  	_ =	shalt  }
0x5e: {  	_ =	shalt  }
0x5f: {  	_ =	shalt  }
0x60: {  	_ =	shalt  }
0x61: {  	_ =	shalt  }
0x62: {  	_ =	shalt  }
0x63: {  	_ =	shalt  }
0x64: {  	_ =	shalt  }
0x65: {  	_ =	shalt  }
0x66: {  	_ =	shalt  }
0x67: {  	_ =	shalt  }
0x68: {  	_ =	shalt  }
0x69: {  	_ =	shalt  }
0x6a: {  	_ =	shalt  }
0x6b: {  	_ =	shalt  }
0x6c: {  	_ =	shalt  }
0x6d: {  	_ =	shalt  }
0x6e: {  	_ =	shalt  }
0x6f: {  	_ =	shalt  }
0x70: {  	_ =	shalt  }
0x71: {  	_ =	shalt  }
0x72: {  	_ =	shalt  }
0x73: {  	_ =	shalt  }
0x74: {  	_ =	shalt  }
0x75: {  	_ =	shalt  }
0x76: {  	_ =	shalt  }
0x77: {  	_ =	shalt  }
0x78: {  	_ =	shalt  }
0x79: {  	_ =	shalt  }
0x7a: {  	_ =	shalt  }
0x7b: {  	_ =	shalt  }
0x7c: {  	_ =	shalt  }
0x7d: {  	_ =	shalt  }
0x7e: {  	_ =	shalt  }
0x7f: {  	_ =	shalt  }
0x80: {  	_ =	shalt  }
0x81: {  	_ =	shalt  }
0x82: {  	_ =	shalt  }
0x83: {  	_ =	shalt  }
0x84: {  	_ =	shalt  }
0x85: {  	_ =	shalt  }
0x86: {  	_ =	shalt  }
0x87: {  	_ =	shalt  }
.Lfunc_end0:
.L_simem_size_0:
called_computation.2_lowered:
.L_overlay_start_0:
0x88: {  	s2 =	sld [smem:$0x3FD9]  }
0x89: {  	s3 =	sld [smem:$0x3FFE];
	_ =	sdelay $0x1  }
0x8a: {  	s1 =	srdreg.scid  }
0x8b: {  	s0 =	sand.u32 $0x1, s1  }
0x8c: {  	s17 =	sshll.u32 s0, $0xA;
	s2 =	sadd.s32 s3, s2  }
0x8d: {  	s2 =	sadd.s32 s2, s17  }
0x8e: {  	[smem:$0x3FBE] =	sst s2  }
0x8f: {  	_ = 	snop  }
0x90: {  	s2 =	sld [smem:$0x3FD0];
	(tm) =	ssettm $0x1  }
0x91: {  	s18 =	sld [smem:$0x3FFB];
	_ =	sdelay $0x3  }
0x92: {  	_ =	strace s18  }
0x93: {  	s3 =	sld [smem:$0x3FFC];
	_ =	sdelay $0x3  }
0x94: {  	_ =	strace s3  }
0x95: {  	s3 =	sld [smem:$0x3FFD];
	_ =	sdelay $0x3  }
0x96: {  	_ =	strace s3  }
0x97: {  	_ =	strace $0x8FFFFFFF  }
0x98: {  	s19 =	sld [smem:$0x3FDB];
	_ =	sdelay $0x1  }
0x99: {  	s4 =	simm.s32 $_scs_section_size  }
0x9a: {  	s5 =	simm.s32 $_size__tile_overlayer_lowered;
	s6 =	simm.s32 $_tile_overlayer_lowered  }
0x9b: {  	s22 =	simm.s32 $0x1BFF;
	s21 =	sshll.u32 s6, $0x1;
	s3 =	sadd.s32 s4, s19  }
0x9c: {  	s7 =	simm.s32 $0x0;
	s20 =	sshll.u32 s5, $0x1;
	s5 =	sadd.s32 s21, s3  }
0x9d: {  	[timem:s7], [sflag:s22] =	dma.local [hbm:s5], s20  }
0x9e: {  	_ =	swait.ge [sflag:s22], s20  }
0x9f: {  	s4 =	ssub.s32 $0x0, s20;
	[sflag:s22] =	ssyncset.done $0x0  }
0xa0: {  	[sflag:s22] =	ssyncadd.s32 s4;
	_ =	sdelay $0x1  }
0xa1: {  	s23 =	simm.s32 $0x1B8B  }
0xa2: {  	_ =	swait.ge [sflag:s23], $0x1  }
0xa3: {  	[sflag:s23] =	ssyncset.done $0x0  }
0xa4: {  	s25 =	simm.s32 $0x1B8E;
	s24 =	sld [smem:$0x3FFE];
	[sflag:s23] =	ssyncadd.s32 $0xFFFFFFFF  }
0xa5: {  	s26 =	simm.s32 $execute0_lowered;
	[smem:$0x3FD2] =	sst s25  }
0xa6: {  	s5 =	sshll.u32 s26, $0x1;
	_ =	strace $0x8000004C;
	[dreg:$0x1] =	wrdreg $0xFFFFFFFF  }
0xa7: {  	s28 =	simm.s32 $_size_execute0_lowered;
	s3 =	sadd.s32 s3, s5;
	[dreg:$0x0] =	wrdreg $0x0  }
0xa8: {  	s5 =	sshll.u32 s28, $0x1;
	[dreg:$0x2] =	wrdreg s3  }
0xa9: {  	[dreg:$0x3] =	wrdreg s5  }
0xaa: {  	[dreg:$0x4] =	wrdreg $0xC0  }
0xab: {  	_ =	task [dreg:s7], $0x5FFFF  }
0xac: {  	[dreg:$0x1] =	wrdreg $0xFFFFFFFF  }
0xad: {  	[dreg:$0x0] =	wrdreg $0x60  }
0xae: {  	[dreg:$0x2] =	wrdreg s24  }
0xaf: {  	[dreg:$0x3] =	wrdreg s2  }
0xb0: {  	[dreg:$0x4] =	wrdreg $0x9  }
0xb1: {  	_ =	task.clear_ibuf [dreg:s7], $0x5FFFF;
	_ =	strace $0x9000004C  }
0xb2: {  	s29 =	simm.s32 $0x9;
	_ =	strace $0x8000004E  }
0xb3: {  	_ =	swait.ge [sflag:s29], $0x1  }
0xb4: {  	[sflag:s29] =	ssyncadd.s32 $0xFFFFFFFF  }
0xb5: {  	_ =	strace $0x9000004E  }
0xb6: {  	_ =	sfence  }
0xb7: {  	s30 =	sld [smem:$0x0];
	_ =	sdelay $0x2  }
0xb8: {  	s31 =	sshll.u32 s1, $0xD;
	s1 =	sshrl.u32 s1, $0x2  }
0xb9: {  	s3 =	sand.u32 $0x4000, s31;
	s1 =	sadd.s32 s1, s30  }
0xba: {  	s0 =	sor.u32 s3, s0;
	s1 =	sshll.u32 s1, $0x11  }
0xbb: {  	s0 =	sor.u32 s1, s0  }
0xbc: {  	s0 =	sadd.s32 $0x8F2B, s0  }
0xbd: {  	[sflag:s0] =	ssyncadd.remote.s32 $0x1  }
0xbe: {  	_ =	sfence.sel $0xFFFF  }
0xbf: {  	[dreg:$0x0] =	wrdreg $0xFFFFFFFF;
	(pc) =	sbr.abs _section_cstart, $3  }
0xc0: {  	[dreg:$0x1] =	wrdreg $0xFFFFFFFF  }
0xc1: {  	_ =	task.clear_ibuf [dreg:s7], $0x2FFFF;
	_ =	strace $0x9FFFFFFF  }
0xc2: {  	(tm) =	ssettm $0x7FFFFFFF  }
0xc3: {  	_ =	shalt  }
tec
execute0_lowered:
.L_overlay_start_1:
0x0: {  	(tag) =	ssettag $0x1  }
0x1: {  	s4 =	rddreg [dreg:$0x0]  }
0x2: {  	s5 =	rddreg [dreg:$0x1]  }
0x3: {  	s0 =	rddreg [dreg:$0x2];
	s3 =	srdreg.scid  }
0x4: {  	s2 =	simm.s32 $0x0;
	s1 =	stileid.u32;
	s10 =	simm.s32 $0x0  }
0x5: {  	s6 =	sand.u32 $0x1, s3;
	[smem:$0x7FF] =	sst s2;
	s29 =	sshll.u32 s1, $0xB  }
0x6: {  	s3 =	sadd.s32 $0x3600, s4;
	s31 =	sshll.u32 s1, $0xE;
	s7 =	sshll.u32 s6, $0xA  }
0x7: {  	_ =	strace $0x8000004D;
	s8 =	ssub.s32 $0x2, s6;
	s5 =	sadd.s32 s31, s5  }
0x8: {  	s6 =	sshll.u32 s6, $0xD;
	s7 =	sor.u32 s7, s29;
	s9 =	sshrl.u32 s8, $0x1  }
0x9: {  	s5 =	sadd.s32 s6, s5;
	s7 =	sshrl.u32 s7, $0x3;
	s30 =	ssub.s32 s8, s9  }
0xa: {  	s8 =	simm.s32 $0x80;
	s9 =	simm.s32 $0x1;
	s7 =	sadd.s32 s7, s4  }
0xb: {  	s4 =	smax.u32 s30, $0x1;
	s6 =	sadd.s32 $0xB600, s7;
	s7 =	simm.s32 $0x2  }
.LBB2_1:
0xc: {  	s11 =	sadd.s32 $0x0, s6  }
0xd: {  	[tilespmem:s2], [sflag:$0x2] =	stream.linear.gather [hbm4b:s11+s2], $0x80, $0x38;
	[tilespmem:$0x2080] =	vst v63  }
0xe: {  	_ =	swait.ge [sflag:s7], $0x80  }
0xf: {  	[sflag:s7] =	ssyncset.done $0x0  }
0x10: {  	[sflag:s7] =	ssyncadd.s32 $0xFFFFFF80  }
0x11: {  	[tilespmem:s8], [sflag:$0x1] =	stream.indirect.gather [hbm4b:s3+s8], $0x40, s2, s8, $0xb8;
	[tilespmem:$0x2080] =	vst v63  }
0x12: {  	_ =	swait.ge [sflag:s9], $0x2000  }
0x13: {  	[sflag:s9] =	ssyncset.done $0x0  }
0x14: {  	[sflag:s9] =	ssyncadd.s32 $0xFFFFE000  }
0x15: {  	[hbm4b:s5+s2] =	stream.linear.scatter [tilespmem:s8], [sflag:$0x2], $0x2000, $0x38;
	[tilespmem:$0x2080] =	vst v63  }
0x16: {  	s12 =	simm.s32 $0x10;
	_ =	swait.ge [sflag:s7], $0x2000  }
0x17: {  	s13 =	simm.s32 $0x20;
	s11 =	sadd.s32 $0x400, s5;
	[sflag:s7] =	ssyncset.done $0x0  }
.LBB2_2:
0x18: {  	s14 =	sadd.s32 s12, s6  }
0x19: {  	[sflag:s7] =	ssyncadd.s32 $0xFFFFE000;
	s12 =	smov.u32 s13;
	s15 =	sadd.s32 $0x10, s13  }
0x1a: {  	[tilespmem:s2], [sflag:$0x2] =	stream.linear.gather [hbm4b:s14+s2], $0x80, $0x38;
	[tilespmem:$0x2080] =	vst v63  }
0x1b: {  	p0 =	sne.s32 s13, $0x70;
	_ =	swait.ge [sflag:s7], $0x80  }
0x1c: {  	[sflag:s7] =	ssyncset.done $0x0  }
0x1d: {  	[sflag:s7] =	ssyncadd.s32 $0xFFFFFF80  }
0x1e: {  	[tilespmem:s8], [sflag:$0x1] =	stream.indirect.gather [hbm4b:s3+s8], $0x40, s2, s8, $0xb8;
	[tilespmem:$0x2080] =	vst v63  }
0x1f: {  	_ =	swait.ge [sflag:s9], $0x2000  }
.Ltmp0:
0x20: {  	[sflag:s9] =	ssyncset.done $0x0;
	(pc) =	sbr.rel @p0 .LBB2_2-.Ltmp0, $4  }
0x21: {  	[sflag:s9] =	ssyncadd.s32 $0xFFFFE000  }
0x22: {  	[hbm4b:s11+s2] =	stream.linear.scatter [tilespmem:s8], [sflag:$0x2], $0x2000, $0x38;
	[tilespmem:$0x2080] =	vst v63  }
0x23: {  	_ =	swait.ge [sflag:s7], $0x2000  }
0x24: {  	s13 =	smov.u32 s15;
	s11 =	sadd.s32 $0x400, s11;
	[sflag:s7] =	ssyncset.done $0x0  }
0x25: {  	s12 =	sadd.s32 s12, s6;
	[sflag:s7] =	ssyncadd.s32 $0xFFFFE000  }
0x26: {  	[tilespmem:s2], [sflag:$0x2] =	stream.linear.gather [hbm4b:s12+s2], $0x80, $0x38;
	[tilespmem:$0x2080] =	vst v63  }
0x27: {  	_ =	swait.ge [sflag:s7], $0x80  }
0x28: {  	[sflag:s7] =	ssyncset.done $0x0  }
0x29: {  	[sflag:s7] =	ssyncadd.s32 $0xFFFFFF80  }
0x2a: {  	[tilespmem:s8], [sflag:$0x1] =	stream.indirect.gather [hbm4b:s3+s8], $0x40, s2, s8, $0xb8;
	[tilespmem:$0x2080] =	vst v63  }
0x2b: {  	s10 =	sadd.s32 $0x1, s10;
	_ =	swait.ge [sflag:s9], $0x2000  }
0x2c: {  	p0 =	sne.s32 s10, s4;
	[sflag:s9] =	ssyncset.done $0x0  }
.Ltmp1:
0x2d: {  	[sflag:s9] =	ssyncadd.s32 $0xFFFFE000;
	(pc) =	sbr.rel @p0 .LBB2_1-.Ltmp1, $4  }
0x2e: {  	[hbm4b:s11+s2] =	stream.linear.scatter [tilespmem:s8], [sflag:$0x2], $0x2000, $0x38;
	[tilespmem:$0x2080] =	vst v63  }
0x2f: {  	_ =	swait.ge [sflag:s7], $0x2000  }
0x30: {  	[sflag:s7] =	ssyncset.done $0x0  }
0x31: {  	[sflag:s7] =	ssyncadd.s32 $0xFFFFE000  }
0x32: {  	_ =	sfence.sel $0x180000  }
0x33: {  	[bflag:$0x0] =	sbarrier.arrive $0xFFFF  }
0x34: {  	p0 =	sne.s32 s1, $0x0;
	_ =	strace $0x9000004D  }
0x35: {  	s0 =	sadd.s32 @!p0 $0x100000, s0;
	[bflag:$0x2] =	sbarrier.arrive $0xFFFF  }
0x36: {  	[sflag:s0] =	ssyncadd.tile.s32 @!p0 $0x1;
	_ =	shalt  }
.Lfunc_end2:
_tile_overlayer_lowered:
.L_overlay_start_2:
0x37: {  	(tag) =	ssettag $0x2  }
0x38: {  	s0 =	rddreg [dreg:$0x0];
	s2 =	stileid.u32  }
0x39: {  	s1 =	rddreg [dreg:$0x1];
	p0 =	sne.s32 s2, $0x0  }
0x3a: {  	s3 =	rddreg [dreg:$0x2];
	[bflag:$0x3] =	sbarrier.arrive $0xFFFF;
	s2 =	simm.s32 @!p0 $0x1C02  }
0x3b: {  	[timem:s3], [sflag:s2] =	dma.local @!p0 [hbm:s0], s1  }
0x3c: {  	s0 =	simm.s32 @!p0 $0x2  }
0x3d: {  	_ =	swait.ge @!p0 [sflag:s0], s1  }
0x3e: {  	s1 =	ssub.s32 @!p0 $0x0, s1;
	[sflag:s0] =	ssyncset.done @!p0 $0x0  }
0x3f: {  	[sflag:s0] =	ssyncadd.s32 @!p0 s1  }
0x40: {  	[bflag:$0x3] =	sbarrier.arrive $0xFFFF  }
0x41: {  	_ =	shalt  }

// kernel: kernel.25.cloned.1.call-start
scs
__scs_entry_jumppad:
0x0: {  	(pc) =	sbr.rel $0x88, $3  }
0x1: {  	(tag) =	ssettag $0x0;
	lr =	simm.s32 $0x1  }
0x2: {  	[smem:$0x3F97] =	sst lr;
	_ =	strace $0xD0000000  }
0x3: {  	_ = 	snop  }
0x4: {  	_ = 	snop  }
0x5: {  	_ = 	snop  }
0x6: {  	_ = 	snop  }
0x7: {  	_ = 	snop  }
__scs_overlays_trampoline_lowered:
0x8: {  	[smem:$0x3FA6] =	sst s0  }
0x9: {  	[smem:$0x3FA7] =	sst s1  }
0xa: {  	[smem:$0x3FA8] =	sst s2  }
0xb: {  	[smem:$0x3FA9] =	sst s3  }
0xc: {  	[smem:$0x3FAA] =	sst s4  }
0xd: {  	[smem:$0x3FAB] =	sst s5  }
0xe: {  	[smem:$0x3FAC] =	sst s6  }
0xf: {  	[smem:$0x3FAD] =	sst s7  }
0x10: {  	[smem:$0x3FAE] =	sst s8  }
0x11: {  	[smem:$0x3FAF] =	sst s9;
	s0 =	simm.s32 @!p0 $0x0  }
0x12: {  	s1 =	sld [smem:$0x3F95];
	s0 =	simm.s32 @p0 $0x1  }
0x13: {  	[smem:$0x3FB0] =	sst s0;
	s0 =	simm.s32 @!p1 $0x0  }
0x14: {  	s2 =	sld [smem:$0x3F94];
	s0 =	simm.s32 @p1 $0x1  }
0x15: {  	[smem:$0x3FB1] =	sst s0;
	s0 =	simm.s32 @!p2 $0x0  }
0x16: {  	s3 =	sld [smem:$0x3FDB];
	s0 =	simm.s32 @p2 $0x1  }
0x17: {  	s4 =	simm.s32 $0x1BF5;
	[smem:$0x3FB3] =	sst s0  }
0x18: {  	s0 =	sld [smem:$0x3F96];
	_ =	swait.ge [sflag:s4], $0x0  }
0x19: {  	s7 =	sld [smem:$0x3F97]  }
0x1a: {  	s8 =	sadd.s32 $0xFFFFE003, lr  }
0x1b: {  	s9 =	sadd.s32 $0xFFFFFEF7, lr;
	s5 =	simm.s32 $0xFFFFFFFF;
	p2 =	slt.u32 s8, $0xFFFFF086  }
0x1c: {  	p1 =	slt.u32 s9, $0xF7A;
	s5 =	simm.s32 @!p2 $0x0  }
0x1d: {  	s5 =	simm.s32 @p1 $0x1;
	p0 =	seq.s32 s7, s2  }
0x1e: {  	s7 =	smul.u32 @!p0 $0xF7A, s2;
	p2 =	seq.s32 @!p0 s5, $0x0  }
0x1f: {  	s9 =	smul.u32 $0xF7A, s1;
	s8 =	simm.s32 @!p0 $0x1BF5;
	p2 =	por !p2, p0  }
0x20: {  	[sflag:s8] =	ssyncset.s32 @!p0 $0xFFFFF086;
	s6 =	sadd.s32 @!p0 s3, s7;
	s7 =	simm.s32 @!p0 $0x108  }
0x21: {  	s3 =	sadd.s32 s3, s9;
	s6 =	sadd.s32 @!p0 $0x88, s6;
	s7 =	simm.s32 @p2 $0x1082  }
0x22: {  	[simem:s7], [sflag:s8] =	dma.local @!p0 [hbm:s6], $0xF7A  }
0x23: {  	s9 =	sor.u32 $0xD0000000, s2;
	s6 =	simm.s32 $0x108;
	_ =	swait.ge @!p0 [sflag:s8], $0x0  }
0x24: {  	s3 =	sadd.s32 $0x88, s3;
	s6 =	simm.s32 @!p1 $0x1082;
	[sflag:s4] =	ssyncset.s32 $0xFFFFF086  }
0x25: {  	[simem:s6], [sflag:s4] =	dma.local [hbm:s3], $0xF7A  }
0x26: {  	[smem:$0x3F97] =	sst s1;
	(tag) =	ssettag s2;
	_ =	strace s9  }
0x27: {  	s1 =	sld [smem:$0x3FA7]  }
0x28: {  	s2 =	sld [smem:$0x3FA8]  }
0x29: {  	s4 =	sld [smem:$0x3FAA]  }
0x2a: {  	p0 =	seq.s32 s5, $0x0;
	s5 =	sld [smem:$0x3FAB]  }
0x2b: {  	s6 =	sld [smem:$0x3FAC]  }
0x2c: {  	s7 =	sld [smem:$0x3FAD]  }
0x2d: {  	s3 =	simm.s32 $0x108;
	s8 =	sld [smem:$0x3FAE]  }
0x2e: {  	s3 =	simm.s32 @!p0 $0x1082;
	s9 =	sld [smem:$0x3FAF]  }
0x2f: {  	lr =	sadd.s32 s0, s3;
	s0 =	sld [smem:$0x3FA6]  }
0x30: {  	s3 =	sld [smem:$0x3FA9]  }
0x31: {  	[smem:$0x3FB2] =	sst s10  }
0x32: {  	s10 =	sld [smem:$0x3FB0];
	_ =	sdelay $0x3  }
0x33: {  	p0 =	seq.s32 s10, $0x1;
	s10 =	sld [smem:$0x3FB2];
	_ =	sdelay $0x3  }
0x34: {  	[smem:$0x3FB2] =	sst s10  }
0x35: {  	s10 =	sld [smem:$0x3FB1];
	_ =	sdelay $0x3  }
0x36: {  	p1 =	seq.s32 s10, $0x1;
	s10 =	sld [smem:$0x3FB2];
	_ =	sdelay $0x3  }
0x37: {  	[smem:$0x3FB2] =	sst s10  }
0x38: {  	s10 =	sld [smem:$0x3FB3]  }
0x39: {  	_ = 	snop;
	(pc) =	sbr.ind lr, $3  }
0x3a: {  	_ = 	snop  }
0x3b: {  	_ = 	snop  }
0x3c: {  	p2 =	seq.s32 s10, $0x1;
	s10 =	sld [smem:$0x3FB2]  }
0x3d: {  	_ =	shalt  }
0x3e: {  	_ =	shalt  }
0x3f: {  	_ =	shalt  }
0x40: {  	_ =	shalt  }
0x41: {  	_ =	shalt  }
0x42: {  	_ =	shalt  }
0x43: {  	_ =	shalt  }
0x44: {  	_ =	shalt  }
0x45: {  	_ =	shalt  }
0x46: {  	_ =	shalt  }
0x47: {  	_ =	shalt  }
0x48: {  	_ =	shalt  }
0x49: {  	_ =	shalt  }
0x4a: {  	_ =	shalt  }
0x4b: {  	_ =	shalt  }
0x4c: {  	_ =	shalt  }
0x4d: {  	_ =	shalt  }
0x4e: {  	_ =	shalt  }
0x4f: {  	_ =	shalt  }
0x50: {  	_ =	shalt  }
0x51: {  	_ =	shalt  }
0x52: {  	_ =	shalt  }
0x53: {  	_ =	shalt  }
0x54: {  	_ =	shalt  }
0x55: {  	_ =	shalt  }
0x56: {  	_ =	shalt  }
0x57: {  	_ =	shalt  }
0x58: {  	_ =	shalt  }
0x59: {  	_ =	shalt  }
0x5a: {  	_ =	shalt  }
0x5b: {  	_ =	shalt  }
0x5c: {  	_ =	shalt  }
0x5d: {  	_ =	shalt  }
0x5e: {  	_ =	shalt  }
0x5f: {  	_ =	shalt  }
0x60: {  	_ =	shalt  }
0x61: {  	_ =	shalt  }
0x62: {  	_ =	shalt  }
0x63: {  	_ =	shalt  }
0x64: {  	_ =	shalt  }
0x65: {  	_ =	shalt  }
0x66: {  	_ =	shalt  }
0x67: {  	_ =	shalt  }
0x68: {  	_ =	shalt  }
0x69: {  	_ =	shalt  }
0x6a: {  	_ =	shalt  }
0x6b: {  	_ =	shalt  }
0x6c: {  	_ =	shalt  }
0x6d: {  	_ =	shalt  }
0x6e: {  	_ =	shalt  }
0x6f: {  	_ =	shalt  }
0x70: {  	_ =	shalt  }
0x71: {  	_ =	shalt  }
0x72: {  	_ =	shalt  }
0x73: {  	_ =	shalt  }
0x74: {  	_ =	shalt  }
0x75: {  	_ =	shalt  }
0x76: {  	_ =	shalt  }
0x77: {  	_ =	shalt  }
0x78: {  	_ =	shalt  }
0x79: {  	_ =	shalt  }
0x7a: {  	_ =	shalt  }
0x7b: {  	_ =	shalt  }
0x7c: {  	_ =	shalt  }
0x7d: {  	_ =	shalt  }
0x7e: {  	_ =	shalt  }
0x7f: {  	_ =	shalt  }
0x80: {  	_ =	shalt  }
0x81: {  	_ =	shalt  }
0x82: {  	_ =	shalt  }
0x83: {  	_ =	shalt  }
0x84: {  	_ =	shalt  }
0x85: {  	_ =	shalt  }
0x86: {  	_ =	shalt  }
0x87: {  	_ =	shalt  }
.Lfunc_end0:
.L_simem_size_0:
called_computation.3_lowered:
.L_overlay_start_0:
0x88: {  	s2 =	sld [smem:$0x3FD9]  }
0x89: {  	s3 =	sld [smem:$0x3FFE];
	_ =	sdelay $0x1  }
0x8a: {  	s1 =	srdreg.scid  }
0x8b: {  	s0 =	sand.u32 $0x1, s1  }
0x8c: {  	s17 =	sshll.u32 s0, $0xA;
	s2 =	sadd.s32 s3, s2  }
0x8d: {  	s2 =	sadd.s32 s2, s17  }
0x8e: {  	[smem:$0x3FBE] =	sst s2  }
0x8f: {  	_ = 	snop  }
0x90: {  	s2 =	sld [smem:$0x3FD0];
	(tm) =	ssettm $0x1  }
0x91: {  	s18 =	sld [smem:$0x3FFB];
	_ =	sdelay $0x3  }
0x92: {  	_ =	strace s18  }
0x93: {  	s3 =	sld [smem:$0x3FFC];
	_ =	sdelay $0x3  }
0x94: {  	_ =	strace s3  }
0x95: {  	s3 =	sld [smem:$0x3FFD];
	_ =	sdelay $0x3  }
0x96: {  	_ =	strace s3  }
0x97: {  	_ =	strace $0x8FFFFFFF  }
0x98: {  	s19 =	sld [smem:$0x3FDB];
	_ =	sdelay $0x1  }
0x99: {  	s4 =	simm.s32 $_scs_section_size  }
0x9a: {  	s5 =	simm.s32 $_size__tile_overlayer_lowered;
	s6 =	simm.s32 $_tile_overlayer_lowered  }
0x9b: {  	s22 =	simm.s32 $0x1BFF;
	s21 =	sshll.u32 s6, $0x1;
	s3 =	sadd.s32 s4, s19  }
0x9c: {  	s7 =	simm.s32 $0x0;
	s20 =	sshll.u32 s5, $0x1;
	s5 =	sadd.s32 s21, s3  }
0x9d: {  	[timem:s7], [sflag:s22] =	dma.local [hbm:s5], s20  }
0x9e: {  	_ =	swait.ge [sflag:s22], s20  }
0x9f: {  	s4 =	ssub.s32 $0x0, s20;
	[sflag:s22] =	ssyncset.done $0x0  }
0xa0: {  	[sflag:s22] =	ssyncadd.s32 s4;
	_ =	sdelay $0x1  }
0xa1: {  	s23 =	simm.s32 $0x1B8B  }
0xa2: {  	_ =	swait.ge [sflag:s23], $0x1  }
0xa3: {  	[sflag:s23] =	ssyncset.done $0x0  }
0xa4: {  	s25 =	simm.s32 $0x1B8E;
	s24 =	sld [smem:$0x3FFE];
	[sflag:s23] =	ssyncadd.s32 $0xFFFFFFFF  }
0xa5: {  	s26 =	simm.s32 $execute0_lowered;
	[smem:$0x3FD2] =	sst s25  }
0xa6: {  	s5 =	sshll.u32 s26, $0x1;
	_ =	strace $0x8000004F;
	[dreg:$0x1] =	wrdreg $0xFFFFFFFF  }
0xa7: {  	s28 =	simm.s32 $_size_execute0_lowered;
	s3 =	sadd.s32 s3, s5;
	[dreg:$0x0] =	wrdreg $0x0  }
0xa8: {  	s5 =	sshll.u32 s28, $0x1;
	[dreg:$0x2] =	wrdreg s3  }
0xa9: {  	[dreg:$0x3] =	wrdreg s5  }
0xaa: {  	[dreg:$0x4] =	wrdreg $0xC0  }
0xab: {  	_ =	task [dreg:s7], $0x5FFFF  }
0xac: {  	[dreg:$0x1] =	wrdreg $0xFFFFFFFF  }
0xad: {  	[dreg:$0x0] =	wrdreg $0x60  }
0xae: {  	[dreg:$0x2] =	wrdreg s2  }
0xaf: {  	[dreg:$0x3] =	wrdreg s24  }
0xb0: {  	[dreg:$0x4] =	wrdreg $0x9  }
0xb1: {  	_ =	task.clear_ibuf [dreg:s7], $0x5FFFF;
	_ =	strace $0x9000004F  }
0xb2: {  	s29 =	simm.s32 $0x9;
	_ =	strace $0x80000051  }
0xb3: {  	_ =	swait.ge [sflag:s29], $0x1  }
0xb4: {  	[sflag:s29] =	ssyncadd.s32 $0xFFFFFFFF  }
0xb5: {  	_ =	strace $0x90000051  }
0xb6: {  	_ =	sfence  }
0xb7: {  	s30 =	sld [smem:$0x0];
	_ =	sdelay $0x2  }
0xb8: {  	s31 =	sshll.u32 s1, $0xD;
	s1 =	sshrl.u32 s1, $0x2  }
0xb9: {  	s3 =	sand.u32 $0x4000, s31;
	s1 =	sadd.s32 s1, s30  }
0xba: {  	s0 =	sor.u32 s3, s0;
	s1 =	sshll.u32 s1, $0x11  }
0xbb: {  	s0 =	sor.u32 s1, s0  }
0xbc: {  	s0 =	sadd.s32 $0x8F2B, s0  }
0xbd: {  	[sflag:s0] =	ssyncadd.remote.s32 $0x1  }
0xbe: {  	_ =	sfence.sel $0xFFFF  }
0xbf: {  	[dreg:$0x0] =	wrdreg $0xFFFFFFFF;
	(pc) =	sbr.abs _section_cstart, $3  }
0xc0: {  	[dreg:$0x1] =	wrdreg $0xFFFFFFFF  }
0xc1: {  	_ =	task.clear_ibuf [dreg:s7], $0x2FFFF;
	_ =	strace $0x9FFFFFFF  }
0xc2: {  	(tm) =	ssettm $0x7FFFFFFF  }
0xc3: {  	_ =	shalt  }
tec
execute0_lowered:
.L_overlay_start_1:
0x0: {  	(tag) =	ssettag $0x1  }
0x1: {  	s1 =	srdreg.scid  }
0x2: {  	s2 =	rddreg [dreg:$0x0];
	s0 =	stileid.u32;
	s14 =	sand.u32 $0x1, s1  }
0x3: {  	s8 =	rddreg [dreg:$0x1];
	s4 =	sshll.u32 s0, $0xA;
	s5 =	sshll.u32 s14, $0x9  }
0x4: {  	s3 =	simm.s32 $0x0;
	s1 =	rddreg [dreg:$0x2];
	s13 =	sor.u32 s5, s4  }
0x5: {  	[smem:$0x7FF] =	sst s3;
	s15 =	sadd.s32 $0x3600, s8;
	s4 =	sshrl.u32 s13, $0x3  }
0x6: {  	_ =	strace $0x80000050;
	s5 =	sadd.s32 s15, s4;
	s4 =	simm.s32 $0x2  }
0x7: {  	[tilespmem:s3], [sflag:$0x2] =	stream.linear.gather [hbm4b:s5+s3], $0x80, $0x38;
	[tilespmem:$0x8080] =	vst v63  }
0x8: {  	_ =	swait.ge [sflag:s4], $0x80  }
0x9: {  	[sflag:s4] =	ssyncset.done $0x0  }
0xa: {  	s6 =	simm.s32 $0x80;
	s7 =	simm.s32 $0x1;
	[sflag:s4] =	ssyncadd.s32 $0xFFFFFF80  }
0xb: {  	[tilespmem:s6], [sflag:$0x1] =	stream.indirect.gather [hbm4b:s2+s6], $0x100, s3, s6, $0xb8;
	[tilespmem:$0x8080] =	vst v63  }
0xc: {  	_ =	swait.ge [sflag:s7], $0x8000  }
0xd: {  	s16 =	sadd.s32 $0x3E00, s8;
	s29 =	sshll.u32 s13, $0x5;
	[sflag:s7] =	ssyncset.done $0x0  }
0xe: {  	s8 =	sadd.s32 s16, s29;
	[sflag:s7] =	ssyncadd.s32 $0xFFFF8000  }
0xf: {  	[hbm4b:s8+s3] =	stream.linear.scatter [tilespmem:s6], [sflag:$0x2], $0x8000, $0x38;
	[tilespmem:$0x8080] =	vst v63  }
0x10: {  	s10 =	sor.u32 $0x80, s13;
	_ =	swait.ge [sflag:s4], $0x8000  }
0x11: {  	s9 =	sshrl.u32 s10, $0x3;
	[sflag:s4] =	ssyncset.done $0x0  }
0x12: {  	s9 =	sadd.s32 s15, s9;
	[sflag:s4] =	ssyncadd.s32 $0xFFFF8000  }
0x13: {  	[tilespmem:s3], [sflag:$0x2] =	stream.linear.gather [hbm4b:s9+s3], $0x80, $0x38;
	[tilespmem:$0x8080] =	vst v63  }
0x14: {  	_ =	swait.ge [sflag:s4], $0x80  }
0x15: {  	[sflag:s4] =	ssyncset.done $0x0  }
0x16: {  	[sflag:s4] =	ssyncadd.s32 $0xFFFFFF80  }
0x17: {  	[tilespmem:s6], [sflag:$0x1] =	stream.indirect.gather [hbm4b:s2+s6], $0x100, s3, s6, $0xb8;
	[tilespmem:$0x8080] =	vst v63  }
0x18: {  	_ =	swait.ge [sflag:s7], $0x8000  }
0x19: {  	s10 =	sshll.u32 s10, $0x5;
	[sflag:s7] =	ssyncset.done $0x0  }
0x1a: {  	s10 =	sadd.s32 s16, s10;
	[sflag:s7] =	ssyncadd.s32 $0xFFFF8000  }
0x1b: {  	[hbm4b:s10+s3] =	stream.linear.scatter [tilespmem:s6], [sflag:$0x2], $0x8000, $0x38;
	[tilespmem:$0x8080] =	vst v63  }
0x1c: {  	s12 =	sor.u32 $0x100, s13;
	_ =	swait.ge [sflag:s4], $0x8000  }
0x1d: {  	s11 =	sshrl.u32 s12, $0x3;
	[sflag:s4] =	ssyncset.done $0x0  }
0x1e: {  	s11 =	sadd.s32 s15, s11;
	[sflag:s4] =	ssyncadd.s32 $0xFFFF8000  }
0x1f: {  	[tilespmem:s3], [sflag:$0x2] =	stream.linear.gather [hbm4b:s11+s3], $0x80, $0x38;
	[tilespmem:$0x8080] =	vst v63  }
0x20: {  	_ =	swait.ge [sflag:s4], $0x80  }
0x21: {  	[sflag:s4] =	ssyncset.done $0x0  }
0x22: {  	[sflag:s4] =	ssyncadd.s32 $0xFFFFFF80  }
0x23: {  	[tilespmem:s6], [sflag:$0x1] =	stream.indirect.gather [hbm4b:s2+s6], $0x100, s3, s6, $0xb8;
	[tilespmem:$0x8080] =	vst v63  }
0x24: {  	_ =	swait.ge [sflag:s7], $0x8000  }
0x25: {  	s12 =	sshll.u32 s12, $0x5;
	[sflag:s7] =	ssyncset.done $0x0  }
0x26: {  	s12 =	sadd.s32 s16, s12;
	[sflag:s7] =	ssyncadd.s32 $0xFFFF8000  }
0x27: {  	[hbm4b:s12+s3] =	stream.linear.scatter [tilespmem:s6], [sflag:$0x2], $0x8000, $0x38;
	[tilespmem:$0x8080] =	vst v63  }
0x28: {  	s17 =	sor.u32 $0x180, s13;
	_ =	swait.ge [sflag:s4], $0x8000  }
0x29: {  	s13 =	sshrl.u32 s17, $0x3;
	[sflag:s4] =	ssyncset.done $0x0  }
0x2a: {  	s14 =	ssub.s32 $0x2, s14;
	s13 =	sadd.s32 s15, s13;
	[sflag:s4] =	ssyncadd.s32 $0xFFFF8000  }
0x2b: {  	[tilespmem:s3], [sflag:$0x2] =	stream.linear.gather [hbm4b:s13+s3], $0x80, $0x38;
	[tilespmem:$0x8080] =	vst v63  }
0x2c: {  	s30 =	sshrl.u32 s14, $0x1;
	_ =	swait.ge [sflag:s4], $0x80  }
0x2d: {  	s15 =	ssub.s32 s14, s30;
	[sflag:s4] =	ssyncset.done $0x0  }
0x2e: {  	s15 =	smax.u32 s15, $0x1;
	[sflag:s4] =	ssyncadd.s32 $0xFFFFFF80  }
0x2f: {  	[tilespmem:s6], [sflag:$0x1] =	stream.indirect.gather [hbm4b:s2+s6], $0x100, s3, s6, $0xb8;
	[tilespmem:$0x8080] =	vst v63  }
0x30: {  	p0 =	sne.s32 s15, $0x1;
	_ =	swait.ge [sflag:s7], $0x8000  }
.Ltmp0:
0x31: {  	s31 =	sshll.u32 s17, $0x5;
	[sflag:s7] =	ssyncset.done $0x0;
	(pc) =	sbr.rel @!p0 .LBB2_2-.Ltmp0, $4  }
0x32: {  	s14 =	sadd.s32 s16, s31;
	[sflag:s7] =	ssyncadd.s32 $0xFFFF8000  }
0x33: {  	[hbm4b:s14+s3] =	stream.linear.scatter [tilespmem:s6], [sflag:$0x2], $0x8000, $0x38;
	[tilespmem:$0x8080] =	vst v63  }
0x34: {  	_ =	swait.ge [sflag:s4], $0x8000  }
0x35: {  	s15 =	sadd.s32 $0xFFFFFFFF, s15;
	[sflag:s4] =	ssyncset.done $0x0  }
.LBB2_1:
0x36: {  	p0 =	sne.s32 s15, $0x1;
	s15 =	sadd.s32 $0xFFFFFFFF, s15;
	[sflag:s4] =	ssyncadd.s32 $0xFFFF8000  }
0x37: {  	[tilespmem:s3], [sflag:$0x2] =	stream.linear.gather [hbm4b:s5+s3], $0x80, $0x38;
	[tilespmem:$0x8080] =	vst v63  }
0x38: {  	_ =	swait.ge [sflag:s4], $0x80  }
0x39: {  	[sflag:s4] =	ssyncset.done $0x0  }
0x3a: {  	[sflag:s4] =	ssyncadd.s32 $0xFFFFFF80  }
0x3b: {  	[tilespmem:s6], [sflag:$0x1] =	stream.indirect.gather [hbm4b:s2+s6], $0x100, s3, s6, $0xb8;
	[tilespmem:$0x8080] =	vst v63  }
0x3c: {  	_ =	swait.ge [sflag:s7], $0x8000  }
0x3d: {  	[sflag:s7] =	ssyncset.done $0x0  }
0x3e: {  	[sflag:s7] =	ssyncadd.s32 $0xFFFF8000  }
0x3f: {  	[hbm4b:s8+s3] =	stream.linear.scatter [tilespmem:s6], [sflag:$0x2], $0x8000, $0x38;
	[tilespmem:$0x8080] =	vst v63  }
0x40: {  	_ =	swait.ge [sflag:s4], $0x8000  }
0x41: {  	[sflag:s4] =	ssyncset.done $0x0  }
0x42: {  	[sflag:s4] =	ssyncadd.s32 $0xFFFF8000  }
0x43: {  	[tilespmem:s3], [sflag:$0x2] =	stream.linear.gather [hbm4b:s9+s3], $0x80, $0x38;
	[tilespmem:$0x8080] =	vst v63  }
0x44: {  	_ =	swait.ge [sflag:s4], $0x80  }
0x45: {  	[sflag:s4] =	ssyncset.done $0x0  }
0x46: {  	[sflag:s4] =	ssyncadd.s32 $0xFFFFFF80  }
0x47: {  	[tilespmem:s6], [sflag:$0x1] =	stream.indirect.gather [hbm4b:s2+s6], $0x100, s3, s6, $0xb8;
	[tilespmem:$0x8080] =	vst v63  }
0x48: {  	_ =	swait.ge [sflag:s7], $0x8000  }
0x49: {  	[sflag:s7] =	ssyncset.done $0x0  }
0x4a: {  	[sflag:s7] =	ssyncadd.s32 $0xFFFF8000  }
0x4b: {  	[hbm4b:s10+s3] =	stream.linear.scatter [tilespmem:s6], [sflag:$0x2], $0x8000, $0x38;
	[tilespmem:$0x8080] =	vst v63  }
0x4c: {  	_ =	swait.ge [sflag:s4], $0x8000  }
0x4d: {  	[sflag:s4] =	ssyncset.done $0x0  }
0x4e: {  	[sflag:s4] =	ssyncadd.s32 $0xFFFF8000  }
0x4f: {  	[tilespmem:s3], [sflag:$0x2] =	stream.linear.gather [hbm4b:s11+s3], $0x80, $0x38;
	[tilespmem:$0x8080] =	vst v63  }
0x50: {  	_ =	swait.ge [sflag:s4], $0x80  }
0x51: {  	[sflag:s4] =	ssyncset.done $0x0  }
0x52: {  	[sflag:s4] =	ssyncadd.s32 $0xFFFFFF80  }
0x53: {  	[tilespmem:s6], [sflag:$0x1] =	stream.indirect.gather [hbm4b:s2+s6], $0x100, s3, s6, $0xb8;
	[tilespmem:$0x8080] =	vst v63  }
0x54: {  	_ =	swait.ge [sflag:s7], $0x8000  }
0x55: {  	[sflag:s7] =	ssyncset.done $0x0  }
0x56: {  	[sflag:s7] =	ssyncadd.s32 $0xFFFF8000  }
0x57: {  	[hbm4b:s12+s3] =	stream.linear.scatter [tilespmem:s6], [sflag:$0x2], $0x8000, $0x38;
	[tilespmem:$0x8080] =	vst v63  }
0x58: {  	_ =	swait.ge [sflag:s4], $0x8000  }
0x59: {  	[sflag:s4] =	ssyncset.done $0x0  }
0x5a: {  	[sflag:s4] =	ssyncadd.s32 $0xFFFF8000  }
0x5b: {  	[tilespmem:s3], [sflag:$0x2] =	stream.linear.gather [hbm4b:s13+s3], $0x80, $0x38;
	[tilespmem:$0x8080] =	vst v63  }
0x5c: {  	_ =	swait.ge [sflag:s4], $0x80  }
0x5d: {  	[sflag:s4] =	ssyncset.done $0x0  }
0x5e: {  	[sflag:s4] =	ssyncadd.s32 $0xFFFFFF80  }
0x5f: {  	[tilespmem:s6], [sflag:$0x1] =	stream.indirect.gather [hbm4b:s2+s6], $0x100, s3, s6, $0xb8;
	[tilespmem:$0x8080] =	vst v63  }
0x60: {  	_ =	swait.ge [sflag:s7], $0x8000  }
.Ltmp1:
0x61: {  	[sflag:s7] =	ssyncset.done $0x0;
	(pc) =	sbr.rel @p0 .LBB2_1-.Ltmp1, $4  }
0x62: {  	[sflag:s7] =	ssyncadd.s32 $0xFFFF8000  }
0x63: {  	[hbm4b:s14+s3] =	stream.linear.scatter [tilespmem:s6], [sflag:$0x2], $0x8000, $0x38;
	[tilespmem:$0x8080] =	vst v63  }
0x64: {  	_ =	swait.ge [sflag:s4], $0x8000  }
0x65: {  	[sflag:s4] =	ssyncset.done $0x0  }
.LBB2_2:
0x66: {  	[sflag:s4] =	ssyncadd.s32 $0xFFFF8000  }
0x67: {  	_ =	sfence.sel $0x180000  }
0x68: {  	[bflag:$0x0] =	sbarrier.arrive $0xFFFF  }
0x69: {  	p0 =	sne.s32 s0, $0x0;
	_ =	strace $0x90000050  }
0x6a: {  	s0 =	sadd.s32 @!p0 $0x100000, s1;
	[bflag:$0x2] =	sbarrier.arrive $0xFFFF  }
0x6b: {  	[sflag:s0] =	ssyncadd.tile.s32 @!p0 $0x1;
	_ =	shalt  }
.Lfunc_end2:
_tile_overlayer_lowered:
.L_overlay_start_2:
0x6c: {  	(tag) =	ssettag $0x2  }
0x6d: {  	s0 =	rddreg [dreg:$0x0];
	s2 =	stileid.u32  }
0x6e: {  	s1 =	rddreg [dreg:$0x1];
	p0 =	sne.s32 s2, $0x0  }
0x6f: {  	s3 =	rddreg [dreg:$0x2];
	[bflag:$0x3] =	sbarrier.arrive $0xFFFF;
	s2 =	simm.s32 @!p0 $0x1C02  }
0x70: {  	[timem:s3], [sflag:s2] =	dma.local @!p0 [hbm:s0], s1  }
0x71: {  	s0 =	simm.s32 @!p0 $0x2  }
0x72: {  	_ =	swait.ge @!p0 [sflag:s0], s1  }
0x73: {  	s1 =	ssub.s32 @!p0 $0x0, s1;
	[sflag:s0] =	ssyncset.done @!p0 $0x0  }
0x74: {  	[sflag:s0] =	ssyncadd.s32 @!p0 s1  }
0x75: {  	[bflag:$0x3] =	sbarrier.arrive $0xFFFF  }
0x76: {  	_ =	shalt  }

</sc_bundles>
